<compile_context>
chip_gen: v7x
topology: tpu7x:2x2x1
jax: 0.10.2.dev20260603
libtpu: 0.0.44.dev20260713+nightly
codegen_flags: <defaults>
</compile_context>

<pallas_src>
import functools

import jax
import jax.numpy as jnp
from jax import lax
from jax.experimental import pallas as pl
from jax.experimental.pallas import tpu as pltpu
from jax.experimental.pallas import tpu_sc as plsc

N = 10000
NPAD = 10240
E = 320000
NG = 2
B = 64
HL = 8
NTILES = 16
EP_T = E // NTILES
ECH = 10000
NCH = EP_T // ECH
NP_T = NPAD // NTILES
ROWS = 1024
NBLK = NPAD // ROWS


def _proj_body(x0_ref, x1_ref, w0_ref, w1_ref, p0_ref, p1_ref,
               hsq_ref, cmax_ref):
    i = pl.program_id(0)
    a0 = lax.dot_general(w0_ref[...], p0_ref[...], (((1,), (0,)), ((), ())),
                         preferred_element_type=jnp.float32,
                         precision=lax.Precision.HIGHEST)
    a1 = lax.dot_general(w1_ref[...], p1_ref[...], (((1,), (0,)), ((), ())),
                         preferred_element_type=jnp.float32,
                         precision=lax.Precision.HIGHEST)
    r0 = lax.dot_general(a0, x0_ref[...], (((0,), (1,)), ((), ())),
                         preferred_element_type=jnp.float32,
                         precision=lax.Precision.HIGHEST)
    r1 = lax.dot_general(a1, x1_ref[...], (((0,), (1,)), ((), ())),
                         preferred_element_type=jnp.float32,
                         precision=lax.Precision.HIGHEST)
    valid = (lax.broadcasted_iota(jnp.int32, (3, ROWS), 1) + i * ROWS) < N
    r0z = jnp.where(valid, r0, 0.0)
    r1z = jnp.where(valid, r1, 0.0)
    hsq_ref[0] = r0z
    hsq_ref[1] = r1z
    neg = jnp.float32(-1e30)
    m = jnp.concatenate(
        [jnp.max(jnp.where(valid, r0, neg), axis=1, keepdims=True),
         jnp.max(jnp.where(valid, r1, neg), axis=1, keepdims=True)],
        axis=1)

    @pl.when(i == 0)
    def _():
        cmax_ref[...] = m

    @pl.when(i > 0)
    def _():
        cmax_ref[...] = jnp.maximum(cmax_ref[...], m)


_proj = pl.pallas_call(
    _proj_body,
    grid=(NBLK,),
    in_specs=[
        pl.BlockSpec((ROWS, 128), lambda i: (i, 0)),
        pl.BlockSpec((ROWS, 128), lambda i: (i, 0)),
        pl.BlockSpec((128, 16), lambda i: (0, 0)),
        pl.BlockSpec((128, 16), lambda i: (0, 0)),
        pl.BlockSpec((16, 3), lambda i: (0, 0)),
        pl.BlockSpec((16, 3), lambda i: (0, 0)),
    ],
    out_specs=[
        pl.BlockSpec((NG, 3, ROWS), lambda i: (0, 0, i)),
        pl.BlockSpec((3, NG), lambda i: (0, 0)),
    ],
    out_shape=[
        jax.ShapeDtypeStruct((NG, 3, NPAD), jnp.float32),
        jax.ShapeDtypeStruct((3, NG), jnp.float32),
    ],
)


def _sc_body(hsq, consts, s0, d0, s1, d1, go_out,
             hs_t, hd_t, q_t, src_t, dst_t, num_t, den_t,
             accn, accd, rb, go_t, cst_t, nums_sh, dens_sh):
    c = lax.axis_index("c")
    s = lax.axis_index("s")

    hb = c * (3 * NPAD)
    pltpu.sync_copy(hsq.at[pl.ds(hb, NPAD)], hs_t)
    pltpu.sync_copy(hsq.at[pl.ds(hb + NPAD, NPAD)], hd_t)
    pltpu.sync_copy(hsq.at[pl.ds(hb + 2 * NPAD, NPAD)], q_t)
    pltpu.sync_copy(consts.at[pl.ds(c * 32, 32)], cst_t)

    cvec = cst_t[pl.ds(0, 16)]
    bvec = cst_t[pl.ds(16, 16)]

    zero16 = jnp.zeros((16,), jnp.float32)

    def zero_body(i, carry):
        sl = pl.ds(i * 16, 16)
        num_t[sl] = zero16
        den_t[sl] = zero16
        return carry

    lax.fori_loop(0, NPAD // 16, zero_body, 0)

    eb = s * EP_T

    def edge_body(i, carry):
        sl = pl.ds(i * 16, 16)
        sidx = src_t[sl]
        didx = dst_t[sl]
        av = plsc.load_gather(hs_t, [sidx])
        bv = plsc.load_gather(hd_t, [didx])
        e = av + bv
        e = jnp.maximum(e, e * 0.2)
        ex = jnp.exp(e - cvec)
        qs = plsc.load_gather(q_t, [sidx])
        plsc.addupdate_scatter(den_t, [didx], ex)
        plsc.addupdate_scatter(num_t, [didx], ex * qs)
        return carry

    for k in range(NCH):
        cb = eb + k * ECH

        @pl.when(c == 0)
        def _():
            pltpu.sync_copy(s0.at[pl.ds(cb, ECH)], src_t)
            pltpu.sync_copy(d0.at[pl.ds(cb, ECH)], dst_t)

        @pl.when(c == 1)
        def _():
            pltpu.sync_copy(s1.at[pl.ds(cb, ECH)], src_t)
            pltpu.sync_copy(d1.at[pl.ds(cb, ECH)], dst_t)

        lax.fori_loop(0, ECH // 16, edge_body, 0)

    pltpu.sync_copy(num_t, nums_sh.at[s])
    pltpu.sync_copy(den_t, dens_sh.at[s])
    plsc.subcore_barrier()

    nb = s * NP_T

    def zacc_body(j, carry):
        sl = pl.ds(j * 16, 16)
        accn[sl] = zero16
        accd[sl] = zero16
        return carry

    lax.fori_loop(0, NP_T // 16, zacc_body, 0)

    for r in range(NTILES):
        pltpu.sync_copy(nums_sh.at[r, pl.ds(nb, NP_T)], rb)

        def addn_body(j, carry):
            sl = pl.ds(j * 16, 16)
            accn[sl] = accn[sl] + rb[sl]
            return carry

        lax.fori_loop(0, NP_T // 16, addn_body, 0)
        pltpu.sync_copy(dens_sh.at[r, pl.ds(nb, NP_T)], rb)

        def addd_body(j, carry):
            sl = pl.ds(j * 16, 16)
            accd[sl] = accd[sl] + rb[sl]
            return carry

        lax.fori_loop(0, NP_T // 16, addd_body, 0)

    def node_body(j, carry):
        sl = pl.ds(j * 16, 16)
        gsl = pl.ds(nb + j * 16, 16)
        hv = hs_t[gsl]
        dv = hd_t[gsl]
        qv = q_t[gsl]
        es = hv + dv
        es = jnp.maximum(es, es * 0.2)
        exs = jnp.exp(es - cvec)
        dtot = accd[sl] + exs
        ntot = accn[sl] + exs * qv
        dtot = jnp.where(dtot == 0.0, 1.0, dtot)
        go_t[sl] = ntot / dtot + bvec
        return carry

    lax.fori_loop(0, NP_T // 16, node_body, 0)
    pltpu.sync_copy(go_t, go_out.at[pl.ds(c * NPAD + nb, NP_T)])


_sc = pl.kernel(
    _sc_body,
    out_type=jax.ShapeDtypeStruct((NG * NPAD,), jnp.float32),
    mesh=plsc.VectorSubcoreMesh(core_axis_name="c", subcore_axis_name="s"),
    compiler_params=pltpu.CompilerParams(needs_layout_passes=False),
    scratch_types=[
        pltpu.VMEM((NPAD,), jnp.float32),
        pltpu.VMEM((NPAD,), jnp.float32),
        pltpu.VMEM((NPAD,), jnp.float32),
        pltpu.VMEM((ECH,), jnp.int32),
        pltpu.VMEM((ECH,), jnp.int32),
        pltpu.VMEM((NPAD,), jnp.float32),
        pltpu.VMEM((NPAD,), jnp.float32),
        pltpu.VMEM((NP_T,), jnp.float32),
        pltpu.VMEM((NP_T,), jnp.float32),
        pltpu.VMEM((NP_T,), jnp.float32),
        pltpu.VMEM((NP_T,), jnp.float32),
        pltpu.VMEM((32,), jnp.float32),
        pltpu.VMEM_SHARED((NTILES, NPAD), jnp.float32),
        pltpu.VMEM_SHARED((NTILES, NPAD), jnp.float32),
    ],
)


def _post_body(go_ref, plo_ref, phi_ref, winv_ref,
               w0_ref, b0_ref, wi_ref, bi_ref, wf_ref, bf_ref, out_ref):
    io = lax.broadcasted_iota(jnp.int32, (B, NPAD), 1)
    ps = []
    for g in range(NG):
        lo = plo_ref[g]
        hi = phi_ref[g]
        wv = winv_ref[g]
        m = jnp.where((io >= lo) & (io < hi), wv, 0.0)
        gv = go_ref[g:g + 1]
        ps.append(jnp.sum(m * gv, axis=1, keepdims=True))
    pcat = jnp.concatenate(ps, axis=1)

    weff = w0_ref[...]
    beff = b0_ref[...]
    for j in range(HL):
        wj = wi_ref[j]
        weff = lax.dot_general(weff, wj, (((1,), (0,)), ((), ())),
                               preferred_element_type=jnp.float32,
                         precision=lax.Precision.HIGHEST)
        beff = lax.dot_general(beff, wj, (((1,), (0,)), ((), ())),
                               preferred_element_type=jnp.float32,
                         precision=lax.Precision.HIGHEST) + bi_ref[j:j + 1]
    weff = lax.dot_general(weff, wf_ref[...], (((1,), (0,)), ((), ())),
                           preferred_element_type=jnp.float32,
                         precision=lax.Precision.HIGHEST)
    beff = lax.dot_general(beff, wf_ref[...], (((1,), (0,)), ((), ())),
                           preferred_element_type=jnp.float32,
                         precision=lax.Precision.HIGHEST) + bf_ref[...]
    out_ref[...] = lax.dot_general(pcat, weff, (((1,), (0,)), ((), ())),
                                   preferred_element_type=jnp.float32,
                         precision=lax.Precision.HIGHEST) + beff


_post = pl.pallas_call(
    _post_body,
    out_shape=jax.ShapeDtypeStruct((B, NG), jnp.float32),
)


def kernel(x0, x1, edge_index0, edge_index1, ptr0, ptr1, params):
    f32 = jnp.float32
    p0 = jnp.stack([params["gat_asrc"][0], params["gat_adst"][0],
                    params["post_w"][0][:, 0]], axis=1)
    p1 = jnp.stack([params["gat_asrc"][1], params["gat_adst"][1],
                    params["post_w"][1][:, 0]], axis=1)

    hsq, cmax = _proj(x0.astype(f32), x1.astype(f32),
                      params["gat_W"][0], params["gat_W"][1], p0, p1)

    cval = cmax[0] + cmax[1]
    cbias = (jnp.einsum("gh,gh->g", params["gat_b"],
                        params["post_w"][:, :, 0]) + params["post_b"][:, 0])
    consts = jnp.broadcast_to(
        jnp.stack([cval, cbias], axis=1)[:, :, None], (NG, 2, 16)
    ).astype(f32).reshape(-1)

    ei0 = edge_index0.astype(jnp.int32)
    ei1 = edge_index1.astype(jnp.int32)
    go = _sc(hsq.reshape(-1), consts,
             ei0[0].reshape(-1), ei0[1].reshape(-1),
             ei1[0].reshape(-1), ei1[1].reshape(-1))
    go = go.reshape(NG, NPAD)

    ptr_s = jnp.stack([ptr0, ptr1]).astype(jnp.int32)
    plo = ptr_s[:, :B][:, :, None]
    phi = ptr_s[:, 1:][:, :, None]
    winv = 1.0 / (phi - plo).astype(f32)

    return _post(go, plo, phi, winv,
                 params["mlp_w0"], params["mlp_b0"].reshape(1, 16),
                 params["mlp_wi"], params["mlp_bi"],
                 params["mlp_wf"], params["mlp_bf"].reshape(1, NG))

# --- scband reference (transcript-rebuilt; emitter-appended) ---
"""Pipeline reference for scband-graph-net-55430847922682 (READ-ONLY COPY).

The authoritative reference and input builder live on the scoring server;
editing this copy changes nothing except your own understanding.
"""

import jax, jax.numpy as jnp
import numpy as np

N = 10000
E = 320000
D = 128
H = 16
B = 64
NG = 2
HL = 8
NC = 2


def _make_ptr(key, n, b):
    interior = jnp.sort(jax.random.choice(key, jnp.arange(1, n), shape=(b - 1,), replace=False))
    return jnp.concatenate([jnp.array([0], dtype=interior.dtype), interior, jnp.array([n], dtype=interior.dtype)])


def _glorot(key, shape):
    fan = shape[0] + shape[1] if len(shape) == 2 else 2 * shape[0]
    s = float(np.sqrt(6.0 / fan))
    return jax.random.uniform(key, shape, minval=-s, maxval=s, dtype=jnp.float32)


def setup_inputs(seed: int = 0) -> dict:
    key = jax.random.key(seed)
    ks = jax.random.split(key, 16)
    x0 = jax.random.normal(ks[0], (N, D), dtype=jnp.float32)
    x1 = jax.random.normal(ks[1], (N, D), dtype=jnp.float32)
    edge_index0 = jax.random.randint(ks[2], (2, E), 0, N)
    edge_index1 = jax.random.randint(ks[3], (2, E), 0, N)
    ptr0 = _make_ptr(ks[4], N, B)
    ptr1 = _make_ptr(ks[5], N, B)
    params = {
        "gat_W": jnp.stack([_glorot(ks[6], (D, H)), _glorot(ks[7], (D, H))]),
        "gat_asrc": jnp.stack([_glorot(ks[8], (H,)), _glorot(ks[9], (H,))]),
        "gat_adst": jnp.stack([_glorot(ks[10], (H,)), _glorot(ks[11], (H,))]),
        "gat_b": jnp.zeros((NG, H), dtype=jnp.float32),
        "post_w": jnp.stack([_glorot(ks[12], (H, 1)), _glorot(ks[13], (H, 1))]),
        "post_b": jnp.zeros((NG, 1), dtype=jnp.float32),
        "mlp_w0": _glorot(jax.random.fold_in(key, 100), (NG, H)),
        "mlp_b0": jnp.zeros((H,), dtype=jnp.float32),
        "mlp_wi": jnp.stack([_glorot(jax.random.fold_in(key, 200 + j), (H, H)) for j in range(HL)]),
        "mlp_bi": jnp.zeros((HL, H), dtype=jnp.float32),
        "mlp_wf": _glorot(jax.random.fold_in(key, 300), (H, NC)),
        "mlp_bf": jnp.zeros((NC,), dtype=jnp.float32),
    }
    return {"x0": x0, "x1": x1, "edge_index0": edge_index0, "edge_index1": edge_index1,
            "ptr0": ptr0, "ptr1": ptr1, "params": params}


def _gat(x, ei, W, asrc, adst, b):
    n = x.shape[0]
    loop = jnp.arange(n, dtype=ei.dtype)
    src = jnp.concatenate([ei[0], loop])
    dst = jnp.concatenate([ei[1], loop])
    h = x @ W
    e = jax.nn.leaky_relu((h * asrc).sum(-1)[src] + (h * adst).sum(-1)[dst], 0.2)
    emax = jax.ops.segment_max(e, dst, num_segments=n)
    ex = jnp.exp(e - emax[dst])
    den = jax.ops.segment_sum(ex, dst, num_segments=n)
    alpha = ex / den[dst]
    out = jax.ops.segment_sum(alpha[:, None] * h[src], dst, num_segments=n)
    return out + b


def _seg_mean(v, ptr):
    seg = jnp.searchsorted(ptr, jnp.arange(v.shape[0]), side="right") - 1
    cnt = (ptr[1:] - ptr[:-1]).astype(v.dtype)
    s = jax.ops.segment_sum(v, seg, num_segments=ptr.shape[0] - 1)
    return s / cnt


def reference(x0, x1, edge_index0, edge_index1, ptr0, ptr1, params):
    xs = [x0, x1]
    eis = [edge_index0, edge_index1]
    ptrs = [ptr0, ptr1]
    pooled = []
    for i in range(NG):
        g = _gat(xs[i], eis[i], params["gat_W"][i], params["gat_asrc"][i], params["gat_adst"][i], params["gat_b"][i])
        go = (g @ params["post_w"][i] + params["post_b"][i]).squeeze(-1)
        pooled.append(_seg_mean(go, ptrs[i]))
    p = jnp.stack(pooled, axis=0).T  # [B, NG]
    p = p @ params["mlp_w0"] + params["mlp_b0"]
    for j in range(HL):
        p = p @ params["mlp_wi"][j] + params["mlp_bi"][j]
    p = p @ params["mlp_wf"] + params["mlp_bf"]
    return p

if __name__ == "__main__":
    import jax
    _d = setup_inputs()
    print(jax.jit(kernel)(*tuple(_d.values())))

</pallas_src>

<mosaic_0001>
#map = affine_map<(d0, d1) -> (0)>
module attributes {stable_mosaic.version = 14 : i64} {
  func.func @_sc_body(%arg0: i32, %arg1: i32, %arg2: memref<61440xf32, #tpu.memory_space<hbm>>, %arg3: memref<64xf32, #tpu.memory_space<hbm>>, %arg4: memref<320000xi32, #tpu.memory_space<hbm>>, %arg5: memref<320000xi32, #tpu.memory_space<hbm>>, %arg6: memref<320000xi32, #tpu.memory_space<hbm>>, %arg7: memref<320000xi32, #tpu.memory_space<hbm>>, %arg8: memref<20480xf32, #tpu.memory_space<hbm>>, %arg9: memref<10240xf32, #tpu.memory_space<vmem>>, %arg10: memref<10240xf32, #tpu.memory_space<vmem>>, %arg11: memref<10240xf32, #tpu.memory_space<vmem>>, %arg12: memref<10000xi32, #tpu.memory_space<vmem>>, %arg13: memref<10000xi32, #tpu.memory_space<vmem>>, %arg14: memref<10240xf32, #tpu.memory_space<vmem>>, %arg15: memref<10240xf32, #tpu.memory_space<vmem>>, %arg16: memref<640xf32, #tpu.memory_space<vmem>>, %arg17: memref<640xf32, #tpu.memory_space<vmem>>, %arg18: memref<640xf32, #tpu.memory_space<vmem>>, %arg19: memref<640xf32, #tpu.memory_space<vmem>>, %arg20: memref<32xf32, #tpu.memory_space<vmem>>, %arg21: memref<16x10240xf32, #tpu.memory_space<vmem_shared>>, %arg22: memref<16x10240xf32, #tpu.memory_space<vmem_shared>>) attributes {dimension_semantics = [#tpu.dimension_semantics<core_parallel>, #tpu.dimension_semantics<subcore_parallel>], iteration_bounds = array<i64: 2, 16>, scalar_prefetch = 0 : i64, scratch_operands = 14 : i64, tpu.core_type = #tpu.core_type<sc_vector_subcore>, window_params = [{transform_indices = #map}, {transform_indices = #map}, {transform_indices = #map}, {transform_indices = #map}, {transform_indices = #map}, {transform_indices = #map}, {transform_indices = #map}]} {
    %mul3A = arith.constant 30720 : i32
    %mul3A_0 = arith.muli %arg0, %mul3A : i32
    "tpu.region"() ({
      %run_scoped3A_290 = tpu.sem_alloc : memref<!tpu.dma_semaphore, #tpu.memory_space<semaphore_mem>>
      %dma_start3A = tpu.memref_slice %arg2[%mul3A_0] : memref<61440xf32, #tpu.memory_space<hbm>> -> memref<10240xf32, #tpu.memory_space<hbm>>
      %dma_start3A_291 = tpu.memref_slice %arg2[%mul3A_0] : memref<61440xf32, #tpu.memory_space<hbm>> -> memref<10240xf32, #tpu.memory_space<hbm>>
      tpu.enqueue_dma source(%dma_start3A_291 : memref<10240xf32, #tpu.memory_space<hbm>>) target(%arg9 : memref<10240xf32, #tpu.memory_space<vmem>>) target_semaphore(%run_scoped3A_290 : memref<!tpu.dma_semaphore, #tpu.memory_space<semaphore_mem>>)
      %dma_wait3A = tpu.memref_slice %arg2[%mul3A_0] : memref<61440xf32, #tpu.memory_space<hbm>> -> memref<10240xf32, #tpu.memory_space<hbm>>
      %dma_wait3A_292 = tpu.memref_slice %arg2[%mul3A_0] : memref<61440xf32, #tpu.memory_space<hbm>> -> memref<10240xf32, #tpu.memory_space<hbm>>
      tpu.wait_dma2 semaphore(%run_scoped3A_290 : memref<!tpu.dma_semaphore, #tpu.memory_space<semaphore_mem>>) src(%dma_wait3A_292 : memref<10240xf32, #tpu.memory_space<hbm>>) dst(%arg9 : memref<10240xf32, #tpu.memory_space<vmem>>)
      tpu.yield
    }) : () -> ()
    %add3A = arith.constant 10240 : i32
    %add3A_1 = arith.addi %mul3A_0, %add3A : i32
    "tpu.region"() ({
      %run_scoped3A_290 = tpu.sem_alloc : memref<!tpu.dma_semaphore, #tpu.memory_space<semaphore_mem>>
      %dma_start3A = tpu.memref_slice %arg2[%add3A_1] : memref<61440xf32, #tpu.memory_space<hbm>> -> memref<10240xf32, #tpu.memory_space<hbm>>
      %dma_start3A_291 = tpu.memref_slice %arg2[%add3A_1] : memref<61440xf32, #tpu.memory_space<hbm>> -> memref<10240xf32, #tpu.memory_space<hbm>>
      tpu.enqueue_dma source(%dma_start3A_291 : memref<10240xf32, #tpu.memory_space<hbm>>) target(%arg10 : memref<10240xf32, #tpu.memory_space<vmem>>) target_semaphore(%run_scoped3A_290 : memref<!tpu.dma_semaphore, #tpu.memory_space<semaphore_mem>>)
      %dma_wait3A = tpu.memref_slice %arg2[%add3A_1] : memref<61440xf32, #tpu.memory_space<hbm>> -> memref<10240xf32, #tpu.memory_space<hbm>>
      %dma_wait3A_292 = tpu.memref_slice %arg2[%add3A_1] : memref<61440xf32, #tpu.memory_space<hbm>> -> memref<10240xf32, #tpu.memory_space<hbm>>
      tpu.wait_dma2 semaphore(%run_scoped3A_290 : memref<!tpu.dma_semaphore, #tpu.memory_space<semaphore_mem>>) src(%dma_wait3A_292 : memref<10240xf32, #tpu.memory_space<hbm>>) dst(%arg10 : memref<10240xf32, #tpu.memory_space<vmem>>)
      tpu.yield
    }) : () -> ()
    %add3A_2 = arith.constant 20480 : i32
    %add3A_3 = arith.addi %mul3A_0, %add3A_2 : i32
    "tpu.region"() ({
      %run_scoped3A_290 = tpu.sem_alloc : memref<!tpu.dma_semaphore, #tpu.memory_space<semaphore_mem>>
      %dma_start3A = tpu.memref_slice %arg2[%add3A_3] : memref<61440xf32, #tpu.memory_space<hbm>> -> memref<10240xf32, #tpu.memory_space<hbm>>
      %dma_start3A_291 = tpu.memref_slice %arg2[%add3A_3] : memref<61440xf32, #tpu.memory_space<hbm>> -> memref<10240xf32, #tpu.memory_space<hbm>>
      tpu.enqueue_dma source(%dma_start3A_291 : memref<10240xf32, #tpu.memory_space<hbm>>) target(%arg11 : memref<10240xf32, #tpu.memory_space<vmem>>) target_semaphore(%run_scoped3A_290 : memref<!tpu.dma_semaphore, #tpu.memory_space<semaphore_mem>>)
      %dma_wait3A = tpu.memref_slice %arg2[%add3A_3] : memref<61440xf32, #tpu.memory_space<hbm>> -> memref<10240xf32, #tpu.memory_space<hbm>>
      %dma_wait3A_292 = tpu.memref_slice %arg2[%add3A_3] : memref<61440xf32, #tpu.memory_space<hbm>> -> memref<10240xf32, #tpu.memory_space<hbm>>
      tpu.wait_dma2 semaphore(%run_scoped3A_290 : memref<!tpu.dma_semaphore, #tpu.memory_space<semaphore_mem>>) src(%dma_wait3A_292 : memref<10240xf32, #tpu.memory_space<hbm>>) dst(%arg11 : memref<10240xf32, #tpu.memory_space<vmem>>)
      tpu.yield
    }) : () -> ()
    %mul3A_4 = arith.constant 32 : i32
    %mul3A_5 = arith.muli %arg0, %mul3A_4 : i32
    "tpu.region"() ({
      %run_scoped3A_290 = tpu.sem_alloc : memref<!tpu.dma_semaphore, #tpu.memory_space<semaphore_mem>>
      %dma_start3A = tpu.memref_slice %arg3[%mul3A_5] : memref<64xf32, #tpu.memory_space<hbm>> -> memref<32xf32, #tpu.memory_space<hbm>>
      %dma_start3A_291 = tpu.memref_slice %arg3[%mul3A_5] : memref<64xf32, #tpu.memory_space<hbm>> -> memref<32xf32, #tpu.memory_space<hbm>>
      tpu.enqueue_dma source(%dma_start3A_291 : memref<32xf32, #tpu.memory_space<hbm>>) target(%arg20 : memref<32xf32, #tpu.memory_space<vmem>>) target_semaphore(%run_scoped3A_290 : memref<!tpu.dma_semaphore, #tpu.memory_space<semaphore_mem>>)
      %dma_wait3A = tpu.memref_slice %arg3[%mul3A_5] : memref<64xf32, #tpu.memory_space<hbm>> -> memref<32xf32, #tpu.memory_space<hbm>>
      %dma_wait3A_292 = tpu.memref_slice %arg3[%mul3A_5] : memref<64xf32, #tpu.memory_space<hbm>> -> memref<32xf32, #tpu.memory_space<hbm>>
      tpu.wait_dma2 semaphore(%run_scoped3A_290 : memref<!tpu.dma_semaphore, #tpu.memory_space<semaphore_mem>>) src(%dma_wait3A_292 : memref<32xf32, #tpu.memory_space<hbm>>) dst(%arg20 : memref<32xf32, #tpu.memory_space<vmem>>)
      tpu.yield
    }) : () -> ()
    %get3A = arith.constant 0 : index
    %get3A_6 = tpu.vector_load %arg20[%get3A] {strides = array<i32>} : memref<32xf32, #tpu.memory_space<vmem>>, vector<16xf32>,
    %get3A_7 = arith.constant 16 : index
    %get3A_8 = tpu.vector_load %arg20[%get3A_7] {strides = array<i32>} : memref<32xf32, #tpu.memory_space<vmem>>, vector<16xf32>,
    %broadcast_in_dim3A = arith.constant 0.000000e+00 : f32
    %broadcast_in_dim3A_9 = vector.broadcast %broadcast_in_dim3A : f32 to vector<16xf32>
    %scan3A = arith.constant 0 : i32
    %scan3A_10 = arith.constant 0 : i32
    %scan3A_11 = arith.constant 640 : i32
    %scan3A_12 = arith.addi %scan3A_10, %scan3A_11 : i32
    %scan3A_13 = arith.constant 1 : i32
    scf.for %scan3A_290 = %scan3A_10 to %scan3A_12 step %scan3A_13  : i32 {
      %mul3A_291 = arith.constant 16 : i32
      %mul3A_292 = arith.muli %scan3A_290, %mul3A_291 : i32
      %swap3A = arith.index_cast %mul3A_292 : i32 to index
      %swap3A_293 = tpu.vector_load %arg14[%swap3A] {strides = array<i32>} : memref<10240xf32, #tpu.memory_space<vmem>>, vector<16xf32>,
      tpu.vector_store %arg14[%swap3A], %broadcast_in_dim3A_9 {strides = array<i32>} : memref<10240xf32, #tpu.memory_space<vmem>>, vector<16xf32>,
      %swap3A_294 = arith.index_cast %mul3A_292 : i32 to index
      %swap3A_295 = tpu.vector_load %arg15[%swap3A_294] {strides = array<i32>} : memref<10240xf32, #tpu.memory_space<vmem>>, vector<16xf32>,
      tpu.vector_store %arg15[%swap3A_294], %broadcast_in_dim3A_9 {strides = array<i32>} : memref<10240xf32, #tpu.memory_space<vmem>>, vector<16xf32>,
    }
    %scan3A_14 = arith.constant 640 : i32
    %mul3A_15 = arith.constant 20000 : i32
    %mul3A_16 = arith.muli %arg1, %mul3A_15 : i32
    %add3A_17 = arith.constant 0 : i32
    %add3A_18 = arith.addi %mul3A_16, %add3A_17 : i32
    %eq3A = arith.constant 0 : i32
    %eq3A_19 = arith.cmpi eq, %arg0, %eq3A : i32
    %convert_element_type3A = arith.extui %eq3A_19 : i1 to i32
    %cond3A = arith.constant 0 : i32
    %cond3A_20 = arith.cmpi ne, %convert_element_type3A, %cond3A : i32
    scf.if %cond3A_20 {
      "tpu.region"() ({
        %run_scoped3A_290 = tpu.sem_alloc : memref<!tpu.dma_semaphore, #tpu.memory_space<semaphore_mem>>
        %dma_start3A = tpu.memref_slice %arg4[%add3A_18] : memref<320000xi32, #tpu.memory_space<hbm>> -> memref<10000xi32, #tpu.memory_space<hbm>>
        %dma_start3A_291 = tpu.memref_slice %arg4[%add3A_18] : memref<320000xi32, #tpu.memory_space<hbm>> -> memref<10000xi32, #tpu.memory_space<hbm>>
        tpu.enqueue_dma source(%dma_start3A_291 : memref<10000xi32, #tpu.memory_space<hbm>>) target(%arg12 : memref<10000xi32, #tpu.memory_space<vmem>>) target_semaphore(%run_scoped3A_290 : memref<!tpu.dma_semaphore, #tpu.memory_space<semaphore_mem>>)
        %dma_wait3A = tpu.memref_slice %arg4[%add3A_18] : memref<320000xi32, #tpu.memory_space<hbm>> -> memref<10000xi32, #tpu.memory_space<hbm>>
        %dma_wait3A_292 = tpu.memref_slice %arg4[%add3A_18] : memref<320000xi32, #tpu.memory_space<hbm>> -> memref<10000xi32, #tpu.memory_space<hbm>>
        tpu.wait_dma2 semaphore(%run_scoped3A_290 : memref<!tpu.dma_semaphore, #tpu.memory_space<semaphore_mem>>) src(%dma_wait3A_292 : memref<10000xi32, #tpu.memory_space<hbm>>) dst(%arg12 : memref<10000xi32, #tpu.memory_space<vmem>>)
        tpu.yield
      }) : () -> ()
      "tpu.region"() ({
        %run_scoped3A_290 = tpu.sem_alloc : memref<!tpu.dma_semaphore, #tpu.memory_space<semaphore_mem>>
        %dma_start3A = tpu.memref_slice %arg5[%add3A_18] : memref<320000xi32, #tpu.memory_space<hbm>> -> memref<10000xi32, #tpu.memory_space<hbm>>
        %dma_start3A_291 = tpu.memref_slice %arg5[%add3A_18] : memref<320000xi32, #tpu.memory_space<hbm>> -> memref<10000xi32, #tpu.memory_space<hbm>>
        tpu.enqueue_dma source(%dma_start3A_291 : memref<10000xi32, #tpu.memory_space<hbm>>) target(%arg13 : memref<10000xi32, #tpu.memory_space<vmem>>) target_semaphore(%run_scoped3A_290 : memref<!tpu.dma_semaphore, #tpu.memory_space<semaphore_mem>>)
        %dma_wait3A = tpu.memref_slice %arg5[%add3A_18] : memref<320000xi32, #tpu.memory_space<hbm>> -> memref<10000xi32, #tpu.memory_space<hbm>>
        %dma_wait3A_292 = tpu.memref_slice %arg5[%add3A_18] : memref<320000xi32, #tpu.memory_space<hbm>> -> memref<10000xi32, #tpu.memory_space<hbm>>
        tpu.wait_dma2 semaphore(%run_scoped3A_290 : memref<!tpu.dma_semaphore, #tpu.memory_space<semaphore_mem>>) src(%dma_wait3A_292 : memref<10000xi32, #tpu.memory_space<hbm>>) dst(%arg13 : memref<10000xi32, #tpu.memory_space<vmem>>)
        tpu.yield
      }) : () -> ()
    } else {
    }
    %eq3A_21 = arith.constant 1 : i32
    %eq3A_22 = arith.cmpi eq, %arg0, %eq3A_21 : i32
    %convert_element_type3A_23 = arith.extui %eq3A_22 : i1 to i32
    %cond3A_24 = arith.constant 0 : i32
    %cond3A_25 = arith.cmpi ne, %convert_element_type3A_23, %cond3A_24 : i32
    scf.if %cond3A_25 {
      "tpu.region"() ({
        %run_scoped3A_290 = tpu.sem_alloc : memref<!tpu.dma_semaphore, #tpu.memory_space<semaphore_mem>>
        %dma_start3A = tpu.memref_slice %arg6[%add3A_18] : memref<320000xi32, #tpu.memory_space<hbm>> -> memref<10000xi32, #tpu.memory_space<hbm>>
        %dma_start3A_291 = tpu.memref_slice %arg6[%add3A_18] : memref<320000xi32, #tpu.memory_space<hbm>> -> memref<10000xi32, #tpu.memory_space<hbm>>
        tpu.enqueue_dma source(%dma_start3A_291 : memref<10000xi32, #tpu.memory_space<hbm>>) target(%arg12 : memref<10000xi32, #tpu.memory_space<vmem>>) target_semaphore(%run_scoped3A_290 : memref<!tpu.dma_semaphore, #tpu.memory_space<semaphore_mem>>)
        %dma_wait3A = tpu.memref_slice %arg6[%add3A_18] : memref<320000xi32, #tpu.memory_space<hbm>> -> memref<10000xi32, #tpu.memory_space<hbm>>
        %dma_wait3A_292 = tpu.memref_slice %arg6[%add3A_18] : memref<320000xi32, #tpu.memory_space<hbm>> -> memref<10000xi32, #tpu.memory_space<hbm>>
        tpu.wait_dma2 semaphore(%run_scoped3A_290 : memref<!tpu.dma_semaphore, #tpu.memory_space<semaphore_mem>>) src(%dma_wait3A_292 : memref<10000xi32, #tpu.memory_space<hbm>>) dst(%arg12 : memref<10000xi32, #tpu.memory_space<vmem>>)
        tpu.yield
      }) : () -> ()
      "tpu.region"() ({
        %run_scoped3A_290 = tpu.sem_alloc : memref<!tpu.dma_semaphore, #tpu.memory_space<semaphore_mem>>
        %dma_start3A = tpu.memref_slice %arg7[%add3A_18] : memref<320000xi32, #tpu.memory_space<hbm>> -> memref<10000xi32, #tpu.memory_space<hbm>>
        %dma_start3A_291 = tpu.memref_slice %arg7[%add3A_18] : memref<320000xi32, #tpu.memory_space<hbm>> -> memref<10000xi32, #tpu.memory_space<hbm>>
        tpu.enqueue_dma source(%dma_start3A_291 : memref<10000xi32, #tpu.memory_space<hbm>>) target(%arg13 : memref<10000xi32, #tpu.memory_space<vmem>>) target_semaphore(%run_scoped3A_290 : memref<!tpu.dma_semaphore, #tpu.memory_space<semaphore_mem>>)
        %dma_wait3A = tpu.memref_slice %arg7[%add3A_18] : memref<320000xi32, #tpu.memory_space<hbm>> -> memref<10000xi32, #tpu.memory_space<hbm>>
        %dma_wait3A_292 = tpu.memref_slice %arg7[%add3A_18] : memref<320000xi32, #tpu.memory_space<hbm>> -> memref<10000xi32, #tpu.memory_space<hbm>>
        tpu.wait_dma2 semaphore(%run_scoped3A_290 : memref<!tpu.dma_semaphore, #tpu.memory_space<semaphore_mem>>) src(%dma_wait3A_292 : memref<10000xi32, #tpu.memory_space<hbm>>) dst(%arg13 : memref<10000xi32, #tpu.memory_space<vmem>>)
        tpu.yield
      }) : () -> ()
    } else {
    }
    %scan3A_26 = arith.constant 0 : i32
    %scan3A_27 = arith.constant 0 : i32
    %scan3A_28 = arith.constant 625 : i32
    %scan3A_29 = arith.addi %scan3A_27, %scan3A_28 : i32
    %scan3A_30 = arith.constant 1 : i32
    scf.for %scan3A_290 = %scan3A_27 to %scan3A_29 step %scan3A_30  : i32 {
      %mul3A_291 = arith.constant 16 : i32
      %mul3A_292 = arith.muli %scan3A_290, %mul3A_291 : i32
      %get3A_293 = arith.index_cast %mul3A_292 : i32 to index
      %get3A_294 = tpu.vector_load %arg12[%get3A_293] {strides = array<i32>} : memref<10000xi32, #tpu.memory_space<vmem>>, vector<16xi32>,
      %get3A_295 = arith.index_cast %mul3A_292 : i32 to index
      %get3A_296 = tpu.vector_load %arg13[%get3A_295] {strides = array<i32>} : memref<10000xi32, #tpu.memory_space<vmem>>, vector<16xi32>,
      %gather3A = tpu.vector_load_idx %arg9[%get3A_294] : memref<10240xf32, #tpu.memory_space<vmem>>[vector<16xi32>], vector<16xf32>,
      %gather3A_297 = tpu.vector_load_idx %arg10[%get3A_296] : memref<10240xf32, #tpu.memory_space<vmem>>[vector<16xi32>], vector<16xf32>,
      %add3A_298 = arith.addf %gather3A, %gather3A_297 : vector<16xf32>
      %mul3A_299 = arith.constant 2.000000e-01 : f32
      %mul3A_300 = vector.broadcast %mul3A_299 : f32 to vector<16xf32>
      %mul3A_301 = arith.mulf %add3A_298, %mul3A_300 : vector<16xf32>
      %max3A = arith.maximumf %add3A_298, %mul3A_301 : vector<16xf32>
      %sub3A = arith.subf %max3A, %get3A_6 : vector<16xf32>
      %exp3A = math.exp %sub3A : vector<16xf32>
      %gather3A_302 = tpu.vector_load_idx %arg11[%get3A_294] : memref<10240xf32, #tpu.memory_space<vmem>>[vector<16xi32>], vector<16xf32>,
      tpu.vector_store_idx %arg15[%get3A_296], %exp3A {add = true} : memref<10240xf32, #tpu.memory_space<vmem>>[vector<16xi32>], vector<16xf32>,
      %mul3A_303 = arith.mulf %exp3A, %gather3A_302 : vector<16xf32>
      tpu.vector_store_idx %arg14[%get3A_296], %mul3A_303 {add = true} : memref<10240xf32, #tpu.memory_space<vmem>>[vector<16xi32>], vector<16xf32>,
    }
    %scan3A_31 = arith.constant 625 : i32
    %add3A_32 = arith.constant 10000 : i32
    %add3A_33 = arith.addi %mul3A_16, %add3A_32 : i32
    %eq3A_34 = arith.constant 0 : i32
    %eq3A_35 = arith.cmpi eq, %arg0, %eq3A_34 : i32
    %convert_element_type3A_36 = arith.extui %eq3A_35 : i1 to i32
    %cond3A_37 = arith.constant 0 : i32
    %cond3A_38 = arith.cmpi ne, %convert_element_type3A_36, %cond3A_37 : i32
    scf.if %cond3A_38 {
      "tpu.region"() ({
        %run_scoped3A_290 = tpu.sem_alloc : memref<!tpu.dma_semaphore, #tpu.memory_space<semaphore_mem>>
        %dma_start3A = tpu.memref_slice %arg4[%add3A_33] : memref<320000xi32, #tpu.memory_space<hbm>> -> memref<10000xi32, #tpu.memory_space<hbm>>
        %dma_start3A_291 = tpu.memref_slice %arg4[%add3A_33] : memref<320000xi32, #tpu.memory_space<hbm>> -> memref<10000xi32, #tpu.memory_space<hbm>>
        tpu.enqueue_dma source(%dma_start3A_291 : memref<10000xi32, #tpu.memory_space<hbm>>) target(%arg12 : memref<10000xi32, #tpu.memory_space<vmem>>) target_semaphore(%run_scoped3A_290 : memref<!tpu.dma_semaphore, #tpu.memory_space<semaphore_mem>>)
        %dma_wait3A = tpu.memref_slice %arg4[%add3A_33] : memref<320000xi32, #tpu.memory_space<hbm>> -> memref<10000xi32, #tpu.memory_space<hbm>>
        %dma_wait3A_292 = tpu.memref_slice %arg4[%add3A_33] : memref<320000xi32, #tpu.memory_space<hbm>> -> memref<10000xi32, #tpu.memory_space<hbm>>
        tpu.wait_dma2 semaphore(%run_scoped3A_290 : memref<!tpu.dma_semaphore, #tpu.memory_space<semaphore_mem>>) src(%dma_wait3A_292 : memref<10000xi32, #tpu.memory_space<hbm>>) dst(%arg12 : memref<10000xi32, #tpu.memory_space<vmem>>)
        tpu.yield
      }) : () -> ()
      "tpu.region"() ({
        %run_scoped3A_290 = tpu.sem_alloc : memref<!tpu.dma_semaphore, #tpu.memory_space<semaphore_mem>>
        %dma_start3A = tpu.memref_slice %arg5[%add3A_33] : memref<320000xi32, #tpu.memory_space<hbm>> -> memref<10000xi32, #tpu.memory_space<hbm>>
        %dma_start3A_291 = tpu.memref_slice %arg5[%add3A_33] : memref<320000xi32, #tpu.memory_space<hbm>> -> memref<10000xi32, #tpu.memory_space<hbm>>
        tpu.enqueue_dma source(%dma_start3A_291 : memref<10000xi32, #tpu.memory_space<hbm>>) target(%arg13 : memref<10000xi32, #tpu.memory_space<vmem>>) target_semaphore(%run_scoped3A_290 : memref<!tpu.dma_semaphore, #tpu.memory_space<semaphore_mem>>)
        %dma_wait3A = tpu.memref_slice %arg5[%add3A_33] : memref<320000xi32, #tpu.memory_space<hbm>> -> memref<10000xi32, #tpu.memory_space<hbm>>
        %dma_wait3A_292 = tpu.memref_slice %arg5[%add3A_33] : memref<320000xi32, #tpu.memory_space<hbm>> -> memref<10000xi32, #tpu.memory_space<hbm>>
        tpu.wait_dma2 semaphore(%run_scoped3A_290 : memref<!tpu.dma_semaphore, #tpu.memory_space<semaphore_mem>>) src(%dma_wait3A_292 : memref<10000xi32, #tpu.memory_space<hbm>>) dst(%arg13 : memref<10000xi32, #tpu.memory_space<vmem>>)
        tpu.yield
      }) : () -> ()
    } else {
    }
    %eq3A_39 = arith.constant 1 : i32
    %eq3A_40 = arith.cmpi eq, %arg0, %eq3A_39 : i32
    %convert_element_type3A_41 = arith.extui %eq3A_40 : i1 to i32
    %cond3A_42 = arith.constant 0 : i32
    %cond3A_43 = arith.cmpi ne, %convert_element_type3A_41, %cond3A_42 : i32
    scf.if %cond3A_43 {
      "tpu.region"() ({
        %run_scoped3A_290 = tpu.sem_alloc : memref<!tpu.dma_semaphore, #tpu.memory_space<semaphore_mem>>
        %dma_start3A = tpu.memref_slice %arg6[%add3A_33] : memref<320000xi32, #tpu.memory_space<hbm>> -> memref<10000xi32, #tpu.memory_space<hbm>>
        %dma_start3A_291 = tpu.memref_slice %arg6[%add3A_33] : memref<320000xi32, #tpu.memory_space<hbm>> -> memref<10000xi32, #tpu.memory_space<hbm>>
        tpu.enqueue_dma source(%dma_start3A_291 : memref<10000xi32, #tpu.memory_space<hbm>>) target(%arg12 : memref<10000xi32, #tpu.memory_space<vmem>>) target_semaphore(%run_scoped3A_290 : memref<!tpu.dma_semaphore, #tpu.memory_space<semaphore_mem>>)
        %dma_wait3A = tpu.memref_slice %arg6[%add3A_33] : memref<320000xi32, #tpu.memory_space<hbm>> -> memref<10000xi32, #tpu.memory_space<hbm>>
        %dma_wait3A_292 = tpu.memref_slice %arg6[%add3A_33] : memref<320000xi32, #tpu.memory_space<hbm>> -> memref<10000xi32, #tpu.memory_space<hbm>>
        tpu.wait_dma2 semaphore(%run_scoped3A_290 : memref<!tpu.dma_semaphore, #tpu.memory_space<semaphore_mem>>) src(%dma_wait3A_292 : memref<10000xi32, #tpu.memory_space<hbm>>) dst(%arg12 : memref<10000xi32, #tpu.memory_space<vmem>>)
        tpu.yield
      }) : () -> ()
      "tpu.region"() ({
        %run_scoped3A_290 = tpu.sem_alloc : memref<!tpu.dma_semaphore, #tpu.memory_space<semaphore_mem>>
        %dma_start3A = tpu.memref_slice %arg7[%add3A_33] : memref<320000xi32, #tpu.memory_space<hbm>> -> memref<10000xi32, #tpu.memory_space<hbm>>
        %dma_start3A_291 = tpu.memref_slice %arg7[%add3A_33] : memref<320000xi32, #tpu.memory_space<hbm>> -> memref<10000xi32, #tpu.memory_space<hbm>>
        tpu.enqueue_dma source(%dma_start3A_291 : memref<10000xi32, #tpu.memory_space<hbm>>) target(%arg13 : memref<10000xi32, #tpu.memory_space<vmem>>) target_semaphore(%run_scoped3A_290 : memref<!tpu.dma_semaphore, #tpu.memory_space<semaphore_mem>>)
        %dma_wait3A = tpu.memref_slice %arg7[%add3A_33] : memref<320000xi32, #tpu.memory_space<hbm>> -> memref<10000xi32, #tpu.memory_space<hbm>>
        %dma_wait3A_292 = tpu.memref_slice %arg7[%add3A_33] : memref<320000xi32, #tpu.memory_space<hbm>> -> memref<10000xi32, #tpu.memory_space<hbm>>
        tpu.wait_dma2 semaphore(%run_scoped3A_290 : memref<!tpu.dma_semaphore, #tpu.memory_space<semaphore_mem>>) src(%dma_wait3A_292 : memref<10000xi32, #tpu.memory_space<hbm>>) dst(%arg13 : memref<10000xi32, #tpu.memory_space<vmem>>)
        tpu.yield
      }) : () -> ()
    } else {
    }
    %scan3A_44 = arith.constant 0 : i32
    %scan3A_45 = arith.constant 0 : i32
    %scan3A_46 = arith.constant 625 : i32
    %scan3A_47 = arith.addi %scan3A_45, %scan3A_46 : i32
    %scan3A_48 = arith.constant 1 : i32
    scf.for %scan3A_290 = %scan3A_45 to %scan3A_47 step %scan3A_48  : i32 {
      %mul3A_291 = arith.constant 16 : i32
      %mul3A_292 = arith.muli %scan3A_290, %mul3A_291 : i32
      %get3A_293 = arith.index_cast %mul3A_292 : i32 to index
      %get3A_294 = tpu.vector_load %arg12[%get3A_293] {strides = array<i32>} : memref<10000xi32, #tpu.memory_space<vmem>>, vector<16xi32>,
      %get3A_295 = arith.index_cast %mul3A_292 : i32 to index
      %get3A_296 = tpu.vector_load %arg13[%get3A_295] {strides = array<i32>} : memref<10000xi32, #tpu.memory_space<vmem>>, vector<16xi32>,
      %gather3A = tpu.vector_load_idx %arg9[%get3A_294] : memref<10240xf32, #tpu.memory_space<vmem>>[vector<16xi32>], vector<16xf32>,
      %gather3A_297 = tpu.vector_load_idx %arg10[%get3A_296] : memref<10240xf32, #tpu.memory_space<vmem>>[vector<16xi32>], vector<16xf32>,
      %add3A_298 = arith.addf %gather3A, %gather3A_297 : vector<16xf32>
      %mul3A_299 = arith.constant 2.000000e-01 : f32
      %mul3A_300 = vector.broadcast %mul3A_299 : f32 to vector<16xf32>
      %mul3A_301 = arith.mulf %add3A_298, %mul3A_300 : vector<16xf32>
      %max3A = arith.maximumf %add3A_298, %mul3A_301 : vector<16xf32>
      %sub3A = arith.subf %max3A, %get3A_6 : vector<16xf32>
      %exp3A = math.exp %sub3A : vector<16xf32>
      %gather3A_302 = tpu.vector_load_idx %arg11[%get3A_294] : memref<10240xf32, #tpu.memory_space<vmem>>[vector<16xi32>], vector<16xf32>,
      tpu.vector_store_idx %arg15[%get3A_296], %exp3A {add = true} : memref<10240xf32, #tpu.memory_space<vmem>>[vector<16xi32>], vector<16xf32>,
      %mul3A_303 = arith.mulf %exp3A, %gather3A_302 : vector<16xf32>
      tpu.vector_store_idx %arg14[%get3A_296], %mul3A_303 {add = true} : memref<10240xf32, #tpu.memory_space<vmem>>[vector<16xi32>], vector<16xf32>,
    }
    %scan3A_49 = arith.constant 625 : i32
    "tpu.region"() ({
      %run_scoped3A_290 = tpu.sem_alloc : memref<!tpu.dma_semaphore, #tpu.memory_space<semaphore_mem>>
      %dma_start3A = arith.constant 0 : i32
      %dma_start3A_291 = tpu.memref_slice %arg21[%arg1, %dma_start3A] : memref<16x10240xf32, #tpu.memory_space<vmem_shared>> -> memref<1x10240xf32, #tpu.memory_space<vmem_shared>>
      %dma_start3A_292 = tpu.memref_squeeze %dma_start3A_291 : memref<1x10240xf32, #tpu.memory_space<vmem_shared>> -> memref<10240xf32, #tpu.memory_space<vmem_shared>>
      %dma_start3A_293 = arith.constant 0 : i32
      %dma_start3A_294 = tpu.memref_slice %arg21[%arg1, %dma_start3A_293] : memref<16x10240xf32, #tpu.memory_space<vmem_shared>> -> memref<1x10240xf32, #tpu.memory_space<vmem_shared>>
      %dma_start3A_295 = tpu.memref_squeeze %dma_start3A_294 : memref<1x10240xf32, #tpu.memory_space<vmem_shared>> -> memref<10240xf32, #tpu.memory_space<vmem_shared>>
      tpu.enqueue_dma source(%arg14 : memref<10240xf32, #tpu.memory_space<vmem>>) target(%dma_start3A_295 : memref<10240xf32, #tpu.memory_space<vmem_shared>>) target_semaphore(%run_scoped3A_290 : memref<!tpu.dma_semaphore, #tpu.memory_space<semaphore_mem>>)
      %dma_wait3A = arith.constant 0 : i32
      %dma_wait3A_296 = tpu.memref_slice %arg21[%arg1, %dma_wait3A] : memref<16x10240xf32, #tpu.memory_space<vmem_shared>> -> memref<1x10240xf32, #tpu.memory_space<vmem_shared>>
      %dma_wait3A_297 = tpu.memref_squeeze %dma_wait3A_296 : memref<1x10240xf32, #tpu.memory_space<vmem_shared>> -> memref<10240xf32, #tpu.memory_space<vmem_shared>>
      %dma_wait3A_298 = arith.constant 0 : i32
      %dma_wait3A_299 = tpu.memref_slice %arg21[%arg1, %dma_wait3A_298] : memref<16x10240xf32, #tpu.memory_space<vmem_shared>> -> memref<1x10240xf32, #tpu.memory_space<vmem_shared>>
      %dma_wait3A_300 = tpu.memref_squeeze %dma_wait3A_299 : memref<1x10240xf32, #tpu.memory_space<vmem_shared>> -> memref<10240xf32, #tpu.memory_space<vmem_shared>>
      tpu.wait_dma2 semaphore(%run_scoped3A_290 : memref<!tpu.dma_semaphore, #tpu.memory_space<semaphore_mem>>) src(%arg14 : memref<10240xf32, #tpu.memory_space<vmem>>) dst(%dma_wait3A_300 : memref<10240xf32, #tpu.memory_space<vmem_shared>>)
      tpu.yield
    }) : () -> ()
    "tpu.region"() ({
      %run_scoped3A_290 = tpu.sem_alloc : memref<!tpu.dma_semaphore, #tpu.memory_space<semaphore_mem>>
      %dma_start3A = arith.constant 0 : i32
      %dma_start3A_291 = tpu.memref_slice %arg22[%arg1, %dma_start3A] : memref<16x10240xf32, #tpu.memory_space<vmem_shared>> -> memref<1x10240xf32, #tpu.memory_space<vmem_shared>>
      %dma_start3A_292 = tpu.memref_squeeze %dma_start3A_291 : memref<1x10240xf32, #tpu.memory_space<vmem_shared>> -> memref<10240xf32, #tpu.memory_space<vmem_shared>>
      %dma_start3A_293 = arith.constant 0 : i32
      %dma_start3A_294 = tpu.memref_slice %arg22[%arg1, %dma_start3A_293] : memref<16x10240xf32, #tpu.memory_space<vmem_shared>> -> memref<1x10240xf32, #tpu.memory_space<vmem_shared>>
      %dma_start3A_295 = tpu.memref_squeeze %dma_start3A_294 : memref<1x10240xf32, #tpu.memory_space<vmem_shared>> -> memref<10240xf32, #tpu.memory_space<vmem_shared>>
      tpu.enqueue_dma source(%arg15 : memref<10240xf32, #tpu.memory_space<vmem>>) target(%dma_start3A_295 : memref<10240xf32, #tpu.memory_space<vmem_shared>>) target_semaphore(%run_scoped3A_290 : memref<!tpu.dma_semaphore, #tpu.memory_space<semaphore_mem>>)
      %dma_wait3A = arith.constant 0 : i32
      %dma_wait3A_296 = tpu.memref_slice %arg22[%arg1, %dma_wait3A] : memref<16x10240xf32, #tpu.memory_space<vmem_shared>> -> memref<1x10240xf32, #tpu.memory_space<vmem_shared>>
      %dma_wait3A_297 = tpu.memref_squeeze %dma_wait3A_296 : memref<1x10240xf32, #tpu.memory_space<vmem_shared>> -> memref<10240xf32, #tpu.memory_space<vmem_shared>>
      %dma_wait3A_298 = arith.constant 0 : i32
      %dma_wait3A_299 = tpu.memref_slice %arg22[%arg1, %dma_wait3A_298] : memref<16x10240xf32, #tpu.memory_space<vmem_shared>> -> memref<1x10240xf32, #tpu.memory_space<vmem_shared>>
      %dma_wait3A_300 = tpu.memref_squeeze %dma_wait3A_299 : memref<1x10240xf32, #tpu.memory_space<vmem_shared>> -> memref<10240xf32, #tpu.memory_space<vmem_shared>>
      tpu.wait_dma2 semaphore(%run_scoped3A_290 : memref<!tpu.dma_semaphore, #tpu.memory_space<semaphore_mem>>) src(%arg15 : memref<10240xf32, #tpu.memory_space<vmem>>) dst(%dma_wait3A_300 : memref<10240xf32, #tpu.memory_space<vmem_shared>>)
      tpu.yield
    }) : () -> ()
    %barrier3A = arith.constant 0 : index
    tpu.barrier barrier_id(%barrier3A)
    %mul3A_50 = arith.constant 640 : i32
    %mul3A_51 = arith.muli %arg1, %mul3A_50 : i32
    %scan3A_52 = arith.constant 0 : i32
    %scan3A_53 = arith.constant 0 : i32
    %scan3A_54 = arith.constant 40 : i32
    %scan3A_55 = arith.addi %scan3A_53, %scan3A_54 : i32
    %scan3A_56 = arith.constant 1 : i32
    scf.for %scan3A_290 = %scan3A_53 to %scan3A_55 step %scan3A_56  : i32 {
      %mul3A_291 = arith.constant 16 : i32
      %mul3A_292 = arith.muli %scan3A_290, %mul3A_291 : i32
      %swap3A = arith.index_cast %mul3A_292 : i32 to index
      %swap3A_293 = tpu.vector_load %arg16[%swap3A] {strides = array<i32>} : memref<640xf32, #tpu.memory_space<vmem>>, vector<16xf32>,
      tpu.vector_store %arg16[%swap3A], %broadcast_in_dim3A_9 {strides = array<i32>} : memref<640xf32, #tpu.memory_space<vmem>>, vector<16xf32>,
      %swap3A_294 = arith.index_cast %mul3A_292 : i32 to index
      %swap3A_295 = tpu.vector_load %arg17[%swap3A_294] {strides = array<i32>} : memref<640xf32, #tpu.memory_space<vmem>>, vector<16xf32>,
      tpu.vector_store %arg17[%swap3A_294], %broadcast_in_dim3A_9 {strides = array<i32>} : memref<640xf32, #tpu.memory_space<vmem>>, vector<16xf32>,
    }
    %scan3A_57 = arith.constant 40 : i32
    %run_scoped3A = arith.constant 0 : i32
    "tpu.region"() ({
      %run_scoped3A_290 = tpu.sem_alloc : memref<!tpu.dma_semaphore, #tpu.memory_space<semaphore_mem>>
      %dma_start3A = tpu.memref_slice %arg21[%run_scoped3A, %mul3A_51] : memref<16x10240xf32, #tpu.memory_space<vmem_shared>> -> memref<1x640xf32, #tpu.memory_space<vmem_shared>>
      %dma_start3A_291 = tpu.memref_squeeze %dma_start3A : memref<1x640xf32, #tpu.memory_space<vmem_shared>> -> memref<640xf32, #tpu.memory_space<vmem_shared>>
      %dma_start3A_292 = tpu.memref_slice %arg21[%run_scoped3A, %mul3A_51] : memref<16x10240xf32, #tpu.memory_space<vmem_shared>> -> memref<1x640xf32, #tpu.memory_space<vmem_shared>>
      %dma_start3A_293 = tpu.memref_squeeze %dma_start3A_292 : memref<1x640xf32, #tpu.memory_space<vmem_shared>> -> memref<640xf32, #tpu.memory_space<vmem_shared>>
      tpu.enqueue_dma source(%dma_start3A_293 : memref<640xf32, #tpu.memory_space<vmem_shared>>) target(%arg18 : memref<640xf32, #tpu.memory_space<vmem>>) target_semaphore(%run_scoped3A_290 : memref<!tpu.dma_semaphore, #tpu.memory_space<semaphore_mem>>)
      %dma_wait3A = tpu.memref_slice %arg21[%run_scoped3A, %mul3A_51] : memref<16x10240xf32, #tpu.memory_space<vmem_shared>> -> memref<1x640xf32, #tpu.memory_space<vmem_shared>>
      %dma_wait3A_294 = tpu.memref_squeeze %dma_wait3A : memref<1x640xf32, #tpu.memory_space<vmem_shared>> -> memref<640xf32, #tpu.memory_space<vmem_shared>>
      %dma_wait3A_295 = tpu.memref_slice %arg21[%run_scoped3A, %mul3A_51] : memref<16x10240xf32, #tpu.memory_space<vmem_shared>> -> memref<1x640xf32, #tpu.memory_space<vmem_shared>>
      %dma_wait3A_296 = tpu.memref_squeeze %dma_wait3A_295 : memref<1x640xf32, #tpu.memory_space<vmem_shared>> -> memref<640xf32, #tpu.memory_space<vmem_shared>>
      tpu.wait_dma2 semaphore(%run_scoped3A_290 : memref<!tpu.dma_semaphore, #tpu.memory_space<semaphore_mem>>) src(%dma_wait3A_296 : memref<640xf32, #tpu.memory_space<vmem_shared>>) dst(%arg18 : memref<640xf32, #tpu.memory_space<vmem>>)
      tpu.yield
    }) : () -> ()
    %scan3A_58 = arith.constant 0 : i32
    %scan3A_59 = arith.constant 0 : i32
    %scan3A_60 = arith.constant 40 : i32
    %scan3A_61 = arith.addi %scan3A_59, %scan3A_60 : i32
    %scan3A_62 = arith.constant 1 : i32
    scf.for %scan3A_290 = %scan3A_59 to %scan3A_61 step %scan3A_62  : i32 {
      %mul3A_291 = arith.constant 16 : i32
      %mul3A_292 = arith.muli %scan3A_290, %mul3A_291 : i32
      %get3A_293 = arith.index_cast %mul3A_292 : i32 to index
      %get3A_294 = tpu.vector_load %arg16[%get3A_293] {strides = array<i32>} : memref<640xf32, #tpu.memory_space<vmem>>, vector<16xf32>,
      %get3A_295 = arith.index_cast %mul3A_292 : i32 to index
      %get3A_296 = tpu.vector_load %arg18[%get3A_295] {strides = array<i32>} : memref<640xf32, #tpu.memory_space<vmem>>, vector<16xf32>,
      %add3A_297 = arith.addf %get3A_294, %get3A_296 : vector<16xf32>
      %swap3A = arith.index_cast %mul3A_292 : i32 to index
      %swap3A_298 = tpu.vector_load %arg16[%swap3A] {strides = array<i32>} : memref<640xf32, #tpu.memory_space<vmem>>, vector<16xf32>,
      tpu.vector_store %arg16[%swap3A], %add3A_297 {strides = array<i32>} : memref<640xf32, #tpu.memory_space<vmem>>, vector<16xf32>,
    }
    %scan3A_63 = arith.constant 40 : i32
    %run_scoped3A_64 = arith.constant 0 : i32
    "tpu.region"() ({
      %run_scoped3A_290 = tpu.sem_alloc : memref<!tpu.dma_semaphore, #tpu.memory_space<semaphore_mem>>
      %dma_start3A = tpu.memref_slice %arg22[%run_scoped3A_64, %mul3A_51] : memref<16x10240xf32, #tpu.memory_space<vmem_shared>> -> memref<1x640xf32, #tpu.memory_space<vmem_shared>>
      %dma_start3A_291 = tpu.memref_squeeze %dma_start3A : memref<1x640xf32, #tpu.memory_space<vmem_shared>> -> memref<640xf32, #tpu.memory_space<vmem_shared>>
      %dma_start3A_292 = tpu.memref_slice %arg22[%run_scoped3A_64, %mul3A_51] : memref<16x10240xf32, #tpu.memory_space<vmem_shared>> -> memref<1x640xf32, #tpu.memory_space<vmem_shared>>
      %dma_start3A_293 = tpu.memref_squeeze %dma_start3A_292 : memref<1x640xf32, #tpu.memory_space<vmem_shared>> -> memref<640xf32, #tpu.memory_space<vmem_shared>>
      tpu.enqueue_dma source(%dma_start3A_293 : memref<640xf32, #tpu.memory_space<vmem_shared>>) target(%arg18 : memref<640xf32, #tpu.memory_space<vmem>>) target_semaphore(%run_scoped3A_290 : memref<!tpu.dma_semaphore, #tpu.memory_space<semaphore_mem>>)
      %dma_wait3A = tpu.memref_slice %arg22[%run_scoped3A_64, %mul3A_51] : memref<16x10240xf32, #tpu.memory_space<vmem_shared>> -> memref<1x640xf32, #tpu.memory_space<vmem_shared>>
      %dma_wait3A_294 = tpu.memref_squeeze %dma_wait3A : memref<1x640xf32, #tpu.memory_space<vmem_shared>> -> memref<640xf32, #tpu.memory_space<vmem_shared>>
      %dma_wait3A_295 = tpu.memref_slice %arg22[%run_scoped3A_64, %mul3A_51] : memref<16x10240xf32, #tpu.memory_space<vmem_shared>> -> memref<1x640xf32, #tpu.memory_space<vmem_shared>>
      %dma_wait3A_296 = tpu.memref_squeeze %dma_wait3A_295 : memref<1x640xf32, #tpu.memory_space<vmem_shared>> -> memref<640xf32, #tpu.memory_space<vmem_shared>>
      tpu.wait_dma2 semaphore(%run_scoped3A_290 : memref<!tpu.dma_semaphore, #tpu.memory_space<semaphore_mem>>) src(%dma_wait3A_296 : memref<640xf32, #tpu.memory_space<vmem_shared>>) dst(%arg18 : memref<640xf32, #tpu.memory_space<vmem>>)
      tpu.yield
    }) : () -> ()
    %scan3A_65 = arith.constant 0 : i32
    %scan3A_66 = arith.constant 0 : i32
    %scan3A_67 = arith.constant 40 : i32
    %scan3A_68 = arith.addi %scan3A_66, %scan3A_67 : i32
    %scan3A_69 = arith.constant 1 : i32
    scf.for %scan3A_290 = %scan3A_66 to %scan3A_68 step %scan3A_69  : i32 {
      %mul3A_291 = arith.constant 16 : i32
      %mul3A_292 = arith.muli %scan3A_290, %mul3A_291 : i32
      %get3A_293 = arith.index_cast %mul3A_292 : i32 to index
      %get3A_294 = tpu.vector_load %arg17[%get3A_293] {strides = array<i32>} : memref<640xf32, #tpu.memory_space<vmem>>, vector<16xf32>,
      %get3A_295 = arith.index_cast %mul3A_292 : i32 to index
      %get3A_296 = tpu.vector_load %arg18[%get3A_295] {strides = array<i32>} : memref<640xf32, #tpu.memory_space<vmem>>, vector<16xf32>,
      %add3A_297 = arith.addf %get3A_294, %get3A_296 : vector<16xf32>
      %swap3A = arith.index_cast %mul3A_292 : i32 to index
      %swap3A_298 = tpu.vector_load %arg17[%swap3A] {strides = array<i32>} : memref<640xf32, #tpu.memory_space<vmem>>, vector<16xf32>,
      tpu.vector_store %arg17[%swap3A], %add3A_297 {strides = array<i32>} : memref<640xf32, #tpu.memory_space<vmem>>, vector<16xf32>,
    }
    %scan3A_70 = arith.constant 40 : i32
    %run_scoped3A_71 = arith.constant 1 : i32
    "tpu.region"() ({
      %run_scoped3A_290 = tpu.sem_alloc : memref<!tpu.dma_semaphore, #tpu.memory_space<semaphore_mem>>
      %dma_start3A = tpu.memref_slice %arg21[%run_scoped3A_71, %mul3A_51] : memref<16x10240xf32, #tpu.memory_space<vmem_shared>> -> memref<1x640xf32, #tpu.memory_space<vmem_shared>>
      %dma_start3A_291 = tpu.memref_squeeze %dma_start3A : memref<1x640xf32, #tpu.memory_space<vmem_shared>> -> memref<640xf32, #tpu.memory_space<vmem_shared>>
      %dma_start3A_292 = tpu.memref_slice %arg21[%run_scoped3A_71, %mul3A_51] : memref<16x10240xf32, #tpu.memory_space<vmem_shared>> -> memref<1x640xf32, #tpu.memory_space<vmem_shared>>
      %dma_start3A_293 = tpu.memref_squeeze %dma_start3A_292 : memref<1x640xf32, #tpu.memory_space<vmem_shared>> -> memref<640xf32, #tpu.memory_space<vmem_shared>>
      tpu.enqueue_dma source(%dma_start3A_293 : memref<640xf32, #tpu.memory_space<vmem_shared>>) target(%arg18 : memref<640xf32, #tpu.memory_space<vmem>>) target_semaphore(%run_scoped3A_290 : memref<!tpu.dma_semaphore, #tpu.memory_space<semaphore_mem>>)
      %dma_wait3A = tpu.memref_slice %arg21[%run_scoped3A_71, %mul3A_51] : memref<16x10240xf32, #tpu.memory_space<vmem_shared>> -> memref<1x640xf32, #tpu.memory_space<vmem_shared>>
      %dma_wait3A_294 = tpu.memref_squeeze %dma_wait3A : memref<1x640xf32, #tpu.memory_space<vmem_shared>> -> memref<640xf32, #tpu.memory_space<vmem_shared>>
      %dma_wait3A_295 = tpu.memref_slice %arg21[%run_scoped3A_71, %mul3A_51] : memref<16x10240xf32, #tpu.memory_space<vmem_shared>> -> memref<1x640xf32, #tpu.memory_space<vmem_shared>>
      %dma_wait3A_296 = tpu.memref_squeeze %dma_wait3A_295 : memref<1x640xf32, #tpu.memory_space<vmem_shared>> -> memref<640xf32, #tpu.memory_space<vmem_shared>>
      tpu.wait_dma2 semaphore(%run_scoped3A_290 : memref<!tpu.dma_semaphore, #tpu.memory_space<semaphore_mem>>) src(%dma_wait3A_296 : memref<640xf32, #tpu.memory_space<vmem_shared>>) dst(%arg18 : memref<640xf32, #tpu.memory_space<vmem>>)
      tpu.yield
    }) : () -> ()
    %scan3A_72 = arith.constant 0 : i32
    %scan3A_73 = arith.constant 0 : i32
    %scan3A_74 = arith.constant 40 : i32
    %scan3A_75 = arith.addi %scan3A_73, %scan3A_74 : i32
    %scan3A_76 = arith.constant 1 : i32
    scf.for %scan3A_290 = %scan3A_73 to %scan3A_75 step %scan3A_76  : i32 {
      %mul3A_291 = arith.constant 16 : i32
      %mul3A_292 = arith.muli %scan3A_290, %mul3A_291 : i32
      %get3A_293 = arith.index_cast %mul3A_292 : i32 to index
      %get3A_294 = tpu.vector_load %arg16[%get3A_293] {strides = array<i32>} : memref<640xf32, #tpu.memory_space<vmem>>, vector<16xf32>,
      %get3A_295 = arith.index_cast %mul3A_292 : i32 to index
      %get3A_296 = tpu.vector_load %arg18[%get3A_295] {strides = array<i32>} : memref<640xf32, #tpu.memory_space<vmem>>, vector<16xf32>,
      %add3A_297 = arith.addf %get3A_294, %get3A_296 : vector<16xf32>
      %swap3A = arith.index_cast %mul3A_292 : i32 to index
      %swap3A_298 = tpu.vector_load %arg16[%swap3A] {strides = array<i32>} : memref<640xf32, #tpu.memory_space<vmem>>, vector<16xf32>,
      tpu.vector_store %arg16[%swap3A], %add3A_297 {strides = array<i32>} : memref<640xf32, #tpu.memory_space<vmem>>, vector<16xf32>,
    }
    %scan3A_77 = arith.constant 40 : i32
    %run_scoped3A_78 = arith.constant 1 : i32
    "tpu.region"() ({
      %run_scoped3A_290 = tpu.sem_alloc : memref<!tpu.dma_semaphore, #tpu.memory_space<semaphore_mem>>
      %dma_start3A = tpu.memref_slice %arg22[%run_scoped3A_78, %mul3A_51] : memref<16x10240xf32, #tpu.memory_space<vmem_shared>> -> memref<1x640xf32, #tpu.memory_space<vmem_shared>>
      %dma_start3A_291 = tpu.memref_squeeze %dma_start3A : memref<1x640xf32, #tpu.memory_space<vmem_shared>> -> memref<640xf32, #tpu.memory_space<vmem_shared>>
      %dma_start3A_292 = tpu.memref_slice %arg22[%run_scoped3A_78, %mul3A_51] : memref<16x10240xf32, #tpu.memory_space<vmem_shared>> -> memref<1x640xf32, #tpu.memory_space<vmem_shared>>
      %dma_start3A_293 = tpu.memref_squeeze %dma_start3A_292 : memref<1x640xf32, #tpu.memory_space<vmem_shared>> -> memref<640xf32, #tpu.memory_space<vmem_shared>>
      tpu.enqueue_dma source(%dma_start3A_293 : memref<640xf32, #tpu.memory_space<vmem_shared>>) target(%arg18 : memref<640xf32, #tpu.memory_space<vmem>>) target_semaphore(%run_scoped3A_290 : memref<!tpu.dma_semaphore, #tpu.memory_space<semaphore_mem>>)
      %dma_wait3A = tpu.memref_slice %arg22[%run_scoped3A_78, %mul3A_51] : memref<16x10240xf32, #tpu.memory_space<vmem_shared>> -> memref<1x640xf32, #tpu.memory_space<vmem_shared>>
      %dma_wait3A_294 = tpu.memref_squeeze %dma_wait3A : memref<1x640xf32, #tpu.memory_space<vmem_shared>> -> memref<640xf32, #tpu.memory_space<vmem_shared>>
      %dma_wait3A_295 = tpu.memref_slice %arg22[%run_scoped3A_78, %mul3A_51] : memref<16x10240xf32, #tpu.memory_space<vmem_shared>> -> memref<1x640xf32, #tpu.memory_space<vmem_shared>>
      %dma_wait3A_296 = tpu.memref_squeeze %dma_wait3A_295 : memref<1x640xf32, #tpu.memory_space<vmem_shared>> -> memref<640xf32, #tpu.memory_space<vmem_shared>>
      tpu.wait_dma2 semaphore(%run_scoped3A_290 : memref<!tpu.dma_semaphore, #tpu.memory_space<semaphore_mem>>) src(%dma_wait3A_296 : memref<640xf32, #tpu.memory_space<vmem_shared>>) dst(%arg18 : memref<640xf32, #tpu.memory_space<vmem>>)
      tpu.yield
    }) : () -> ()
    %scan3A_79 = arith.constant 0 : i32
    %scan3A_80 = arith.constant 0 : i32
    %scan3A_81 = arith.constant 40 : i32
    %scan3A_82 = arith.addi %scan3A_80, %scan3A_81 : i32
    %scan3A_83 = arith.constant 1 : i32
    scf.for %scan3A_290 = %scan3A_80 to %scan3A_82 step %scan3A_83  : i32 {
      %mul3A_291 = arith.constant 16 : i32
      %mul3A_292 = arith.muli %scan3A_290, %mul3A_291 : i32
      %get3A_293 = arith.index_cast %mul3A_292 : i32 to index
      %get3A_294 = tpu.vector_load %arg17[%get3A_293] {strides = array<i32>} : memref<640xf32, #tpu.memory_space<vmem>>, vector<16xf32>,
      %get3A_295 = arith.index_cast %mul3A_292 : i32 to index
      %get3A_296 = tpu.vector_load %arg18[%get3A_295] {strides = array<i32>} : memref<640xf32, #tpu.memory_space<vmem>>, vector<16xf32>,
      %add3A_297 = arith.addf %get3A_294, %get3A_296 : vector<16xf32>
      %swap3A = arith.index_cast %mul3A_292 : i32 to index
      %swap3A_298 = tpu.vector_load %arg17[%swap3A] {strides = array<i32>} : memref<640xf32, #tpu.memory_space<vmem>>, vector<16xf32>,
      tpu.vector_store %arg17[%swap3A], %add3A_297 {strides = array<i32>} : memref<640xf32, #tpu.memory_space<vmem>>, vector<16xf32>,
    }
    %scan3A_84 = arith.constant 40 : i32
    %run_scoped3A_85 = arith.constant 2 : i32
    "tpu.region"() ({
      %run_scoped3A_290 = tpu.sem_alloc : memref<!tpu.dma_semaphore, #tpu.memory_space<semaphore_mem>>
      %dma_start3A = tpu.memref_slice %arg21[%run_scoped3A_85, %mul3A_51] : memref<16x10240xf32, #tpu.memory_space<vmem_shared>> -> memref<1x640xf32, #tpu.memory_space<vmem_shared>>
      %dma_start3A_291 = tpu.memref_squeeze %dma_start3A : memref<1x640xf32, #tpu.memory_space<vmem_shared>> -> memref<640xf32, #tpu.memory_space<vmem_shared>>
      %dma_start3A_292 = tpu.memref_slice %arg21[%run_scoped3A_85, %mul3A_51] : memref<16x10240xf32, #tpu.memory_space<vmem_shared>> -> memref<1x640xf32, #tpu.memory_space<vmem_shared>>
      %dma_start3A_293 = tpu.memref_squeeze %dma_start3A_292 : memref<1x640xf32, #tpu.memory_space<vmem_shared>> -> memref<640xf32, #tpu.memory_space<vmem_shared>>
      tpu.enqueue_dma source(%dma_start3A_293 : memref<640xf32, #tpu.memory_space<vmem_shared>>) target(%arg18 : memref<640xf32, #tpu.memory_space<vmem>>) target_semaphore(%run_scoped3A_290 : memref<!tpu.dma_semaphore, #tpu.memory_space<semaphore_mem>>)
      %dma_wait3A = tpu.memref_slice %arg21[%run_scoped3A_85, %mul3A_51] : memref<16x10240xf32, #tpu.memory_space<vmem_shared>> -> memref<1x640xf32, #tpu.memory_space<vmem_shared>>
      %dma_wait3A_294 = tpu.memref_squeeze %dma_wait3A : memref<1x640xf32, #tpu.memory_space<vmem_shared>> -> memref<640xf32, #tpu.memory_space<vmem_shared>>
      %dma_wait3A_295 = tpu.memref_slice %arg21[%run_scoped3A_85, %mul3A_51] : memref<16x10240xf32, #tpu.memory_space<vmem_shared>> -> memref<1x640xf32, #tpu.memory_space<vmem_shared>>
      %dma_wait3A_296 = tpu.memref_squeeze %dma_wait3A_295 : memref<1x640xf32, #tpu.memory_space<vmem_shared>> -> memref<640xf32, #tpu.memory_space<vmem_shared>>
      tpu.wait_dma2 semaphore(%run_scoped3A_290 : memref<!tpu.dma_semaphore, #tpu.memory_space<semaphore_mem>>) src(%dma_wait3A_296 : memref<640xf32, #tpu.memory_space<vmem_shared>>) dst(%arg18 : memref<640xf32, #tpu.memory_space<vmem>>)
      tpu.yield
    }) : () -> ()
    %scan3A_86 = arith.constant 0 : i32
    %scan3A_87 = arith.constant 0 : i32
    %scan3A_88 = arith.constant 40 : i32
    %scan3A_89 = arith.addi %scan3A_87, %scan3A_88 : i32
    %scan3A_90 = arith.constant 1 : i32
    scf.for %scan3A_290 = %scan3A_87 to %scan3A_89 step %scan3A_90  : i32 {
      %mul3A_291 = arith.constant 16 : i32
      %mul3A_292 = arith.muli %scan3A_290, %mul3A_291 : i32
      %get3A_293 = arith.index_cast %mul3A_292 : i32 to index
      %get3A_294 = tpu.vector_load %arg16[%get3A_293] {strides = array<i32>} : memref<640xf32, #tpu.memory_space<vmem>>, vector<16xf32>,
      %get3A_295 = arith.index_cast %mul3A_292 : i32 to index
      %get3A_296 = tpu.vector_load %arg18[%get3A_295] {strides = array<i32>} : memref<640xf32, #tpu.memory_space<vmem>>, vector<16xf32>,
      %add3A_297 = arith.addf %get3A_294, %get3A_296 : vector<16xf32>
      %swap3A = arith.index_cast %mul3A_292 : i32 to index
      %swap3A_298 = tpu.vector_load %arg16[%swap3A] {strides = array<i32>} : memref<640xf32, #tpu.memory_space<vmem>>, vector<16xf32>,
      tpu.vector_store %arg16[%swap3A], %add3A_297 {strides = array<i32>} : memref<640xf32, #tpu.memory_space<vmem>>, vector<16xf32>,
    }
    %scan3A_91 = arith.constant 40 : i32
    %run_scoped3A_92 = arith.constant 2 : i32
    "tpu.region"() ({
      %run_scoped3A_290 = tpu.sem_alloc : memref<!tpu.dma_semaphore, #tpu.memory_space<semaphore_mem>>
      %dma_start3A = tpu.memref_slice %arg22[%run_scoped3A_92, %mul3A_51] : memref<16x10240xf32, #tpu.memory_space<vmem_shared>> -> memref<1x640xf32, #tpu.memory_space<vmem_shared>>
      %dma_start3A_291 = tpu.memref_squeeze %dma_start3A : memref<1x640xf32, #tpu.memory_space<vmem_shared>> -> memref<640xf32, #tpu.memory_space<vmem_shared>>
      %dma_start3A_292 = tpu.memref_slice %arg22[%run_scoped3A_92, %mul3A_51] : memref<16x10240xf32, #tpu.memory_space<vmem_shared>> -> memref<1x640xf32, #tpu.memory_space<vmem_shared>>
      %dma_start3A_293 = tpu.memref_squeeze %dma_start3A_292 : memref<1x640xf32, #tpu.memory_space<vmem_shared>> -> memref<640xf32, #tpu.memory_space<vmem_shared>>
      tpu.enqueue_dma source(%dma_start3A_293 : memref<640xf32, #tpu.memory_space<vmem_shared>>) target(%arg18 : memref<640xf32, #tpu.memory_space<vmem>>) target_semaphore(%run_scoped3A_290 : memref<!tpu.dma_semaphore, #tpu.memory_space<semaphore_mem>>)
      %dma_wait3A = tpu.memref_slice %arg22[%run_scoped3A_92, %mul3A_51] : memref<16x10240xf32, #tpu.memory_space<vmem_shared>> -> memref<1x640xf32, #tpu.memory_space<vmem_shared>>
      %dma_wait3A_294 = tpu.memref_squeeze %dma_wait3A : memref<1x640xf32, #tpu.memory_space<vmem_shared>> -> memref<640xf32, #tpu.memory_space<vmem_shared>>
      %dma_wait3A_295 = tpu.memref_slice %arg22[%run_scoped3A_92, %mul3A_51] : memref<16x10240xf32, #tpu.memory_space<vmem_shared>> -> memref<1x640xf32, #tpu.memory_space<vmem_shared>>
      %dma_wait3A_296 = tpu.memref_squeeze %dma_wait3A_295 : memref<1x640xf32, #tpu.memory_space<vmem_shared>> -> memref<640xf32, #tpu.memory_space<vmem_shared>>
      tpu.wait_dma2 semaphore(%run_scoped3A_290 : memref<!tpu.dma_semaphore, #tpu.memory_space<semaphore_mem>>) src(%dma_wait3A_296 : memref<640xf32, #tpu.memory_space<vmem_shared>>) dst(%arg18 : memref<640xf32, #tpu.memory_space<vmem>>)
      tpu.yield
    }) : () -> ()
    %scan3A_93 = arith.constant 0 : i32
    %scan3A_94 = arith.constant 0 : i32
    %scan3A_95 = arith.constant 40 : i32
    %scan3A_96 = arith.addi %scan3A_94, %scan3A_95 : i32
    %scan3A_97 = arith.constant 1 : i32
    scf.for %scan3A_290 = %scan3A_94 to %scan3A_96 step %scan3A_97  : i32 {
      %mul3A_291 = arith.constant 16 : i32
      %mul3A_292 = arith.muli %scan3A_290, %mul3A_291 : i32
      %get3A_293 = arith.index_cast %mul3A_292 : i32 to index
      %get3A_294 = tpu.vector_load %arg17[%get3A_293] {strides = array<i32>} : memref<640xf32, #tpu.memory_space<vmem>>, vector<16xf32>,
      %get3A_295 = arith.index_cast %mul3A_292 : i32 to index
      %get3A_296 = tpu.vector_load %arg18[%get3A_295] {strides = array<i32>} : memref<640xf32, #tpu.memory_space<vmem>>, vector<16xf32>,
      %add3A_297 = arith.addf %get3A_294, %get3A_296 : vector<16xf32>
      %swap3A = arith.index_cast %mul3A_292 : i32 to index
      %swap3A_298 = tpu.vector_load %arg17[%swap3A] {strides = array<i32>} : memref<640xf32, #tpu.memory_space<vmem>>, vector<16xf32>,
      tpu.vector_store %arg17[%swap3A], %add3A_297 {strides = array<i32>} : memref<640xf32, #tpu.memory_space<vmem>>, vector<16xf32>,
    }
    %scan3A_98 = arith.constant 40 : i32
    %run_scoped3A_99 = arith.constant 3 : i32
    "tpu.region"() ({
      %run_scoped3A_290 = tpu.sem_alloc : memref<!tpu.dma_semaphore, #tpu.memory_space<semaphore_mem>>
      %dma_start3A = tpu.memref_slice %arg21[%run_scoped3A_99, %mul3A_51] : memref<16x10240xf32, #tpu.memory_space<vmem_shared>> -> memref<1x640xf32, #tpu.memory_space<vmem_shared>>
      %dma_start3A_291 = tpu.memref_squeeze %dma_start3A : memref<1x640xf32, #tpu.memory_space<vmem_shared>> -> memref<640xf32, #tpu.memory_space<vmem_shared>>
      %dma_start3A_292 = tpu.memref_slice %arg21[%run_scoped3A_99, %mul3A_51] : memref<16x10240xf32, #tpu.memory_space<vmem_shared>> -> memref<1x640xf32, #tpu.memory_space<vmem_shared>>
      %dma_start3A_293 = tpu.memref_squeeze %dma_start3A_292 : memref<1x640xf32, #tpu.memory_space<vmem_shared>> -> memref<640xf32, #tpu.memory_space<vmem_shared>>
      tpu.enqueue_dma source(%dma_start3A_293 : memref<640xf32, #tpu.memory_space<vmem_shared>>) target(%arg18 : memref<640xf32, #tpu.memory_space<vmem>>) target_semaphore(%run_scoped3A_290 : memref<!tpu.dma_semaphore, #tpu.memory_space<semaphore_mem>>)
      %dma_wait3A = tpu.memref_slice %arg21[%run_scoped3A_99, %mul3A_51] : memref<16x10240xf32, #tpu.memory_space<vmem_shared>> -> memref<1x640xf32, #tpu.memory_space<vmem_shared>>
      %dma_wait3A_294 = tpu.memref_squeeze %dma_wait3A : memref<1x640xf32, #tpu.memory_space<vmem_shared>> -> memref<640xf32, #tpu.memory_space<vmem_shared>>
      %dma_wait3A_295 = tpu.memref_slice %arg21[%run_scoped3A_99, %mul3A_51] : memref<16x10240xf32, #tpu.memory_space<vmem_shared>> -> memref<1x640xf32, #tpu.memory_space<vmem_shared>>
      %dma_wait3A_296 = tpu.memref_squeeze %dma_wait3A_295 : memref<1x640xf32, #tpu.memory_space<vmem_shared>> -> memref<640xf32, #tpu.memory_space<vmem_shared>>
      tpu.wait_dma2 semaphore(%run_scoped3A_290 : memref<!tpu.dma_semaphore, #tpu.memory_space<semaphore_mem>>) src(%dma_wait3A_296 : memref<640xf32, #tpu.memory_space<vmem_shared>>) dst(%arg18 : memref<640xf32, #tpu.memory_space<vmem>>)
      tpu.yield
    }) : () -> ()
    %scan3A_100 = arith.constant 0 : i32
    %scan3A_101 = arith.constant 0 : i32
    %scan3A_102 = arith.constant 40 : i32
    %scan3A_103 = arith.addi %scan3A_101, %scan3A_102 : i32
    %scan3A_104 = arith.constant 1 : i32
    scf.for %scan3A_290 = %scan3A_101 to %scan3A_103 step %scan3A_104  : i32 {
      %mul3A_291 = arith.constant 16 : i32
      %mul3A_292 = arith.muli %scan3A_290, %mul3A_291 : i32
      %get3A_293 = arith.index_cast %mul3A_292 : i32 to index
      %get3A_294 = tpu.vector_load %arg16[%get3A_293] {strides = array<i32>} : memref<640xf32, #tpu.memory_space<vmem>>, vector<16xf32>,
      %get3A_295 = arith.index_cast %mul3A_292 : i32 to index
      %get3A_296 = tpu.vector_load %arg18[%get3A_295] {strides = array<i32>} : memref<640xf32, #tpu.memory_space<vmem>>, vector<16xf32>,
      %add3A_297 = arith.addf %get3A_294, %get3A_296 : vector<16xf32>
      %swap3A = arith.index_cast %mul3A_292 : i32 to index
      %swap3A_298 = tpu.vector_load %arg16[%swap3A] {strides = array<i32>} : memref<640xf32, #tpu.memory_space<vmem>>, vector<16xf32>,
      tpu.vector_store %arg16[%swap3A], %add3A_297 {strides = array<i32>} : memref<640xf32, #tpu.memory_space<vmem>>, vector<16xf32>,
    }
    %scan3A_105 = arith.constant 40 : i32
    %run_scoped3A_106 = arith.constant 3 : i32
    "tpu.region"() ({
      %run_scoped3A_290 = tpu.sem_alloc : memref<!tpu.dma_semaphore, #tpu.memory_space<semaphore_mem>>
      %dma_start3A = tpu.memref_slice %arg22[%run_scoped3A_106, %mul3A_51] : memref<16x10240xf32, #tpu.memory_space<vmem_shared>> -> memref<1x640xf32, #tpu.memory_space<vmem_shared>>
      %dma_start3A_291 = tpu.memref_squeeze %dma_start3A : memref<1x640xf32, #tpu.memory_space<vmem_shared>> -> memref<640xf32, #tpu.memory_space<vmem_shared>>
      %dma_start3A_292 = tpu.memref_slice %arg22[%run_scoped3A_106, %mul3A_51] : memref<16x10240xf32, #tpu.memory_space<vmem_shared>> -> memref<1x640xf32, #tpu.memory_space<vmem_shared>>
      %dma_start3A_293 = tpu.memref_squeeze %dma_start3A_292 : memref<1x640xf32, #tpu.memory_space<vmem_shared>> -> memref<640xf32, #tpu.memory_space<vmem_shared>>
      tpu.enqueue_dma source(%dma_start3A_293 : memref<640xf32, #tpu.memory_space<vmem_shared>>) target(%arg18 : memref<640xf32, #tpu.memory_space<vmem>>) target_semaphore(%run_scoped3A_290 : memref<!tpu.dma_semaphore, #tpu.memory_space<semaphore_mem>>)
      %dma_wait3A = tpu.memref_slice %arg22[%run_scoped3A_106, %mul3A_51] : memref<16x10240xf32, #tpu.memory_space<vmem_shared>> -> memref<1x640xf32, #tpu.memory_space<vmem_shared>>
      %dma_wait3A_294 = tpu.memref_squeeze %dma_wait3A : memref<1x640xf32, #tpu.memory_space<vmem_shared>> -> memref<640xf32, #tpu.memory_space<vmem_shared>>
      %dma_wait3A_295 = tpu.memref_slice %arg22[%run_scoped3A_106, %mul3A_51] : memref<16x10240xf32, #tpu.memory_space<vmem_shared>> -> memref<1x640xf32, #tpu.memory_space<vmem_shared>>
      %dma_wait3A_296 = tpu.memref_squeeze %dma_wait3A_295 : memref<1x640xf32, #tpu.memory_space<vmem_shared>> -> memref<640xf32, #tpu.memory_space<vmem_shared>>
      tpu.wait_dma2 semaphore(%run_scoped3A_290 : memref<!tpu.dma_semaphore, #tpu.memory_space<semaphore_mem>>) src(%dma_wait3A_296 : memref<640xf32, #tpu.memory_space<vmem_shared>>) dst(%arg18 : memref<640xf32, #tpu.memory_space<vmem>>)
      tpu.yield
    }) : () -> ()
    %scan3A_107 = arith.constant 0 : i32
    %scan3A_108 = arith.constant 0 : i32
    %scan3A_109 = arith.constant 40 : i32
    %scan3A_110 = arith.addi %scan3A_108, %scan3A_109 : i32
    %scan3A_111 = arith.constant 1 : i32
    scf.for %scan3A_290 = %scan3A_108 to %scan3A_110 step %scan3A_111  : i32 {
      %mul3A_291 = arith.constant 16 : i32
      %mul3A_292 = arith.muli %scan3A_290, %mul3A_291 : i32
      %get3A_293 = arith.index_cast %mul3A_292 : i32 to index
      %get3A_294 = tpu.vector_load %arg17[%get3A_293] {strides = array<i32>} : memref<640xf32, #tpu.memory_space<vmem>>, vector<16xf32>,
      %get3A_295 = arith.index_cast %mul3A_292 : i32 to index
      %get3A_296 = tpu.vector_load %arg18[%get3A_295] {strides = array<i32>} : memref<640xf32, #tpu.memory_space<vmem>>, vector<16xf32>,
      %add3A_297 = arith.addf %get3A_294, %get3A_296 : vector<16xf32>
      %swap3A = arith.index_cast %mul3A_292 : i32 to index
      %swap3A_298 = tpu.vector_load %arg17[%swap3A] {strides = array<i32>} : memref<640xf32, #tpu.memory_space<vmem>>, vector<16xf32>,
      tpu.vector_store %arg17[%swap3A], %add3A_297 {strides = array<i32>} : memref<640xf32, #tpu.memory_space<vmem>>, vector<16xf32>,
    }
    %scan3A_112 = arith.constant 40 : i32
    %run_scoped3A_113 = arith.constant 4 : i32
    "tpu.region"() ({
      %run_scoped3A_290 = tpu.sem_alloc : memref<!tpu.dma_semaphore, #tpu.memory_space<semaphore_mem>>
      %dma_start3A = tpu.memref_slice %arg21[%run_scoped3A_113, %mul3A_51] : memref<16x10240xf32, #tpu.memory_space<vmem_shared>> -> memref<1x640xf32, #tpu.memory_space<vmem_shared>>
      %dma_start3A_291 = tpu.memref_squeeze %dma_start3A : memref<1x640xf32, #tpu.memory_space<vmem_shared>> -> memref<640xf32, #tpu.memory_space<vmem_shared>>
      %dma_start3A_292 = tpu.memref_slice %arg21[%run_scoped3A_113, %mul3A_51] : memref<16x10240xf32, #tpu.memory_space<vmem_shared>> -> memref<1x640xf32, #tpu.memory_space<vmem_shared>>
      %dma_start3A_293 = tpu.memref_squeeze %dma_start3A_292 : memref<1x640xf32, #tpu.memory_space<vmem_shared>> -> memref<640xf32, #tpu.memory_space<vmem_shared>>
      tpu.enqueue_dma source(%dma_start3A_293 : memref<640xf32, #tpu.memory_space<vmem_shared>>) target(%arg18 : memref<640xf32, #tpu.memory_space<vmem>>) target_semaphore(%run_scoped3A_290 : memref<!tpu.dma_semaphore, #tpu.memory_space<semaphore_mem>>)
      %dma_wait3A = tpu.memref_slice %arg21[%run_scoped3A_113, %mul3A_51] : memref<16x10240xf32, #tpu.memory_space<vmem_shared>> -> memref<1x640xf32, #tpu.memory_space<vmem_shared>>
      %dma_wait3A_294 = tpu.memref_squeeze %dma_wait3A : memref<1x640xf32, #tpu.memory_space<vmem_shared>> -> memref<640xf32, #tpu.memory_space<vmem_shared>>
      %dma_wait3A_295 = tpu.memref_slice %arg21[%run_scoped3A_113, %mul3A_51] : memref<16x10240xf32, #tpu.memory_space<vmem_shared>> -> memref<1x640xf32, #tpu.memory_space<vmem_shared>>
      %dma_wait3A_296 = tpu.memref_squeeze %dma_wait3A_295 : memref<1x640xf32, #tpu.memory_space<vmem_shared>> -> memref<640xf32, #tpu.memory_space<vmem_shared>>
      tpu.wait_dma2 semaphore(%run_scoped3A_290 : memref<!tpu.dma_semaphore, #tpu.memory_space<semaphore_mem>>) src(%dma_wait3A_296 : memref<640xf32, #tpu.memory_space<vmem_shared>>) dst(%arg18 : memref<640xf32, #tpu.memory_space<vmem>>)
      tpu.yield
    }) : () -> ()
    %scan3A_114 = arith.constant 0 : i32
    %scan3A_115 = arith.constant 0 : i32
    %scan3A_116 = arith.constant 40 : i32
    %scan3A_117 = arith.addi %scan3A_115, %scan3A_116 : i32
    %scan3A_118 = arith.constant 1 : i32
    scf.for %scan3A_290 = %scan3A_115 to %scan3A_117 step %scan3A_118  : i32 {
      %mul3A_291 = arith.constant 16 : i32
      %mul3A_292 = arith.muli %scan3A_290, %mul3A_291 : i32
      %get3A_293 = arith.index_cast %mul3A_292 : i32 to index
      %get3A_294 = tpu.vector_load %arg16[%get3A_293] {strides = array<i32>} : memref<640xf32, #tpu.memory_space<vmem>>, vector<16xf32>,
      %get3A_295 = arith.index_cast %mul3A_292 : i32 to index
      %get3A_296 = tpu.vector_load %arg18[%get3A_295] {strides = array<i32>} : memref<640xf32, #tpu.memory_space<vmem>>, vector<16xf32>,
      %add3A_297 = arith.addf %get3A_294, %get3A_296 : vector<16xf32>
      %swap3A = arith.index_cast %mul3A_292 : i32 to index
      %swap3A_298 = tpu.vector_load %arg16[%swap3A] {strides = array<i32>} : memref<640xf32, #tpu.memory_space<vmem>>, vector<16xf32>,
      tpu.vector_store %arg16[%swap3A], %add3A_297 {strides = array<i32>} : memref<640xf32, #tpu.memory_space<vmem>>, vector<16xf32>,
    }
    %scan3A_119 = arith.constant 40 : i32
    %run_scoped3A_120 = arith.constant 4 : i32
    "tpu.region"() ({
      %run_scoped3A_290 = tpu.sem_alloc : memref<!tpu.dma_semaphore, #tpu.memory_space<semaphore_mem>>
      %dma_start3A = tpu.memref_slice %arg22[%run_scoped3A_120, %mul3A_51] : memref<16x10240xf32, #tpu.memory_space<vmem_shared>> -> memref<1x640xf32, #tpu.memory_space<vmem_shared>>
      %dma_start3A_291 = tpu.memref_squeeze %dma_start3A : memref<1x640xf32, #tpu.memory_space<vmem_shared>> -> memref<640xf32, #tpu.memory_space<vmem_shared>>
      %dma_start3A_292 = tpu.memref_slice %arg22[%run_scoped3A_120, %mul3A_51] : memref<16x10240xf32, #tpu.memory_space<vmem_shared>> -> memref<1x640xf32, #tpu.memory_space<vmem_shared>>
      %dma_start3A_293 = tpu.memref_squeeze %dma_start3A_292 : memref<1x640xf32, #tpu.memory_space<vmem_shared>> -> memref<640xf32, #tpu.memory_space<vmem_shared>>
      tpu.enqueue_dma source(%dma_start3A_293 : memref<640xf32, #tpu.memory_space<vmem_shared>>) target(%arg18 : memref<640xf32, #tpu.memory_space<vmem>>) target_semaphore(%run_scoped3A_290 : memref<!tpu.dma_semaphore, #tpu.memory_space<semaphore_mem>>)
      %dma_wait3A = tpu.memref_slice %arg22[%run_scoped3A_120, %mul3A_51] : memref<16x10240xf32, #tpu.memory_space<vmem_shared>> -> memref<1x640xf32, #tpu.memory_space<vmem_shared>>
      %dma_wait3A_294 = tpu.memref_squeeze %dma_wait3A : memref<1x640xf32, #tpu.memory_space<vmem_shared>> -> memref<640xf32, #tpu.memory_space<vmem_shared>>
      %dma_wait3A_295 = tpu.memref_slice %arg22[%run_scoped3A_120, %mul3A_51] : memref<16x10240xf32, #tpu.memory_space<vmem_shared>> -> memref<1x640xf32, #tpu.memory_space<vmem_shared>>
      %dma_wait3A_296 = tpu.memref_squeeze %dma_wait3A_295 : memref<1x640xf32, #tpu.memory_space<vmem_shared>> -> memref<640xf32, #tpu.memory_space<vmem_shared>>
      tpu.wait_dma2 semaphore(%run_scoped3A_290 : memref<!tpu.dma_semaphore, #tpu.memory_space<semaphore_mem>>) src(%dma_wait3A_296 : memref<640xf32, #tpu.memory_space<vmem_shared>>) dst(%arg18 : memref<640xf32, #tpu.memory_space<vmem>>)
      tpu.yield
    }) : () -> ()
    %scan3A_121 = arith.constant 0 : i32
    %scan3A_122 = arith.constant 0 : i32
    %scan3A_123 = arith.constant 40 : i32
    %scan3A_124 = arith.addi %scan3A_122, %scan3A_123 : i32
    %scan3A_125 = arith.constant 1 : i32
    scf.for %scan3A_290 = %scan3A_122 to %scan3A_124 step %scan3A_125  : i32 {
      %mul3A_291 = arith.constant 16 : i32
      %mul3A_292 = arith.muli %scan3A_290, %mul3A_291 : i32
      %get3A_293 = arith.index_cast %mul3A_292 : i32 to index
      %get3A_294 = tpu.vector_load %arg17[%get3A_293] {strides = array<i32>} : memref<640xf32, #tpu.memory_space<vmem>>, vector<16xf32>,
      %get3A_295 = arith.index_cast %mul3A_292 : i32 to index
      %get3A_296 = tpu.vector_load %arg18[%get3A_295] {strides = array<i32>} : memref<640xf32, #tpu.memory_space<vmem>>, vector<16xf32>,
      %add3A_297 = arith.addf %get3A_294, %get3A_296 : vector<16xf32>
      %swap3A = arith.index_cast %mul3A_292 : i32 to index
      %swap3A_298 = tpu.vector_load %arg17[%swap3A] {strides = array<i32>} : memref<640xf32, #tpu.memory_space<vmem>>, vector<16xf32>,
      tpu.vector_store %arg17[%swap3A], %add3A_297 {strides = array<i32>} : memref<640xf32, #tpu.memory_space<vmem>>, vector<16xf32>,
    }
    %scan3A_126 = arith.constant 40 : i32
    %run_scoped3A_127 = arith.constant 5 : i32
    "tpu.region"() ({
      %run_scoped3A_290 = tpu.sem_alloc : memref<!tpu.dma_semaphore, #tpu.memory_space<semaphore_mem>>
      %dma_start3A = tpu.memref_slice %arg21[%run_scoped3A_127, %mul3A_51] : memref<16x10240xf32, #tpu.memory_space<vmem_shared>> -> memref<1x640xf32, #tpu.memory_space<vmem_shared>>
      %dma_start3A_291 = tpu.memref_squeeze %dma_start3A : memref<1x640xf32, #tpu.memory_space<vmem_shared>> -> memref<640xf32, #tpu.memory_space<vmem_shared>>
      %dma_start3A_292 = tpu.memref_slice %arg21[%run_scoped3A_127, %mul3A_51] : memref<16x10240xf32, #tpu.memory_space<vmem_shared>> -> memref<1x640xf32, #tpu.memory_space<vmem_shared>>
      %dma_start3A_293 = tpu.memref_squeeze %dma_start3A_292 : memref<1x640xf32, #tpu.memory_space<vmem_shared>> -> memref<640xf32, #tpu.memory_space<vmem_shared>>
      tpu.enqueue_dma source(%dma_start3A_293 : memref<640xf32, #tpu.memory_space<vmem_shared>>) target(%arg18 : memref<640xf32, #tpu.memory_space<vmem>>) target_semaphore(%run_scoped3A_290 : memref<!tpu.dma_semaphore, #tpu.memory_space<semaphore_mem>>)
      %dma_wait3A = tpu.memref_slice %arg21[%run_scoped3A_127, %mul3A_51] : memref<16x10240xf32, #tpu.memory_space<vmem_shared>> -> memref<1x640xf32, #tpu.memory_space<vmem_shared>>
      %dma_wait3A_294 = tpu.memref_squeeze %dma_wait3A : memref<1x640xf32, #tpu.memory_space<vmem_shared>> -> memref<640xf32, #tpu.memory_space<vmem_shared>>
      %dma_wait3A_295 = tpu.memref_slice %arg21[%run_scoped3A_127, %mul3A_51] : memref<16x10240xf32, #tpu.memory_space<vmem_shared>> -> memref<1x640xf32, #tpu.memory_space<vmem_shared>>
      %dma_wait3A_296 = tpu.memref_squeeze %dma_wait3A_295 : memref<1x640xf32, #tpu.memory_space<vmem_shared>> -> memref<640xf32, #tpu.memory_space<vmem_shared>>
      tpu.wait_dma2 semaphore(%run_scoped3A_290 : memref<!tpu.dma_semaphore, #tpu.memory_space<semaphore_mem>>) src(%dma_wait3A_296 : memref<640xf32, #tpu.memory_space<vmem_shared>>) dst(%arg18 : memref<640xf32, #tpu.memory_space<vmem>>)
      tpu.yield
    }) : () -> ()
    %scan3A_128 = arith.constant 0 : i32
    %scan3A_129 = arith.constant 0 : i32
    %scan3A_130 = arith.constant 40 : i32
    %scan3A_131 = arith.addi %scan3A_129, %scan3A_130 : i32
    %scan3A_132 = arith.constant 1 : i32
    scf.for %scan3A_290 = %scan3A_129 to %scan3A_131 step %scan3A_132  : i32 {
      %mul3A_291 = arith.constant 16 : i32
      %mul3A_292 = arith.muli %scan3A_290, %mul3A_291 : i32
      %get3A_293 = arith.index_cast %mul3A_292 : i32 to index
      %get3A_294 = tpu.vector_load %arg16[%get3A_293] {strides = array<i32>} : memref<640xf32, #tpu.memory_space<vmem>>, vector<16xf32>,
      %get3A_295 = arith.index_cast %mul3A_292 : i32 to index
      %get3A_296 = tpu.vector_load %arg18[%get3A_295] {strides = array<i32>} : memref<640xf32, #tpu.memory_space<vmem>>, vector<16xf32>,
      %add3A_297 = arith.addf %get3A_294, %get3A_296 : vector<16xf32>
      %swap3A = arith.index_cast %mul3A_292 : i32 to index
      %swap3A_298 = tpu.vector_load %arg16[%swap3A] {strides = array<i32>} : memref<640xf32, #tpu.memory_space<vmem>>, vector<16xf32>,
      tpu.vector_store %arg16[%swap3A], %add3A_297 {strides = array<i32>} : memref<640xf32, #tpu.memory_space<vmem>>, vector<16xf32>,
    }
    %scan3A_133 = arith.constant 40 : i32
    %run_scoped3A_134 = arith.constant 5 : i32
    "tpu.region"() ({
      %run_scoped3A_290 = tpu.sem_alloc : memref<!tpu.dma_semaphore, #tpu.memory_space<semaphore_mem>>
      %dma_start3A = tpu.memref_slice %arg22[%run_scoped3A_134, %mul3A_51] : memref<16x10240xf32, #tpu.memory_space<vmem_shared>> -> memref<1x640xf32, #tpu.memory_space<vmem_shared>>
      %dma_start3A_291 = tpu.memref_squeeze %dma_start3A : memref<1x640xf32, #tpu.memory_space<vmem_shared>> -> memref<640xf32, #tpu.memory_space<vmem_shared>>
      %dma_start3A_292 = tpu.memref_slice %arg22[%run_scoped3A_134, %mul3A_51] : memref<16x10240xf32, #tpu.memory_space<vmem_shared>> -> memref<1x640xf32, #tpu.memory_space<vmem_shared>>
      %dma_start3A_293 = tpu.memref_squeeze %dma_start3A_292 : memref<1x640xf32, #tpu.memory_space<vmem_shared>> -> memref<640xf32, #tpu.memory_space<vmem_shared>>
      tpu.enqueue_dma source(%dma_start3A_293 : memref<640xf32, #tpu.memory_space<vmem_shared>>) target(%arg18 : memref<640xf32, #tpu.memory_space<vmem>>) target_semaphore(%run_scoped3A_290 : memref<!tpu.dma_semaphore, #tpu.memory_space<semaphore_mem>>)
      %dma_wait3A = tpu.memref_slice %arg22[%run_scoped3A_134, %mul3A_51] : memref<16x10240xf32, #tpu.memory_space<vmem_shared>> -> memref<1x640xf32, #tpu.memory_space<vmem_shared>>
      %dma_wait3A_294 = tpu.memref_squeeze %dma_wait3A : memref<1x640xf32, #tpu.memory_space<vmem_shared>> -> memref<640xf32, #tpu.memory_space<vmem_shared>>
      %dma_wait3A_295 = tpu.memref_slice %arg22[%run_scoped3A_134, %mul3A_51] : memref<16x10240xf32, #tpu.memory_space<vmem_shared>> -> memref<1x640xf32, #tpu.memory_space<vmem_shared>>
      %dma_wait3A_296 = tpu.memref_squeeze %dma_wait3A_295 : memref<1x640xf32, #tpu.memory_space<vmem_shared>> -> memref<640xf32, #tpu.memory_space<vmem_shared>>
      tpu.wait_dma2 semaphore(%run_scoped3A_290 : memref<!tpu.dma_semaphore, #tpu.memory_space<semaphore_mem>>) src(%dma_wait3A_296 : memref<640xf32, #tpu.memory_space<vmem_shared>>) dst(%arg18 : memref<640xf32, #tpu.memory_space<vmem>>)
      tpu.yield
    }) : () -> ()
    %scan3A_135 = arith.constant 0 : i32
    %scan3A_136 = arith.constant 0 : i32
    %scan3A_137 = arith.constant 40 : i32
    %scan3A_138 = arith.addi %scan3A_136, %scan3A_137 : i32
    %scan3A_139 = arith.constant 1 : i32
    scf.for %scan3A_290 = %scan3A_136 to %scan3A_138 step %scan3A_139  : i32 {
      %mul3A_291 = arith.constant 16 : i32
      %mul3A_292 = arith.muli %scan3A_290, %mul3A_291 : i32
      %get3A_293 = arith.index_cast %mul3A_292 : i32 to index
      %get3A_294 = tpu.vector_load %arg17[%get3A_293] {strides = array<i32>} : memref<640xf32, #tpu.memory_space<vmem>>, vector<16xf32>,
      %get3A_295 = arith.index_cast %mul3A_292 : i32 to index
      %get3A_296 = tpu.vector_load %arg18[%get3A_295] {strides = array<i32>} : memref<640xf32, #tpu.memory_space<vmem>>, vector<16xf32>,
      %add3A_297 = arith.addf %get3A_294, %get3A_296 : vector<16xf32>
      %swap3A = arith.index_cast %mul3A_292 : i32 to index
      %swap3A_298 = tpu.vector_load %arg17[%swap3A] {strides = array<i32>} : memref<640xf32, #tpu.memory_space<vmem>>, vector<16xf32>,
      tpu.vector_store %arg17[%swap3A], %add3A_297 {strides = array<i32>} : memref<640xf32, #tpu.memory_space<vmem>>, vector<16xf32>,
    }
    %scan3A_140 = arith.constant 40 : i32
    %run_scoped3A_141 = arith.constant 6 : i32
    "tpu.region"() ({
      %run_scoped3A_290 = tpu.sem_alloc : memref<!tpu.dma_semaphore, #tpu.memory_space<semaphore_mem>>
      %dma_start3A = tpu.memref_slice %arg21[%run_scoped3A_141, %mul3A_51] : memref<16x10240xf32, #tpu.memory_space<vmem_shared>> -> memref<1x640xf32, #tpu.memory_space<vmem_shared>>
      %dma_start3A_291 = tpu.memref_squeeze %dma_start3A : memref<1x640xf32, #tpu.memory_space<vmem_shared>> -> memref<640xf32, #tpu.memory_space<vmem_shared>>
      %dma_start3A_292 = tpu.memref_slice %arg21[%run_scoped3A_141, %mul3A_51] : memref<16x10240xf32, #tpu.memory_space<vmem_shared>> -> memref<1x640xf32, #tpu.memory_space<vmem_shared>>
      %dma_start3A_293 = tpu.memref_squeeze %dma_start3A_292 : memref<1x640xf32, #tpu.memory_space<vmem_shared>> -> memref<640xf32, #tpu.memory_space<vmem_shared>>
      tpu.enqueue_dma source(%dma_start3A_293 : memref<640xf32, #tpu.memory_space<vmem_shared>>) target(%arg18 : memref<640xf32, #tpu.memory_space<vmem>>) target_semaphore(%run_scoped3A_290 : memref<!tpu.dma_semaphore, #tpu.memory_space<semaphore_mem>>)
      %dma_wait3A = tpu.memref_slice %arg21[%run_scoped3A_141, %mul3A_51] : memref<16x10240xf32, #tpu.memory_space<vmem_shared>> -> memref<1x640xf32, #tpu.memory_space<vmem_shared>>
      %dma_wait3A_294 = tpu.memref_squeeze %dma_wait3A : memref<1x640xf32, #tpu.memory_space<vmem_shared>> -> memref<640xf32, #tpu.memory_space<vmem_shared>>
      %dma_wait3A_295 = tpu.memref_slice %arg21[%run_scoped3A_141, %mul3A_51] : memref<16x10240xf32, #tpu.memory_space<vmem_shared>> -> memref<1x640xf32, #tpu.memory_space<vmem_shared>>
      %dma_wait3A_296 = tpu.memref_squeeze %dma_wait3A_295 : memref<1x640xf32, #tpu.memory_space<vmem_shared>> -> memref<640xf32, #tpu.memory_space<vmem_shared>>
      tpu.wait_dma2 semaphore(%run_scoped3A_290 : memref<!tpu.dma_semaphore, #tpu.memory_space<semaphore_mem>>) src(%dma_wait3A_296 : memref<640xf32, #tpu.memory_space<vmem_shared>>) dst(%arg18 : memref<640xf32, #tpu.memory_space<vmem>>)
      tpu.yield
    }) : () -> ()
    %scan3A_142 = arith.constant 0 : i32
    %scan3A_143 = arith.constant 0 : i32
    %scan3A_144 = arith.constant 40 : i32
    %scan3A_145 = arith.addi %scan3A_143, %scan3A_144 : i32
    %scan3A_146 = arith.constant 1 : i32
    scf.for %scan3A_290 = %scan3A_143 to %scan3A_145 step %scan3A_146  : i32 {
      %mul3A_291 = arith.constant 16 : i32
      %mul3A_292 = arith.muli %scan3A_290, %mul3A_291 : i32
      %get3A_293 = arith.index_cast %mul3A_292 : i32 to index
      %get3A_294 = tpu.vector_load %arg16[%get3A_293] {strides = array<i32>} : memref<640xf32, #tpu.memory_space<vmem>>, vector<16xf32>,
      %get3A_295 = arith.index_cast %mul3A_292 : i32 to index
      %get3A_296 = tpu.vector_load %arg18[%get3A_295] {strides = array<i32>} : memref<640xf32, #tpu.memory_space<vmem>>, vector<16xf32>,
      %add3A_297 = arith.addf %get3A_294, %get3A_296 : vector<16xf32>
      %swap3A = arith.index_cast %mul3A_292 : i32 to index
      %swap3A_298 = tpu.vector_load %arg16[%swap3A] {strides = array<i32>} : memref<640xf32, #tpu.memory_space<vmem>>, vector<16xf32>,
      tpu.vector_store %arg16[%swap3A], %add3A_297 {strides = array<i32>} : memref<640xf32, #tpu.memory_space<vmem>>, vector<16xf32>,
    }
    %scan3A_147 = arith.constant 40 : i32
    %run_scoped3A_148 = arith.constant 6 : i32
    "tpu.region"() ({
      %run_scoped3A_290 = tpu.sem_alloc : memref<!tpu.dma_semaphore, #tpu.memory_space<semaphore_mem>>
      %dma_start3A = tpu.memref_slice %arg22[%run_scoped3A_148, %mul3A_51] : memref<16x10240xf32, #tpu.memory_space<vmem_shared>> -> memref<1x640xf32, #tpu.memory_space<vmem_shared>>
      %dma_start3A_291 = tpu.memref_squeeze %dma_start3A : memref<1x640xf32, #tpu.memory_space<vmem_shared>> -> memref<640xf32, #tpu.memory_space<vmem_shared>>
      %dma_start3A_292 = tpu.memref_slice %arg22[%run_scoped3A_148, %mul3A_51] : memref<16x10240xf32, #tpu.memory_space<vmem_shared>> -> memref<1x640xf32, #tpu.memory_space<vmem_shared>>
      %dma_start3A_293 = tpu.memref_squeeze %dma_start3A_292 : memref<1x640xf32, #tpu.memory_space<vmem_shared>> -> memref<640xf32, #tpu.memory_space<vmem_shared>>
      tpu.enqueue_dma source(%dma_start3A_293 : memref<640xf32, #tpu.memory_space<vmem_shared>>) target(%arg18 : memref<640xf32, #tpu.memory_space<vmem>>) target_semaphore(%run_scoped3A_290 : memref<!tpu.dma_semaphore, #tpu.memory_space<semaphore_mem>>)
      %dma_wait3A = tpu.memref_slice %arg22[%run_scoped3A_148, %mul3A_51] : memref<16x10240xf32, #tpu.memory_space<vmem_shared>> -> memref<1x640xf32, #tpu.memory_space<vmem_shared>>
      %dma_wait3A_294 = tpu.memref_squeeze %dma_wait3A : memref<1x640xf32, #tpu.memory_space<vmem_shared>> -> memref<640xf32, #tpu.memory_space<vmem_shared>>
      %dma_wait3A_295 = tpu.memref_slice %arg22[%run_scoped3A_148, %mul3A_51] : memref<16x10240xf32, #tpu.memory_space<vmem_shared>> -> memref<1x640xf32, #tpu.memory_space<vmem_shared>>
      %dma_wait3A_296 = tpu.memref_squeeze %dma_wait3A_295 : memref<1x640xf32, #tpu.memory_space<vmem_shared>> -> memref<640xf32, #tpu.memory_space<vmem_shared>>
      tpu.wait_dma2 semaphore(%run_scoped3A_290 : memref<!tpu.dma_semaphore, #tpu.memory_space<semaphore_mem>>) src(%dma_wait3A_296 : memref<640xf32, #tpu.memory_space<vmem_shared>>) dst(%arg18 : memref<640xf32, #tpu.memory_space<vmem>>)
      tpu.yield
    }) : () -> ()
    %scan3A_149 = arith.constant 0 : i32
    %scan3A_150 = arith.constant 0 : i32
    %scan3A_151 = arith.constant 40 : i32
    %scan3A_152 = arith.addi %scan3A_150, %scan3A_151 : i32
    %scan3A_153 = arith.constant 1 : i32
    scf.for %scan3A_290 = %scan3A_150 to %scan3A_152 step %scan3A_153  : i32 {
      %mul3A_291 = arith.constant 16 : i32
      %mul3A_292 = arith.muli %scan3A_290, %mul3A_291 : i32
      %get3A_293 = arith.index_cast %mul3A_292 : i32 to index
      %get3A_294 = tpu.vector_load %arg17[%get3A_293] {strides = array<i32>} : memref<640xf32, #tpu.memory_space<vmem>>, vector<16xf32>,
      %get3A_295 = arith.index_cast %mul3A_292 : i32 to index
      %get3A_296 = tpu.vector_load %arg18[%get3A_295] {strides = array<i32>} : memref<640xf32, #tpu.memory_space<vmem>>, vector<16xf32>,
      %add3A_297 = arith.addf %get3A_294, %get3A_296 : vector<16xf32>
      %swap3A = arith.index_cast %mul3A_292 : i32 to index
      %swap3A_298 = tpu.vector_load %arg17[%swap3A] {strides = array<i32>} : memref<640xf32, #tpu.memory_space<vmem>>, vector<16xf32>,
      tpu.vector_store %arg17[%swap3A], %add3A_297 {strides = array<i32>} : memref<640xf32, #tpu.memory_space<vmem>>, vector<16xf32>,
    }
    %scan3A_154 = arith.constant 40 : i32
    %run_scoped3A_155 = arith.constant 7 : i32
    "tpu.region"() ({
      %run_scoped3A_290 = tpu.sem_alloc : memref<!tpu.dma_semaphore, #tpu.memory_space<semaphore_mem>>
      %dma_start3A = tpu.memref_slice %arg21[%run_scoped3A_155, %mul3A_51] : memref<16x10240xf32, #tpu.memory_space<vmem_shared>> -> memref<1x640xf32, #tpu.memory_space<vmem_shared>>
      %dma_start3A_291 = tpu.memref_squeeze %dma_start3A : memref<1x640xf32, #tpu.memory_space<vmem_shared>> -> memref<640xf32, #tpu.memory_space<vmem_shared>>
      %dma_start3A_292 = tpu.memref_slice %arg21[%run_scoped3A_155, %mul3A_51] : memref<16x10240xf32, #tpu.memory_space<vmem_shared>> -> memref<1x640xf32, #tpu.memory_space<vmem_shared>>
      %dma_start3A_293 = tpu.memref_squeeze %dma_start3A_292 : memref<1x640xf32, #tpu.memory_space<vmem_shared>> -> memref<640xf32, #tpu.memory_space<vmem_shared>>
      tpu.enqueue_dma source(%dma_start3A_293 : memref<640xf32, #tpu.memory_space<vmem_shared>>) target(%arg18 : memref<640xf32, #tpu.memory_space<vmem>>) target_semaphore(%run_scoped3A_290 : memref<!tpu.dma_semaphore, #tpu.memory_space<semaphore_mem>>)
      %dma_wait3A = tpu.memref_slice %arg21[%run_scoped3A_155, %mul3A_51] : memref<16x10240xf32, #tpu.memory_space<vmem_shared>> -> memref<1x640xf32, #tpu.memory_space<vmem_shared>>
      %dma_wait3A_294 = tpu.memref_squeeze %dma_wait3A : memref<1x640xf32, #tpu.memory_space<vmem_shared>> -> memref<640xf32, #tpu.memory_space<vmem_shared>>
      %dma_wait3A_295 = tpu.memref_slice %arg21[%run_scoped3A_155, %mul3A_51] : memref<16x10240xf32, #tpu.memory_space<vmem_shared>> -> memref<1x640xf32, #tpu.memory_space<vmem_shared>>
      %dma_wait3A_296 = tpu.memref_squeeze %dma_wait3A_295 : memref<1x640xf32, #tpu.memory_space<vmem_shared>> -> memref<640xf32, #tpu.memory_space<vmem_shared>>
      tpu.wait_dma2 semaphore(%run_scoped3A_290 : memref<!tpu.dma_semaphore, #tpu.memory_space<semaphore_mem>>) src(%dma_wait3A_296 : memref<640xf32, #tpu.memory_space<vmem_shared>>) dst(%arg18 : memref<640xf32, #tpu.memory_space<vmem>>)
      tpu.yield
    }) : () -> ()
    %scan3A_156 = arith.constant 0 : i32
    %scan3A_157 = arith.constant 0 : i32
    %scan3A_158 = arith.constant 40 : i32
    %scan3A_159 = arith.addi %scan3A_157, %scan3A_158 : i32
    %scan3A_160 = arith.constant 1 : i32
    scf.for %scan3A_290 = %scan3A_157 to %scan3A_159 step %scan3A_160  : i32 {
      %mul3A_291 = arith.constant 16 : i32
      %mul3A_292 = arith.muli %scan3A_290, %mul3A_291 : i32
      %get3A_293 = arith.index_cast %mul3A_292 : i32 to index
      %get3A_294 = tpu.vector_load %arg16[%get3A_293] {strides = array<i32>} : memref<640xf32, #tpu.memory_space<vmem>>, vector<16xf32>,
      %get3A_295 = arith.index_cast %mul3A_292 : i32 to index
      %get3A_296 = tpu.vector_load %arg18[%get3A_295] {strides = array<i32>} : memref<640xf32, #tpu.memory_space<vmem>>, vector<16xf32>,
      %add3A_297 = arith.addf %get3A_294, %get3A_296 : vector<16xf32>
      %swap3A = arith.index_cast %mul3A_292 : i32 to index
      %swap3A_298 = tpu.vector_load %arg16[%swap3A] {strides = array<i32>} : memref<640xf32, #tpu.memory_space<vmem>>, vector<16xf32>,
      tpu.vector_store %arg16[%swap3A], %add3A_297 {strides = array<i32>} : memref<640xf32, #tpu.memory_space<vmem>>, vector<16xf32>,
    }
    %scan3A_161 = arith.constant 40 : i32
    %run_scoped3A_162 = arith.constant 7 : i32
    "tpu.region"() ({
      %run_scoped3A_290 = tpu.sem_alloc : memref<!tpu.dma_semaphore, #tpu.memory_space<semaphore_mem>>
      %dma_start3A = tpu.memref_slice %arg22[%run_scoped3A_162, %mul3A_51] : memref<16x10240xf32, #tpu.memory_space<vmem_shared>> -> memref<1x640xf32, #tpu.memory_space<vmem_shared>>
      %dma_start3A_291 = tpu.memref_squeeze %dma_start3A : memref<1x640xf32, #tpu.memory_space<vmem_shared>> -> memref<640xf32, #tpu.memory_space<vmem_shared>>
      %dma_start3A_292 = tpu.memref_slice %arg22[%run_scoped3A_162, %mul3A_51] : memref<16x10240xf32, #tpu.memory_space<vmem_shared>> -> memref<1x640xf32, #tpu.memory_space<vmem_shared>>
      %dma_start3A_293 = tpu.memref_squeeze %dma_start3A_292 : memref<1x640xf32, #tpu.memory_space<vmem_shared>> -> memref<640xf32, #tpu.memory_space<vmem_shared>>
      tpu.enqueue_dma source(%dma_start3A_293 : memref<640xf32, #tpu.memory_space<vmem_shared>>) target(%arg18 : memref<640xf32, #tpu.memory_space<vmem>>) target_semaphore(%run_scoped3A_290 : memref<!tpu.dma_semaphore, #tpu.memory_space<semaphore_mem>>)
      %dma_wait3A = tpu.memref_slice %arg22[%run_scoped3A_162, %mul3A_51] : memref<16x10240xf32, #tpu.memory_space<vmem_shared>> -> memref<1x640xf32, #tpu.memory_space<vmem_shared>>
      %dma_wait3A_294 = tpu.memref_squeeze %dma_wait3A : memref<1x640xf32, #tpu.memory_space<vmem_shared>> -> memref<640xf32, #tpu.memory_space<vmem_shared>>
      %dma_wait3A_295 = tpu.memref_slice %arg22[%run_scoped3A_162, %mul3A_51] : memref<16x10240xf32, #tpu.memory_space<vmem_shared>> -> memref<1x640xf32, #tpu.memory_space<vmem_shared>>
      %dma_wait3A_296 = tpu.memref_squeeze %dma_wait3A_295 : memref<1x640xf32, #tpu.memory_space<vmem_shared>> -> memref<640xf32, #tpu.memory_space<vmem_shared>>
      tpu.wait_dma2 semaphore(%run_scoped3A_290 : memref<!tpu.dma_semaphore, #tpu.memory_space<semaphore_mem>>) src(%dma_wait3A_296 : memref<640xf32, #tpu.memory_space<vmem_shared>>) dst(%arg18 : memref<640xf32, #tpu.memory_space<vmem>>)
      tpu.yield
    }) : () -> ()
    %scan3A_163 = arith.constant 0 : i32
    %scan3A_164 = arith.constant 0 : i32
    %scan3A_165 = arith.constant 40 : i32
    %scan3A_166 = arith.addi %scan3A_164, %scan3A_165 : i32
    %scan3A_167 = arith.constant 1 : i32
    scf.for %scan3A_290 = %scan3A_164 to %scan3A_166 step %scan3A_167  : i32 {
      %mul3A_291 = arith.constant 16 : i32
      %mul3A_292 = arith.muli %scan3A_290, %mul3A_291 : i32
      %get3A_293 = arith.index_cast %mul3A_292 : i32 to index
      %get3A_294 = tpu.vector_load %arg17[%get3A_293] {strides = array<i32>} : memref<640xf32, #tpu.memory_space<vmem>>, vector<16xf32>,
      %get3A_295 = arith.index_cast %mul3A_292 : i32 to index
      %get3A_296 = tpu.vector_load %arg18[%get3A_295] {strides = array<i32>} : memref<640xf32, #tpu.memory_space<vmem>>, vector<16xf32>,
      %add3A_297 = arith.addf %get3A_294, %get3A_296 : vector<16xf32>
      %swap3A = arith.index_cast %mul3A_292 : i32 to index
      %swap3A_298 = tpu.vector_load %arg17[%swap3A] {strides = array<i32>} : memref<640xf32, #tpu.memory_space<vmem>>, vector<16xf32>,
      tpu.vector_store %arg17[%swap3A], %add3A_297 {strides = array<i32>} : memref<640xf32, #tpu.memory_space<vmem>>, vector<16xf32>,
    }
    %scan3A_168 = arith.constant 40 : i32
    %run_scoped3A_169 = arith.constant 8 : i32
    "tpu.region"() ({
      %run_scoped3A_290 = tpu.sem_alloc : memref<!tpu.dma_semaphore, #tpu.memory_space<semaphore_mem>>
      %dma_start3A = tpu.memref_slice %arg21[%run_scoped3A_169, %mul3A_51] : memref<16x10240xf32, #tpu.memory_space<vmem_shared>> -> memref<1x640xf32, #tpu.memory_space<vmem_shared>>
      %dma_start3A_291 = tpu.memref_squeeze %dma_start3A : memref<1x640xf32, #tpu.memory_space<vmem_shared>> -> memref<640xf32, #tpu.memory_space<vmem_shared>>
      %dma_start3A_292 = tpu.memref_slice %arg21[%run_scoped3A_169, %mul3A_51] : memref<16x10240xf32, #tpu.memory_space<vmem_shared>> -> memref<1x640xf32, #tpu.memory_space<vmem_shared>>
      %dma_start3A_293 = tpu.memref_squeeze %dma_start3A_292 : memref<1x640xf32, #tpu.memory_space<vmem_shared>> -> memref<640xf32, #tpu.memory_space<vmem_shared>>
      tpu.enqueue_dma source(%dma_start3A_293 : memref<640xf32, #tpu.memory_space<vmem_shared>>) target(%arg18 : memref<640xf32, #tpu.memory_space<vmem>>) target_semaphore(%run_scoped3A_290 : memref<!tpu.dma_semaphore, #tpu.memory_space<semaphore_mem>>)
      %dma_wait3A = tpu.memref_slice %arg21[%run_scoped3A_169, %mul3A_51] : memref<16x10240xf32, #tpu.memory_space<vmem_shared>> -> memref<1x640xf32, #tpu.memory_space<vmem_shared>>
      %dma_wait3A_294 = tpu.memref_squeeze %dma_wait3A : memref<1x640xf32, #tpu.memory_space<vmem_shared>> -> memref<640xf32, #tpu.memory_space<vmem_shared>>
      %dma_wait3A_295 = tpu.memref_slice %arg21[%run_scoped3A_169, %mul3A_51] : memref<16x10240xf32, #tpu.memory_space<vmem_shared>> -> memref<1x640xf32, #tpu.memory_space<vmem_shared>>
      %dma_wait3A_296 = tpu.memref_squeeze %dma_wait3A_295 : memref<1x640xf32, #tpu.memory_space<vmem_shared>> -> memref<640xf32, #tpu.memory_space<vmem_shared>>
      tpu.wait_dma2 semaphore(%run_scoped3A_290 : memref<!tpu.dma_semaphore, #tpu.memory_space<semaphore_mem>>) src(%dma_wait3A_296 : memref<640xf32, #tpu.memory_space<vmem_shared>>) dst(%arg18 : memref<640xf32, #tpu.memory_space<vmem>>)
      tpu.yield
    }) : () -> ()
    %scan3A_170 = arith.constant 0 : i32
    %scan3A_171 = arith.constant 0 : i32
    %scan3A_172 = arith.constant 40 : i32
    %scan3A_173 = arith.addi %scan3A_171, %scan3A_172 : i32
    %scan3A_174 = arith.constant 1 : i32
    scf.for %scan3A_290 = %scan3A_171 to %scan3A_173 step %scan3A_174  : i32 {
      %mul3A_291 = arith.constant 16 : i32
      %mul3A_292 = arith.muli %scan3A_290, %mul3A_291 : i32
      %get3A_293 = arith.index_cast %mul3A_292 : i32 to index
      %get3A_294 = tpu.vector_load %arg16[%get3A_293] {strides = array<i32>} : memref<640xf32, #tpu.memory_space<vmem>>, vector<16xf32>,
      %get3A_295 = arith.index_cast %mul3A_292 : i32 to index
      %get3A_296 = tpu.vector_load %arg18[%get3A_295] {strides = array<i32>} : memref<640xf32, #tpu.memory_space<vmem>>, vector<16xf32>,
      %add3A_297 = arith.addf %get3A_294, %get3A_296 : vector<16xf32>
      %swap3A = arith.index_cast %mul3A_292 : i32 to index
      %swap3A_298 = tpu.vector_load %arg16[%swap3A] {strides = array<i32>} : memref<640xf32, #tpu.memory_space<vmem>>, vector<16xf32>,
      tpu.vector_store %arg16[%swap3A], %add3A_297 {strides = array<i32>} : memref<640xf32, #tpu.memory_space<vmem>>, vector<16xf32>,
    }
    %scan3A_175 = arith.constant 40 : i32
    %run_scoped3A_176 = arith.constant 8 : i32
    "tpu.region"() ({
      %run_scoped3A_290 = tpu.sem_alloc : memref<!tpu.dma_semaphore, #tpu.memory_space<semaphore_mem>>
      %dma_start3A = tpu.memref_slice %arg22[%run_scoped3A_176, %mul3A_51] : memref<16x10240xf32, #tpu.memory_space<vmem_shared>> -> memref<1x640xf32, #tpu.memory_space<vmem_shared>>
      %dma_start3A_291 = tpu.memref_squeeze %dma_start3A : memref<1x640xf32, #tpu.memory_space<vmem_shared>> -> memref<640xf32, #tpu.memory_space<vmem_shared>>
      %dma_start3A_292 = tpu.memref_slice %arg22[%run_scoped3A_176, %mul3A_51] : memref<16x10240xf32, #tpu.memory_space<vmem_shared>> -> memref<1x640xf32, #tpu.memory_space<vmem_shared>>
      %dma_start3A_293 = tpu.memref_squeeze %dma_start3A_292 : memref<1x640xf32, #tpu.memory_space<vmem_shared>> -> memref<640xf32, #tpu.memory_space<vmem_shared>>
      tpu.enqueue_dma source(%dma_start3A_293 : memref<640xf32, #tpu.memory_space<vmem_shared>>) target(%arg18 : memref<640xf32, #tpu.memory_space<vmem>>) target_semaphore(%run_scoped3A_290 : memref<!tpu.dma_semaphore, #tpu.memory_space<semaphore_mem>>)
      %dma_wait3A = tpu.memref_slice %arg22[%run_scoped3A_176, %mul3A_51] : memref<16x10240xf32, #tpu.memory_space<vmem_shared>> -> memref<1x640xf32, #tpu.memory_space<vmem_shared>>
      %dma_wait3A_294 = tpu.memref_squeeze %dma_wait3A : memref<1x640xf32, #tpu.memory_space<vmem_shared>> -> memref<640xf32, #tpu.memory_space<vmem_shared>>
      %dma_wait3A_295 = tpu.memref_slice %arg22[%run_scoped3A_176, %mul3A_51] : memref<16x10240xf32, #tpu.memory_space<vmem_shared>> -> memref<1x640xf32, #tpu.memory_space<vmem_shared>>
      %dma_wait3A_296 = tpu.memref_squeeze %dma_wait3A_295 : memref<1x640xf32, #tpu.memory_space<vmem_shared>> -> memref<640xf32, #tpu.memory_space<vmem_shared>>
      tpu.wait_dma2 semaphore(%run_scoped3A_290 : memref<!tpu.dma_semaphore, #tpu.memory_space<semaphore_mem>>) src(%dma_wait3A_296 : memref<640xf32, #tpu.memory_space<vmem_shared>>) dst(%arg18 : memref<640xf32, #tpu.memory_space<vmem>>)
      tpu.yield
    }) : () -> ()
    %scan3A_177 = arith.constant 0 : i32
    %scan3A_178 = arith.constant 0 : i32
    %scan3A_179 = arith.constant 40 : i32
    %scan3A_180 = arith.addi %scan3A_178, %scan3A_179 : i32
    %scan3A_181 = arith.constant 1 : i32
    scf.for %scan3A_290 = %scan3A_178 to %scan3A_180 step %scan3A_181  : i32 {
      %mul3A_291 = arith.constant 16 : i32
      %mul3A_292 = arith.muli %scan3A_290, %mul3A_291 : i32
      %get3A_293 = arith.index_cast %mul3A_292 : i32 to index
      %get3A_294 = tpu.vector_load %arg17[%get3A_293] {strides = array<i32>} : memref<640xf32, #tpu.memory_space<vmem>>, vector<16xf32>,
      %get3A_295 = arith.index_cast %mul3A_292 : i32 to index
      %get3A_296 = tpu.vector_load %arg18[%get3A_295] {strides = array<i32>} : memref<640xf32, #tpu.memory_space<vmem>>, vector<16xf32>,
      %add3A_297 = arith.addf %get3A_294, %get3A_296 : vector<16xf32>
      %swap3A = arith.index_cast %mul3A_292 : i32 to index
      %swap3A_298 = tpu.vector_load %arg17[%swap3A] {strides = array<i32>} : memref<640xf32, #tpu.memory_space<vmem>>, vector<16xf32>,
      tpu.vector_store %arg17[%swap3A], %add3A_297 {strides = array<i32>} : memref<640xf32, #tpu.memory_space<vmem>>, vector<16xf32>,
    }
    %scan3A_182 = arith.constant 40 : i32
    %run_scoped3A_183 = arith.constant 9 : i32
    "tpu.region"() ({
      %run_scoped3A_290 = tpu.sem_alloc : memref<!tpu.dma_semaphore, #tpu.memory_space<semaphore_mem>>
      %dma_start3A = tpu.memref_slice %arg21[%run_scoped3A_183, %mul3A_51] : memref<16x10240xf32, #tpu.memory_space<vmem_shared>> -> memref<1x640xf32, #tpu.memory_space<vmem_shared>>
      %dma_start3A_291 = tpu.memref_squeeze %dma_start3A : memref<1x640xf32, #tpu.memory_space<vmem_shared>> -> memref<640xf32, #tpu.memory_space<vmem_shared>>
      %dma_start3A_292 = tpu.memref_slice %arg21[%run_scoped3A_183, %mul3A_51] : memref<16x10240xf32, #tpu.memory_space<vmem_shared>> -> memref<1x640xf32, #tpu.memory_space<vmem_shared>>
      %dma_start3A_293 = tpu.memref_squeeze %dma_start3A_292 : memref<1x640xf32, #tpu.memory_space<vmem_shared>> -> memref<640xf32, #tpu.memory_space<vmem_shared>>
      tpu.enqueue_dma source(%dma_start3A_293 : memref<640xf32, #tpu.memory_space<vmem_shared>>) target(%arg18 : memref<640xf32, #tpu.memory_space<vmem>>) target_semaphore(%run_scoped3A_290 : memref<!tpu.dma_semaphore, #tpu.memory_space<semaphore_mem>>)
      %dma_wait3A = tpu.memref_slice %arg21[%run_scoped3A_183, %mul3A_51] : memref<16x10240xf32, #tpu.memory_space<vmem_shared>> -> memref<1x640xf32, #tpu.memory_space<vmem_shared>>
      %dma_wait3A_294 = tpu.memref_squeeze %dma_wait3A : memref<1x640xf32, #tpu.memory_space<vmem_shared>> -> memref<640xf32, #tpu.memory_space<vmem_shared>>
      %dma_wait3A_295 = tpu.memref_slice %arg21[%run_scoped3A_183, %mul3A_51] : memref<16x10240xf32, #tpu.memory_space<vmem_shared>> -> memref<1x640xf32, #tpu.memory_space<vmem_shared>>
      %dma_wait3A_296 = tpu.memref_squeeze %dma_wait3A_295 : memref<1x640xf32, #tpu.memory_space<vmem_shared>> -> memref<640xf32, #tpu.memory_space<vmem_shared>>
      tpu.wait_dma2 semaphore(%run_scoped3A_290 : memref<!tpu.dma_semaphore, #tpu.memory_space<semaphore_mem>>) src(%dma_wait3A_296 : memref<640xf32, #tpu.memory_space<vmem_shared>>) dst(%arg18 : memref<640xf32, #tpu.memory_space<vmem>>)
      tpu.yield
    }) : () -> ()
    %scan3A_184 = arith.constant 0 : i32
    %scan3A_185 = arith.constant 0 : i32
    %scan3A_186 = arith.constant 40 : i32
    %scan3A_187 = arith.addi %scan3A_185, %scan3A_186 : i32
    %scan3A_188 = arith.constant 1 : i32
    scf.for %scan3A_290 = %scan3A_185 to %scan3A_187 step %scan3A_188  : i32 {
      %mul3A_291 = arith.constant 16 : i32
      %mul3A_292 = arith.muli %scan3A_290, %mul3A_291 : i32
      %get3A_293 = arith.index_cast %mul3A_292 : i32 to index
      %get3A_294 = tpu.vector_load %arg16[%get3A_293] {strides = array<i32>} : memref<640xf32, #tpu.memory_space<vmem>>, vector<16xf32>,
      %get3A_295 = arith.index_cast %mul3A_292 : i32 to index
      %get3A_296 = tpu.vector_load %arg18[%get3A_295] {strides = array<i32>} : memref<640xf32, #tpu.memory_space<vmem>>, vector<16xf32>,
      %add3A_297 = arith.addf %get3A_294, %get3A_296 : vector<16xf32>
      %swap3A = arith.index_cast %mul3A_292 : i32 to index
      %swap3A_298 = tpu.vector_load %arg16[%swap3A] {strides = array<i32>} : memref<640xf32, #tpu.memory_space<vmem>>, vector<16xf32>,
      tpu.vector_store %arg16[%swap3A], %add3A_297 {strides = array<i32>} : memref<640xf32, #tpu.memory_space<vmem>>, vector<16xf32>,
    }
    %scan3A_189 = arith.constant 40 : i32
    %run_scoped3A_190 = arith.constant 9 : i32
    "tpu.region"() ({
      %run_scoped3A_290 = tpu.sem_alloc : memref<!tpu.dma_semaphore, #tpu.memory_space<semaphore_mem>>
      %dma_start3A = tpu.memref_slice %arg22[%run_scoped3A_190, %mul3A_51] : memref<16x10240xf32, #tpu.memory_space<vmem_shared>> -> memref<1x640xf32, #tpu.memory_space<vmem_shared>>
      %dma_start3A_291 = tpu.memref_squeeze %dma_start3A : memref<1x640xf32, #tpu.memory_space<vmem_shared>> -> memref<640xf32, #tpu.memory_space<vmem_shared>>
      %dma_start3A_292 = tpu.memref_slice %arg22[%run_scoped3A_190, %mul3A_51] : memref<16x10240xf32, #tpu.memory_space<vmem_shared>> -> memref<1x640xf32, #tpu.memory_space<vmem_shared>>
      %dma_start3A_293 = tpu.memref_squeeze %dma_start3A_292 : memref<1x640xf32, #tpu.memory_space<vmem_shared>> -> memref<640xf32, #tpu.memory_space<vmem_shared>>
      tpu.enqueue_dma source(%dma_start3A_293 : memref<640xf32, #tpu.memory_space<vmem_shared>>) target(%arg18 : memref<640xf32, #tpu.memory_space<vmem>>) target_semaphore(%run_scoped3A_290 : memref<!tpu.dma_semaphore, #tpu.memory_space<semaphore_mem>>)
      %dma_wait3A = tpu.memref_slice %arg22[%run_scoped3A_190, %mul3A_51] : memref<16x10240xf32, #tpu.memory_space<vmem_shared>> -> memref<1x640xf32, #tpu.memory_space<vmem_shared>>
      %dma_wait3A_294 = tpu.memref_squeeze %dma_wait3A : memref<1x640xf32, #tpu.memory_space<vmem_shared>> -> memref<640xf32, #tpu.memory_space<vmem_shared>>
      %dma_wait3A_295 = tpu.memref_slice %arg22[%run_scoped3A_190, %mul3A_51] : memref<16x10240xf32, #tpu.memory_space<vmem_shared>> -> memref<1x640xf32, #tpu.memory_space<vmem_shared>>
      %dma_wait3A_296 = tpu.memref_squeeze %dma_wait3A_295 : memref<1x640xf32, #tpu.memory_space<vmem_shared>> -> memref<640xf32, #tpu.memory_space<vmem_shared>>
      tpu.wait_dma2 semaphore(%run_scoped3A_290 : memref<!tpu.dma_semaphore, #tpu.memory_space<semaphore_mem>>) src(%dma_wait3A_296 : memref<640xf32, #tpu.memory_space<vmem_shared>>) dst(%arg18 : memref<640xf32, #tpu.memory_space<vmem>>)
      tpu.yield
    }) : () -> ()
    %scan3A_191 = arith.constant 0 : i32
    %scan3A_192 = arith.constant 0 : i32
    %scan3A_193 = arith.constant 40 : i32
    %scan3A_194 = arith.addi %scan3A_192, %scan3A_193 : i32
    %scan3A_195 = arith.constant 1 : i32
    scf.for %scan3A_290 = %scan3A_192 to %scan3A_194 step %scan3A_195  : i32 {
      %mul3A_291 = arith.constant 16 : i32
      %mul3A_292 = arith.muli %scan3A_290, %mul3A_291 : i32
      %get3A_293 = arith.index_cast %mul3A_292 : i32 to index
      %get3A_294 = tpu.vector_load %arg17[%get3A_293] {strides = array<i32>} : memref<640xf32, #tpu.memory_space<vmem>>, vector<16xf32>,
      %get3A_295 = arith.index_cast %mul3A_292 : i32 to index
      %get3A_296 = tpu.vector_load %arg18[%get3A_295] {strides = array<i32>} : memref<640xf32, #tpu.memory_space<vmem>>, vector<16xf32>,
      %add3A_297 = arith.addf %get3A_294, %get3A_296 : vector<16xf32>
      %swap3A = arith.index_cast %mul3A_292 : i32 to index
      %swap3A_298 = tpu.vector_load %arg17[%swap3A] {strides = array<i32>} : memref<640xf32, #tpu.memory_space<vmem>>, vector<16xf32>,
      tpu.vector_store %arg17[%swap3A], %add3A_297 {strides = array<i32>} : memref<640xf32, #tpu.memory_space<vmem>>, vector<16xf32>,
    }
    %scan3A_196 = arith.constant 40 : i32
    %run_scoped3A_197 = arith.constant 10 : i32
    "tpu.region"() ({
      %run_scoped3A_290 = tpu.sem_alloc : memref<!tpu.dma_semaphore, #tpu.memory_space<semaphore_mem>>
      %dma_start3A = tpu.memref_slice %arg21[%run_scoped3A_197, %mul3A_51] : memref<16x10240xf32, #tpu.memory_space<vmem_shared>> -> memref<1x640xf32, #tpu.memory_space<vmem_shared>>
      %dma_start3A_291 = tpu.memref_squeeze %dma_start3A : memref<1x640xf32, #tpu.memory_space<vmem_shared>> -> memref<640xf32, #tpu.memory_space<vmem_shared>>
      %dma_start3A_292 = tpu.memref_slice %arg21[%run_scoped3A_197, %mul3A_51] : memref<16x10240xf32, #tpu.memory_space<vmem_shared>> -> memref<1x640xf32, #tpu.memory_space<vmem_shared>>
      %dma_start3A_293 = tpu.memref_squeeze %dma_start3A_292 : memref<1x640xf32, #tpu.memory_space<vmem_shared>> -> memref<640xf32, #tpu.memory_space<vmem_shared>>
      tpu.enqueue_dma source(%dma_start3A_293 : memref<640xf32, #tpu.memory_space<vmem_shared>>) target(%arg18 : memref<640xf32, #tpu.memory_space<vmem>>) target_semaphore(%run_scoped3A_290 : memref<!tpu.dma_semaphore, #tpu.memory_space<semaphore_mem>>)
      %dma_wait3A = tpu.memref_slice %arg21[%run_scoped3A_197, %mul3A_51] : memref<16x10240xf32, #tpu.memory_space<vmem_shared>> -> memref<1x640xf32, #tpu.memory_space<vmem_shared>>
      %dma_wait3A_294 = tpu.memref_squeeze %dma_wait3A : memref<1x640xf32, #tpu.memory_space<vmem_shared>> -> memref<640xf32, #tpu.memory_space<vmem_shared>>
      %dma_wait3A_295 = tpu.memref_slice %arg21[%run_scoped3A_197, %mul3A_51] : memref<16x10240xf32, #tpu.memory_space<vmem_shared>> -> memref<1x640xf32, #tpu.memory_space<vmem_shared>>
      %dma_wait3A_296 = tpu.memref_squeeze %dma_wait3A_295 : memref<1x640xf32, #tpu.memory_space<vmem_shared>> -> memref<640xf32, #tpu.memory_space<vmem_shared>>
      tpu.wait_dma2 semaphore(%run_scoped3A_290 : memref<!tpu.dma_semaphore, #tpu.memory_space<semaphore_mem>>) src(%dma_wait3A_296 : memref<640xf32, #tpu.memory_space<vmem_shared>>) dst(%arg18 : memref<640xf32, #tpu.memory_space<vmem>>)
      tpu.yield
    }) : () -> ()
    %scan3A_198 = arith.constant 0 : i32
    %scan3A_199 = arith.constant 0 : i32
    %scan3A_200 = arith.constant 40 : i32
    %scan3A_201 = arith.addi %scan3A_199, %scan3A_200 : i32
    %scan3A_202 = arith.constant 1 : i32
    scf.for %scan3A_290 = %scan3A_199 to %scan3A_201 step %scan3A_202  : i32 {
      %mul3A_291 = arith.constant 16 : i32
      %mul3A_292 = arith.muli %scan3A_290, %mul3A_291 : i32
      %get3A_293 = arith.index_cast %mul3A_292 : i32 to index
      %get3A_294 = tpu.vector_load %arg16[%get3A_293] {strides = array<i32>} : memref<640xf32, #tpu.memory_space<vmem>>, vector<16xf32>,
      %get3A_295 = arith.index_cast %mul3A_292 : i32 to index
      %get3A_296 = tpu.vector_load %arg18[%get3A_295] {strides = array<i32>} : memref<640xf32, #tpu.memory_space<vmem>>, vector<16xf32>,
      %add3A_297 = arith.addf %get3A_294, %get3A_296 : vector<16xf32>
      %swap3A = arith.index_cast %mul3A_292 : i32 to index
      %swap3A_298 = tpu.vector_load %arg16[%swap3A] {strides = array<i32>} : memref<640xf32, #tpu.memory_space<vmem>>, vector<16xf32>,
      tpu.vector_store %arg16[%swap3A], %add3A_297 {strides = array<i32>} : memref<640xf32, #tpu.memory_space<vmem>>, vector<16xf32>,
    }
    %scan3A_203 = arith.constant 40 : i32
    %run_scoped3A_204 = arith.constant 10 : i32
    "tpu.region"() ({
      %run_scoped3A_290 = tpu.sem_alloc : memref<!tpu.dma_semaphore, #tpu.memory_space<semaphore_mem>>
      %dma_start3A = tpu.memref_slice %arg22[%run_scoped3A_204, %mul3A_51] : memref<16x10240xf32, #tpu.memory_space<vmem_shared>> -> memref<1x640xf32, #tpu.memory_space<vmem_shared>>
      %dma_start3A_291 = tpu.memref_squeeze %dma_start3A : memref<1x640xf32, #tpu.memory_space<vmem_shared>> -> memref<640xf32, #tpu.memory_space<vmem_shared>>
      %dma_start3A_292 = tpu.memref_slice %arg22[%run_scoped3A_204, %mul3A_51] : memref<16x10240xf32, #tpu.memory_space<vmem_shared>> -> memref<1x640xf32, #tpu.memory_space<vmem_shared>>
      %dma_start3A_293 = tpu.memref_squeeze %dma_start3A_292 : memref<1x640xf32, #tpu.memory_space<vmem_shared>> -> memref<640xf32, #tpu.memory_space<vmem_shared>>
      tpu.enqueue_dma source(%dma_start3A_293 : memref<640xf32, #tpu.memory_space<vmem_shared>>) target(%arg18 : memref<640xf32, #tpu.memory_space<vmem>>) target_semaphore(%run_scoped3A_290 : memref<!tpu.dma_semaphore, #tpu.memory_space<semaphore_mem>>)
      %dma_wait3A = tpu.memref_slice %arg22[%run_scoped3A_204, %mul3A_51] : memref<16x10240xf32, #tpu.memory_space<vmem_shared>> -> memref<1x640xf32, #tpu.memory_space<vmem_shared>>
      %dma_wait3A_294 = tpu.memref_squeeze %dma_wait3A : memref<1x640xf32, #tpu.memory_space<vmem_shared>> -> memref<640xf32, #tpu.memory_space<vmem_shared>>
      %dma_wait3A_295 = tpu.memref_slice %arg22[%run_scoped3A_204, %mul3A_51] : memref<16x10240xf32, #tpu.memory_space<vmem_shared>> -> memref<1x640xf32, #tpu.memory_space<vmem_shared>>
      %dma_wait3A_296 = tpu.memref_squeeze %dma_wait3A_295 : memref<1x640xf32, #tpu.memory_space<vmem_shared>> -> memref<640xf32, #tpu.memory_space<vmem_shared>>
      tpu.wait_dma2 semaphore(%run_scoped3A_290 : memref<!tpu.dma_semaphore, #tpu.memory_space<semaphore_mem>>) src(%dma_wait3A_296 : memref<640xf32, #tpu.memory_space<vmem_shared>>) dst(%arg18 : memref<640xf32, #tpu.memory_space<vmem>>)
      tpu.yield
    }) : () -> ()
    %scan3A_205 = arith.constant 0 : i32
    %scan3A_206 = arith.constant 0 : i32
    %scan3A_207 = arith.constant 40 : i32
    %scan3A_208 = arith.addi %scan3A_206, %scan3A_207 : i32
    %scan3A_209 = arith.constant 1 : i32
    scf.for %scan3A_290 = %scan3A_206 to %scan3A_208 step %scan3A_209  : i32 {
      %mul3A_291 = arith.constant 16 : i32
      %mul3A_292 = arith.muli %scan3A_290, %mul3A_291 : i32
      %get3A_293 = arith.index_cast %mul3A_292 : i32 to index
      %get3A_294 = tpu.vector_load %arg17[%get3A_293] {strides = array<i32>} : memref<640xf32, #tpu.memory_space<vmem>>, vector<16xf32>,
      %get3A_295 = arith.index_cast %mul3A_292 : i32 to index
      %get3A_296 = tpu.vector_load %arg18[%get3A_295] {strides = array<i32>} : memref<640xf32, #tpu.memory_space<vmem>>, vector<16xf32>,
      %add3A_297 = arith.addf %get3A_294, %get3A_296 : vector<16xf32>
      %swap3A = arith.index_cast %mul3A_292 : i32 to index
      %swap3A_298 = tpu.vector_load %arg17[%swap3A] {strides = array<i32>} : memref<640xf32, #tpu.memory_space<vmem>>, vector<16xf32>,
      tpu.vector_store %arg17[%swap3A], %add3A_297 {strides = array<i32>} : memref<640xf32, #tpu.memory_space<vmem>>, vector<16xf32>,
    }
    %scan3A_210 = arith.constant 40 : i32
    %run_scoped3A_211 = arith.constant 11 : i32
    "tpu.region"() ({
      %run_scoped3A_290 = tpu.sem_alloc : memref<!tpu.dma_semaphore, #tpu.memory_space<semaphore_mem>>
      %dma_start3A = tpu.memref_slice %arg21[%run_scoped3A_211, %mul3A_51] : memref<16x10240xf32, #tpu.memory_space<vmem_shared>> -> memref<1x640xf32, #tpu.memory_space<vmem_shared>>
      %dma_start3A_291 = tpu.memref_squeeze %dma_start3A : memref<1x640xf32, #tpu.memory_space<vmem_shared>> -> memref<640xf32, #tpu.memory_space<vmem_shared>>
      %dma_start3A_292 = tpu.memref_slice %arg21[%run_scoped3A_211, %mul3A_51] : memref<16x10240xf32, #tpu.memory_space<vmem_shared>> -> memref<1x640xf32, #tpu.memory_space<vmem_shared>>
      %dma_start3A_293 = tpu.memref_squeeze %dma_start3A_292 : memref<1x640xf32, #tpu.memory_space<vmem_shared>> -> memref<640xf32, #tpu.memory_space<vmem_shared>>
      tpu.enqueue_dma source(%dma_start3A_293 : memref<640xf32, #tpu.memory_space<vmem_shared>>) target(%arg18 : memref<640xf32, #tpu.memory_space<vmem>>) target_semaphore(%run_scoped3A_290 : memref<!tpu.dma_semaphore, #tpu.memory_space<semaphore_mem>>)
      %dma_wait3A = tpu.memref_slice %arg21[%run_scoped3A_211, %mul3A_51] : memref<16x10240xf32, #tpu.memory_space<vmem_shared>> -> memref<1x640xf32, #tpu.memory_space<vmem_shared>>
      %dma_wait3A_294 = tpu.memref_squeeze %dma_wait3A : memref<1x640xf32, #tpu.memory_space<vmem_shared>> -> memref<640xf32, #tpu.memory_space<vmem_shared>>
      %dma_wait3A_295 = tpu.memref_slice %arg21[%run_scoped3A_211, %mul3A_51] : memref<16x10240xf32, #tpu.memory_space<vmem_shared>> -> memref<1x640xf32, #tpu.memory_space<vmem_shared>>
      %dma_wait3A_296 = tpu.memref_squeeze %dma_wait3A_295 : memref<1x640xf32, #tpu.memory_space<vmem_shared>> -> memref<640xf32, #tpu.memory_space<vmem_shared>>
      tpu.wait_dma2 semaphore(%run_scoped3A_290 : memref<!tpu.dma_semaphore, #tpu.memory_space<semaphore_mem>>) src(%dma_wait3A_296 : memref<640xf32, #tpu.memory_space<vmem_shared>>) dst(%arg18 : memref<640xf32, #tpu.memory_space<vmem>>)
      tpu.yield
    }) : () -> ()
    %scan3A_212 = arith.constant 0 : i32
    %scan3A_213 = arith.constant 0 : i32
    %scan3A_214 = arith.constant 40 : i32
    %scan3A_215 = arith.addi %scan3A_213, %scan3A_214 : i32
    %scan3A_216 = arith.constant 1 : i32
    scf.for %scan3A_290 = %scan3A_213 to %scan3A_215 step %scan3A_216  : i32 {
      %mul3A_291 = arith.constant 16 : i32
      %mul3A_292 = arith.muli %scan3A_290, %mul3A_291 : i32
      %get3A_293 = arith.index_cast %mul3A_292 : i32 to index
      %get3A_294 = tpu.vector_load %arg16[%get3A_293] {strides = array<i32>} : memref<640xf32, #tpu.memory_space<vmem>>, vector<16xf32>,
      %get3A_295 = arith.index_cast %mul3A_292 : i32 to index
      %get3A_296 = tpu.vector_load %arg18[%get3A_295] {strides = array<i32>} : memref<640xf32, #tpu.memory_space<vmem>>, vector<16xf32>,
      %add3A_297 = arith.addf %get3A_294, %get3A_296 : vector<16xf32>
      %swap3A = arith.index_cast %mul3A_292 : i32 to index
      %swap3A_298 = tpu.vector_load %arg16[%swap3A] {strides = array<i32>} : memref<640xf32, #tpu.memory_space<vmem>>, vector<16xf32>,
      tpu.vector_store %arg16[%swap3A], %add3A_297 {strides = array<i32>} : memref<640xf32, #tpu.memory_space<vmem>>, vector<16xf32>,
    }
    %scan3A_217 = arith.constant 40 : i32
    %run_scoped3A_218 = arith.constant 11 : i32
    "tpu.region"() ({
      %run_scoped3A_290 = tpu.sem_alloc : memref<!tpu.dma_semaphore, #tpu.memory_space<semaphore_mem>>
      %dma_start3A = tpu.memref_slice %arg22[%run_scoped3A_218, %mul3A_51] : memref<16x10240xf32, #tpu.memory_space<vmem_shared>> -> memref<1x640xf32, #tpu.memory_space<vmem_shared>>
      %dma_start3A_291 = tpu.memref_squeeze %dma_start3A : memref<1x640xf32, #tpu.memory_space<vmem_shared>> -> memref<640xf32, #tpu.memory_space<vmem_shared>>
      %dma_start3A_292 = tpu.memref_slice %arg22[%run_scoped3A_218, %mul3A_51] : memref<16x10240xf32, #tpu.memory_space<vmem_shared>> -> memref<1x640xf32, #tpu.memory_space<vmem_shared>>
      %dma_start3A_293 = tpu.memref_squeeze %dma_start3A_292 : memref<1x640xf32, #tpu.memory_space<vmem_shared>> -> memref<640xf32, #tpu.memory_space<vmem_shared>>
      tpu.enqueue_dma source(%dma_start3A_293 : memref<640xf32, #tpu.memory_space<vmem_shared>>) target(%arg18 : memref<640xf32, #tpu.memory_space<vmem>>) target_semaphore(%run_scoped3A_290 : memref<!tpu.dma_semaphore, #tpu.memory_space<semaphore_mem>>)
      %dma_wait3A = tpu.memref_slice %arg22[%run_scoped3A_218, %mul3A_51] : memref<16x10240xf32, #tpu.memory_space<vmem_shared>> -> memref<1x640xf32, #tpu.memory_space<vmem_shared>>
      %dma_wait3A_294 = tpu.memref_squeeze %dma_wait3A : memref<1x640xf32, #tpu.memory_space<vmem_shared>> -> memref<640xf32, #tpu.memory_space<vmem_shared>>
      %dma_wait3A_295 = tpu.memref_slice %arg22[%run_scoped3A_218, %mul3A_51] : memref<16x10240xf32, #tpu.memory_space<vmem_shared>> -> memref<1x640xf32, #tpu.memory_space<vmem_shared>>
      %dma_wait3A_296 = tpu.memref_squeeze %dma_wait3A_295 : memref<1x640xf32, #tpu.memory_space<vmem_shared>> -> memref<640xf32, #tpu.memory_space<vmem_shared>>
      tpu.wait_dma2 semaphore(%run_scoped3A_290 : memref<!tpu.dma_semaphore, #tpu.memory_space<semaphore_mem>>) src(%dma_wait3A_296 : memref<640xf32, #tpu.memory_space<vmem_shared>>) dst(%arg18 : memref<640xf32, #tpu.memory_space<vmem>>)
      tpu.yield
    }) : () -> ()
    %scan3A_219 = arith.constant 0 : i32
    %scan3A_220 = arith.constant 0 : i32
    %scan3A_221 = arith.constant 40 : i32
    %scan3A_222 = arith.addi %scan3A_220, %scan3A_221 : i32
    %scan3A_223 = arith.constant 1 : i32
    scf.for %scan3A_290 = %scan3A_220 to %scan3A_222 step %scan3A_223  : i32 {
      %mul3A_291 = arith.constant 16 : i32
      %mul3A_292 = arith.muli %scan3A_290, %mul3A_291 : i32
      %get3A_293 = arith.index_cast %mul3A_292 : i32 to index
      %get3A_294 = tpu.vector_load %arg17[%get3A_293] {strides = array<i32>} : memref<640xf32, #tpu.memory_space<vmem>>, vector<16xf32>,
      %get3A_295 = arith.index_cast %mul3A_292 : i32 to index
      %get3A_296 = tpu.vector_load %arg18[%get3A_295] {strides = array<i32>} : memref<640xf32, #tpu.memory_space<vmem>>, vector<16xf32>,
      %add3A_297 = arith.addf %get3A_294, %get3A_296 : vector<16xf32>
      %swap3A = arith.index_cast %mul3A_292 : i32 to index
      %swap3A_298 = tpu.vector_load %arg17[%swap3A] {strides = array<i32>} : memref<640xf32, #tpu.memory_space<vmem>>, vector<16xf32>,
      tpu.vector_store %arg17[%swap3A], %add3A_297 {strides = array<i32>} : memref<640xf32, #tpu.memory_space<vmem>>, vector<16xf32>,
    }
    %scan3A_224 = arith.constant 40 : i32
    %run_scoped3A_225 = arith.constant 12 : i32
    "tpu.region"() ({
      %run_scoped3A_290 = tpu.sem_alloc : memref<!tpu.dma_semaphore, #tpu.memory_space<semaphore_mem>>
      %dma_start3A = tpu.memref_slice %arg21[%run_scoped3A_225, %mul3A_51] : memref<16x10240xf32, #tpu.memory_space<vmem_shared>> -> memref<1x640xf32, #tpu.memory_space<vmem_shared>>
      %dma_start3A_291 = tpu.memref_squeeze %dma_start3A : memref<1x640xf32, #tpu.memory_space<vmem_shared>> -> memref<640xf32, #tpu.memory_space<vmem_shared>>
      %dma_start3A_292 = tpu.memref_slice %arg21[%run_scoped3A_225, %mul3A_51] : memref<16x10240xf32, #tpu.memory_space<vmem_shared>> -> memref<1x640xf32, #tpu.memory_space<vmem_shared>>
      %dma_start3A_293 = tpu.memref_squeeze %dma_start3A_292 : memref<1x640xf32, #tpu.memory_space<vmem_shared>> -> memref<640xf32, #tpu.memory_space<vmem_shared>>
      tpu.enqueue_dma source(%dma_start3A_293 : memref<640xf32, #tpu.memory_space<vmem_shared>>) target(%arg18 : memref<640xf32, #tpu.memory_space<vmem>>) target_semaphore(%run_scoped3A_290 : memref<!tpu.dma_semaphore, #tpu.memory_space<semaphore_mem>>)
      %dma_wait3A = tpu.memref_slice %arg21[%run_scoped3A_225, %mul3A_51] : memref<16x10240xf32, #tpu.memory_space<vmem_shared>> -> memref<1x640xf32, #tpu.memory_space<vmem_shared>>
      %dma_wait3A_294 = tpu.memref_squeeze %dma_wait3A : memref<1x640xf32, #tpu.memory_space<vmem_shared>> -> memref<640xf32, #tpu.memory_space<vmem_shared>>
      %dma_wait3A_295 = tpu.memref_slice %arg21[%run_scoped3A_225, %mul3A_51] : memref<16x10240xf32, #tpu.memory_space<vmem_shared>> -> memref<1x640xf32, #tpu.memory_space<vmem_shared>>
      %dma_wait3A_296 = tpu.memref_squeeze %dma_wait3A_295 : memref<1x640xf32, #tpu.memory_space<vmem_shared>> -> memref<640xf32, #tpu.memory_space<vmem_shared>>
      tpu.wait_dma2 semaphore(%run_scoped3A_290 : memref<!tpu.dma_semaphore, #tpu.memory_space<semaphore_mem>>) src(%dma_wait3A_296 : memref<640xf32, #tpu.memory_space<vmem_shared>>) dst(%arg18 : memref<640xf32, #tpu.memory_space<vmem>>)
      tpu.yield
    }) : () -> ()
    %scan3A_226 = arith.constant 0 : i32
    %scan3A_227 = arith.constant 0 : i32
    %scan3A_228 = arith.constant 40 : i32
    %scan3A_229 = arith.addi %scan3A_227, %scan3A_228 : i32
    %scan3A_230 = arith.constant 1 : i32
    scf.for %scan3A_290 = %scan3A_227 to %scan3A_229 step %scan3A_230  : i32 {
      %mul3A_291 = arith.constant 16 : i32
      %mul3A_292 = arith.muli %scan3A_290, %mul3A_291 : i32
      %get3A_293 = arith.index_cast %mul3A_292 : i32 to index
      %get3A_294 = tpu.vector_load %arg16[%get3A_293] {strides = array<i32>} : memref<640xf32, #tpu.memory_space<vmem>>, vector<16xf32>,
      %get3A_295 = arith.index_cast %mul3A_292 : i32 to index
      %get3A_296 = tpu.vector_load %arg18[%get3A_295] {strides = array<i32>} : memref<640xf32, #tpu.memory_space<vmem>>, vector<16xf32>,
      %add3A_297 = arith.addf %get3A_294, %get3A_296 : vector<16xf32>
      %swap3A = arith.index_cast %mul3A_292 : i32 to index
      %swap3A_298 = tpu.vector_load %arg16[%swap3A] {strides = array<i32>} : memref<640xf32, #tpu.memory_space<vmem>>, vector<16xf32>,
      tpu.vector_store %arg16[%swap3A], %add3A_297 {strides = array<i32>} : memref<640xf32, #tpu.memory_space<vmem>>, vector<16xf32>,
    }
    %scan3A_231 = arith.constant 40 : i32
    %run_scoped3A_232 = arith.constant 12 : i32
    "tpu.region"() ({
      %run_scoped3A_290 = tpu.sem_alloc : memref<!tpu.dma_semaphore, #tpu.memory_space<semaphore_mem>>
      %dma_start3A = tpu.memref_slice %arg22[%run_scoped3A_232, %mul3A_51] : memref<16x10240xf32, #tpu.memory_space<vmem_shared>> -> memref<1x640xf32, #tpu.memory_space<vmem_shared>>
      %dma_start3A_291 = tpu.memref_squeeze %dma_start3A : memref<1x640xf32, #tpu.memory_space<vmem_shared>> -> memref<640xf32, #tpu.memory_space<vmem_shared>>
      %dma_start3A_292 = tpu.memref_slice %arg22[%run_scoped3A_232, %mul3A_51] : memref<16x10240xf32, #tpu.memory_space<vmem_shared>> -> memref<1x640xf32, #tpu.memory_space<vmem_shared>>
      %dma_start3A_293 = tpu.memref_squeeze %dma_start3A_292 : memref<1x640xf32, #tpu.memory_space<vmem_shared>> -> memref<640xf32, #tpu.memory_space<vmem_shared>>
      tpu.enqueue_dma source(%dma_start3A_293 : memref<640xf32, #tpu.memory_space<vmem_shared>>) target(%arg18 : memref<640xf32, #tpu.memory_space<vmem>>) target_semaphore(%run_scoped3A_290 : memref<!tpu.dma_semaphore, #tpu.memory_space<semaphore_mem>>)
      %dma_wait3A = tpu.memref_slice %arg22[%run_scoped3A_232, %mul3A_51] : memref<16x10240xf32, #tpu.memory_space<vmem_shared>> -> memref<1x640xf32, #tpu.memory_space<vmem_shared>>
      %dma_wait3A_294 = tpu.memref_squeeze %dma_wait3A : memref<1x640xf32, #tpu.memory_space<vmem_shared>> -> memref<640xf32, #tpu.memory_space<vmem_shared>>
      %dma_wait3A_295 = tpu.memref_slice %arg22[%run_scoped3A_232, %mul3A_51] : memref<16x10240xf32, #tpu.memory_space<vmem_shared>> -> memref<1x640xf32, #tpu.memory_space<vmem_shared>>
      %dma_wait3A_296 = tpu.memref_squeeze %dma_wait3A_295 : memref<1x640xf32, #tpu.memory_space<vmem_shared>> -> memref<640xf32, #tpu.memory_space<vmem_shared>>
      tpu.wait_dma2 semaphore(%run_scoped3A_290 : memref<!tpu.dma_semaphore, #tpu.memory_space<semaphore_mem>>) src(%dma_wait3A_296 : memref<640xf32, #tpu.memory_space<vmem_shared>>) dst(%arg18 : memref<640xf32, #tpu.memory_space<vmem>>)
      tpu.yield
    }) : () -> ()
    %scan3A_233 = arith.constant 0 : i32
    %scan3A_234 = arith.constant 0 : i32
    %scan3A_235 = arith.constant 40 : i32
    %scan3A_236 = arith.addi %scan3A_234, %scan3A_235 : i32
    %scan3A_237 = arith.constant 1 : i32
    scf.for %scan3A_290 = %scan3A_234 to %scan3A_236 step %scan3A_237  : i32 {
      %mul3A_291 = arith.constant 16 : i32
      %mul3A_292 = arith.muli %scan3A_290, %mul3A_291 : i32
      %get3A_293 = arith.index_cast %mul3A_292 : i32 to index
      %get3A_294 = tpu.vector_load %arg17[%get3A_293] {strides = array<i32>} : memref<640xf32, #tpu.memory_space<vmem>>, vector<16xf32>,
      %get3A_295 = arith.index_cast %mul3A_292 : i32 to index
      %get3A_296 = tpu.vector_load %arg18[%get3A_295] {strides = array<i32>} : memref<640xf32, #tpu.memory_space<vmem>>, vector<16xf32>,
      %add3A_297 = arith.addf %get3A_294, %get3A_296 : vector<16xf32>
      %swap3A = arith.index_cast %mul3A_292 : i32 to index
      %swap3A_298 = tpu.vector_load %arg17[%swap3A] {strides = array<i32>} : memref<640xf32, #tpu.memory_space<vmem>>, vector<16xf32>,
      tpu.vector_store %arg17[%swap3A], %add3A_297 {strides = array<i32>} : memref<640xf32, #tpu.memory_space<vmem>>, vector<16xf32>,
    }
    %scan3A_238 = arith.constant 40 : i32
    %run_scoped3A_239 = arith.constant 13 : i32
    "tpu.region"() ({
      %run_scoped3A_290 = tpu.sem_alloc : memref<!tpu.dma_semaphore, #tpu.memory_space<semaphore_mem>>
      %dma_start3A = tpu.memref_slice %arg21[%run_scoped3A_239, %mul3A_51] : memref<16x10240xf32, #tpu.memory_space<vmem_shared>> -> memref<1x640xf32, #tpu.memory_space<vmem_shared>>
      %dma_start3A_291 = tpu.memref_squeeze %dma_start3A : memref<1x640xf32, #tpu.memory_space<vmem_shared>> -> memref<640xf32, #tpu.memory_space<vmem_shared>>
      %dma_start3A_292 = tpu.memref_slice %arg21[%run_scoped3A_239, %mul3A_51] : memref<16x10240xf32, #tpu.memory_space<vmem_shared>> -> memref<1x640xf32, #tpu.memory_space<vmem_shared>>
      %dma_start3A_293 = tpu.memref_squeeze %dma_start3A_292 : memref<1x640xf32, #tpu.memory_space<vmem_shared>> -> memref<640xf32, #tpu.memory_space<vmem_shared>>
      tpu.enqueue_dma source(%dma_start3A_293 : memref<640xf32, #tpu.memory_space<vmem_shared>>) target(%arg18 : memref<640xf32, #tpu.memory_space<vmem>>) target_semaphore(%run_scoped3A_290 : memref<!tpu.dma_semaphore, #tpu.memory_space<semaphore_mem>>)
      %dma_wait3A = tpu.memref_slice %arg21[%run_scoped3A_239, %mul3A_51] : memref<16x10240xf32, #tpu.memory_space<vmem_shared>> -> memref<1x640xf32, #tpu.memory_space<vmem_shared>>
      %dma_wait3A_294 = tpu.memref_squeeze %dma_wait3A : memref<1x640xf32, #tpu.memory_space<vmem_shared>> -> memref<640xf32, #tpu.memory_space<vmem_shared>>
      %dma_wait3A_295 = tpu.memref_slice %arg21[%run_scoped3A_239, %mul3A_51] : memref<16x10240xf32, #tpu.memory_space<vmem_shared>> -> memref<1x640xf32, #tpu.memory_space<vmem_shared>>
      %dma_wait3A_296 = tpu.memref_squeeze %dma_wait3A_295 : memref<1x640xf32, #tpu.memory_space<vmem_shared>> -> memref<640xf32, #tpu.memory_space<vmem_shared>>
      tpu.wait_dma2 semaphore(%run_scoped3A_290 : memref<!tpu.dma_semaphore, #tpu.memory_space<semaphore_mem>>) src(%dma_wait3A_296 : memref<640xf32, #tpu.memory_space<vmem_shared>>) dst(%arg18 : memref<640xf32, #tpu.memory_space<vmem>>)
      tpu.yield
    }) : () -> ()
    %scan3A_240 = arith.constant 0 : i32
    %scan3A_241 = arith.constant 0 : i32
    %scan3A_242 = arith.constant 40 : i32
    %scan3A_243 = arith.addi %scan3A_241, %scan3A_242 : i32
    %scan3A_244 = arith.constant 1 : i32
    scf.for %scan3A_290 = %scan3A_241 to %scan3A_243 step %scan3A_244  : i32 {
      %mul3A_291 = arith.constant 16 : i32
      %mul3A_292 = arith.muli %scan3A_290, %mul3A_291 : i32
      %get3A_293 = arith.index_cast %mul3A_292 : i32 to index
      %get3A_294 = tpu.vector_load %arg16[%get3A_293] {strides = array<i32>} : memref<640xf32, #tpu.memory_space<vmem>>, vector<16xf32>,
      %get3A_295 = arith.index_cast %mul3A_292 : i32 to index
      %get3A_296 = tpu.vector_load %arg18[%get3A_295] {strides = array<i32>} : memref<640xf32, #tpu.memory_space<vmem>>, vector<16xf32>,
      %add3A_297 = arith.addf %get3A_294, %get3A_296 : vector<16xf32>
      %swap3A = arith.index_cast %mul3A_292 : i32 to index
      %swap3A_298 = tpu.vector_load %arg16[%swap3A] {strides = array<i32>} : memref<640xf32, #tpu.memory_space<vmem>>, vector<16xf32>,
      tpu.vector_store %arg16[%swap3A], %add3A_297 {strides = array<i32>} : memref<640xf32, #tpu.memory_space<vmem>>, vector<16xf32>,
    }
    %scan3A_245 = arith.constant 40 : i32
    %run_scoped3A_246 = arith.constant 13 : i32
    "tpu.region"() ({
      %run_scoped3A_290 = tpu.sem_alloc : memref<!tpu.dma_semaphore, #tpu.memory_space<semaphore_mem>>
      %dma_start3A = tpu.memref_slice %arg22[%run_scoped3A_246, %mul3A_51] : memref<16x10240xf32, #tpu.memory_space<vmem_shared>> -> memref<1x640xf32, #tpu.memory_space<vmem_shared>>
      %dma_start3A_291 = tpu.memref_squeeze %dma_start3A : memref<1x640xf32, #tpu.memory_space<vmem_shared>> -> memref<640xf32, #tpu.memory_space<vmem_shared>>
      %dma_start3A_292 = tpu.memref_slice %arg22[%run_scoped3A_246, %mul3A_51] : memref<16x10240xf32, #tpu.memory_space<vmem_shared>> -> memref<1x640xf32, #tpu.memory_space<vmem_shared>>
      %dma_start3A_293 = tpu.memref_squeeze %dma_start3A_292 : memref<1x640xf32, #tpu.memory_space<vmem_shared>> -> memref<640xf32, #tpu.memory_space<vmem_shared>>
      tpu.enqueue_dma source(%dma_start3A_293 : memref<640xf32, #tpu.memory_space<vmem_shared>>) target(%arg18 : memref<640xf32, #tpu.memory_space<vmem>>) target_semaphore(%run_scoped3A_290 : memref<!tpu.dma_semaphore, #tpu.memory_space<semaphore_mem>>)
      %dma_wait3A = tpu.memref_slice %arg22[%run_scoped3A_246, %mul3A_51] : memref<16x10240xf32, #tpu.memory_space<vmem_shared>> -> memref<1x640xf32, #tpu.memory_space<vmem_shared>>
      %dma_wait3A_294 = tpu.memref_squeeze %dma_wait3A : memref<1x640xf32, #tpu.memory_space<vmem_shared>> -> memref<640xf32, #tpu.memory_space<vmem_shared>>
      %dma_wait3A_295 = tpu.memref_slice %arg22[%run_scoped3A_246, %mul3A_51] : memref<16x10240xf32, #tpu.memory_space<vmem_shared>> -> memref<1x640xf32, #tpu.memory_space<vmem_shared>>
      %dma_wait3A_296 = tpu.memref_squeeze %dma_wait3A_295 : memref<1x640xf32, #tpu.memory_space<vmem_shared>> -> memref<640xf32, #tpu.memory_space<vmem_shared>>
      tpu.wait_dma2 semaphore(%run_scoped3A_290 : memref<!tpu.dma_semaphore, #tpu.memory_space<semaphore_mem>>) src(%dma_wait3A_296 : memref<640xf32, #tpu.memory_space<vmem_shared>>) dst(%arg18 : memref<640xf32, #tpu.memory_space<vmem>>)
      tpu.yield
    }) : () -> ()
    %scan3A_247 = arith.constant 0 : i32
    %scan3A_248 = arith.constant 0 : i32
    %scan3A_249 = arith.constant 40 : i32
    %scan3A_250 = arith.addi %scan3A_248, %scan3A_249 : i32
    %scan3A_251 = arith.constant 1 : i32
    scf.for %scan3A_290 = %scan3A_248 to %scan3A_250 step %scan3A_251  : i32 {
      %mul3A_291 = arith.constant 16 : i32
      %mul3A_292 = arith.muli %scan3A_290, %mul3A_291 : i32
      %get3A_293 = arith.index_cast %mul3A_292 : i32 to index
      %get3A_294 = tpu.vector_load %arg17[%get3A_293] {strides = array<i32>} : memref<640xf32, #tpu.memory_space<vmem>>, vector<16xf32>,
      %get3A_295 = arith.index_cast %mul3A_292 : i32 to index
      %get3A_296 = tpu.vector_load %arg18[%get3A_295] {strides = array<i32>} : memref<640xf32, #tpu.memory_space<vmem>>, vector<16xf32>,
      %add3A_297 = arith.addf %get3A_294, %get3A_296 : vector<16xf32>
      %swap3A = arith.index_cast %mul3A_292 : i32 to index
      %swap3A_298 = tpu.vector_load %arg17[%swap3A] {strides = array<i32>} : memref<640xf32, #tpu.memory_space<vmem>>, vector<16xf32>,
      tpu.vector_store %arg17[%swap3A], %add3A_297 {strides = array<i32>} : memref<640xf32, #tpu.memory_space<vmem>>, vector<16xf32>,
    }
    %scan3A_252 = arith.constant 40 : i32
    %run_scoped3A_253 = arith.constant 14 : i32
    "tpu.region"() ({
      %run_scoped3A_290 = tpu.sem_alloc : memref<!tpu.dma_semaphore, #tpu.memory_space<semaphore_mem>>
      %dma_start3A = tpu.memref_slice %arg21[%run_scoped3A_253, %mul3A_51] : memref<16x10240xf32, #tpu.memory_space<vmem_shared>> -> memref<1x640xf32, #tpu.memory_space<vmem_shared>>
      %dma_start3A_291 = tpu.memref_squeeze %dma_start3A : memref<1x640xf32, #tpu.memory_space<vmem_shared>> -> memref<640xf32, #tpu.memory_space<vmem_shared>>
      %dma_start3A_292 = tpu.memref_slice %arg21[%run_scoped3A_253, %mul3A_51] : memref<16x10240xf32, #tpu.memory_space<vmem_shared>> -> memref<1x640xf32, #tpu.memory_space<vmem_shared>>
      %dma_start3A_293 = tpu.memref_squeeze %dma_start3A_292 : memref<1x640xf32, #tpu.memory_space<vmem_shared>> -> memref<640xf32, #tpu.memory_space<vmem_shared>>
      tpu.enqueue_dma source(%dma_start3A_293 : memref<640xf32, #tpu.memory_space<vmem_shared>>) target(%arg18 : memref<640xf32, #tpu.memory_space<vmem>>) target_semaphore(%run_scoped3A_290 : memref<!tpu.dma_semaphore, #tpu.memory_space<semaphore_mem>>)
      %dma_wait3A = tpu.memref_slice %arg21[%run_scoped3A_253, %mul3A_51] : memref<16x10240xf32, #tpu.memory_space<vmem_shared>> -> memref<1x640xf32, #tpu.memory_space<vmem_shared>>
      %dma_wait3A_294 = tpu.memref_squeeze %dma_wait3A : memref<1x640xf32, #tpu.memory_space<vmem_shared>> -> memref<640xf32, #tpu.memory_space<vmem_shared>>
      %dma_wait3A_295 = tpu.memref_slice %arg21[%run_scoped3A_253, %mul3A_51] : memref<16x10240xf32, #tpu.memory_space<vmem_shared>> -> memref<1x640xf32, #tpu.memory_space<vmem_shared>>
      %dma_wait3A_296 = tpu.memref_squeeze %dma_wait3A_295 : memref<1x640xf32, #tpu.memory_space<vmem_shared>> -> memref<640xf32, #tpu.memory_space<vmem_shared>>
      tpu.wait_dma2 semaphore(%run_scoped3A_290 : memref<!tpu.dma_semaphore, #tpu.memory_space<semaphore_mem>>) src(%dma_wait3A_296 : memref<640xf32, #tpu.memory_space<vmem_shared>>) dst(%arg18 : memref<640xf32, #tpu.memory_space<vmem>>)
      tpu.yield
    }) : () -> ()
    %scan3A_254 = arith.constant 0 : i32
    %scan3A_255 = arith.constant 0 : i32
    %scan3A_256 = arith.constant 40 : i32
    %scan3A_257 = arith.addi %scan3A_255, %scan3A_256 : i32
    %scan3A_258 = arith.constant 1 : i32
    scf.for %scan3A_290 = %scan3A_255 to %scan3A_257 step %scan3A_258  : i32 {
      %mul3A_291 = arith.constant 16 : i32
      %mul3A_292 = arith.muli %scan3A_290, %mul3A_291 : i32
      %get3A_293 = arith.index_cast %mul3A_292 : i32 to index
      %get3A_294 = tpu.vector_load %arg16[%get3A_293] {strides = array<i32>} : memref<640xf32, #tpu.memory_space<vmem>>, vector<16xf32>,
      %get3A_295 = arith.index_cast %mul3A_292 : i32 to index
      %get3A_296 = tpu.vector_load %arg18[%get3A_295] {strides = array<i32>} : memref<640xf32, #tpu.memory_space<vmem>>, vector<16xf32>,
      %add3A_297 = arith.addf %get3A_294, %get3A_296 : vector<16xf32>
      %swap3A = arith.index_cast %mul3A_292 : i32 to index
      %swap3A_298 = tpu.vector_load %arg16[%swap3A] {strides = array<i32>} : memref<640xf32, #tpu.memory_space<vmem>>, vector<16xf32>,
      tpu.vector_store %arg16[%swap3A], %add3A_297 {strides = array<i32>} : memref<640xf32, #tpu.memory_space<vmem>>, vector<16xf32>,
    }
    %scan3A_259 = arith.constant 40 : i32
    %run_scoped3A_260 = arith.constant 14 : i32
    "tpu.region"() ({
      %run_scoped3A_290 = tpu.sem_alloc : memref<!tpu.dma_semaphore, #tpu.memory_space<semaphore_mem>>
      %dma_start3A = tpu.memref_slice %arg22[%run_scoped3A_260, %mul3A_51] : memref<16x10240xf32, #tpu.memory_space<vmem_shared>> -> memref<1x640xf32, #tpu.memory_space<vmem_shared>>
      %dma_start3A_291 = tpu.memref_squeeze %dma_start3A : memref<1x640xf32, #tpu.memory_space<vmem_shared>> -> memref<640xf32, #tpu.memory_space<vmem_shared>>
      %dma_start3A_292 = tpu.memref_slice %arg22[%run_scoped3A_260, %mul3A_51] : memref<16x10240xf32, #tpu.memory_space<vmem_shared>> -> memref<1x640xf32, #tpu.memory_space<vmem_shared>>
      %dma_start3A_293 = tpu.memref_squeeze %dma_start3A_292 : memref<1x640xf32, #tpu.memory_space<vmem_shared>> -> memref<640xf32, #tpu.memory_space<vmem_shared>>
      tpu.enqueue_dma source(%dma_start3A_293 : memref<640xf32, #tpu.memory_space<vmem_shared>>) target(%arg18 : memref<640xf32, #tpu.memory_space<vmem>>) target_semaphore(%run_scoped3A_290 : memref<!tpu.dma_semaphore, #tpu.memory_space<semaphore_mem>>)
      %dma_wait3A = tpu.memref_slice %arg22[%run_scoped3A_260, %mul3A_51] : memref<16x10240xf32, #tpu.memory_space<vmem_shared>> -> memref<1x640xf32, #tpu.memory_space<vmem_shared>>
      %dma_wait3A_294 = tpu.memref_squeeze %dma_wait3A : memref<1x640xf32, #tpu.memory_space<vmem_shared>> -> memref<640xf32, #tpu.memory_space<vmem_shared>>
      %dma_wait3A_295 = tpu.memref_slice %arg22[%run_scoped3A_260, %mul3A_51] : memref<16x10240xf32, #tpu.memory_space<vmem_shared>> -> memref<1x640xf32, #tpu.memory_space<vmem_shared>>
      %dma_wait3A_296 = tpu.memref_squeeze %dma_wait3A_295 : memref<1x640xf32, #tpu.memory_space<vmem_shared>> -> memref<640xf32, #tpu.memory_space<vmem_shared>>
      tpu.wait_dma2 semaphore(%run_scoped3A_290 : memref<!tpu.dma_semaphore, #tpu.memory_space<semaphore_mem>>) src(%dma_wait3A_296 : memref<640xf32, #tpu.memory_space<vmem_shared>>) dst(%arg18 : memref<640xf32, #tpu.memory_space<vmem>>)
      tpu.yield
    }) : () -> ()
    %scan3A_261 = arith.constant 0 : i32
    %scan3A_262 = arith.constant 0 : i32
    %scan3A_263 = arith.constant 40 : i32
    %scan3A_264 = arith.addi %scan3A_262, %scan3A_263 : i32
    %scan3A_265 = arith.constant 1 : i32
    scf.for %scan3A_290 = %scan3A_262 to %scan3A_264 step %scan3A_265  : i32 {
      %mul3A_291 = arith.constant 16 : i32
      %mul3A_292 = arith.muli %scan3A_290, %mul3A_291 : i32
      %get3A_293 = arith.index_cast %mul3A_292 : i32 to index
      %get3A_294 = tpu.vector_load %arg17[%get3A_293] {strides = array<i32>} : memref<640xf32, #tpu.memory_space<vmem>>, vector<16xf32>,
      %get3A_295 = arith.index_cast %mul3A_292 : i32 to index
      %get3A_296 = tpu.vector_load %arg18[%get3A_295] {strides = array<i32>} : memref<640xf32, #tpu.memory_space<vmem>>, vector<16xf32>,
      %add3A_297 = arith.addf %get3A_294, %get3A_296 : vector<16xf32>
      %swap3A = arith.index_cast %mul3A_292 : i32 to index
      %swap3A_298 = tpu.vector_load %arg17[%swap3A] {strides = array<i32>} : memref<640xf32, #tpu.memory_space<vmem>>, vector<16xf32>,
      tpu.vector_store %arg17[%swap3A], %add3A_297 {strides = array<i32>} : memref<640xf32, #tpu.memory_space<vmem>>, vector<16xf32>,
    }
    %scan3A_266 = arith.constant 40 : i32
    %run_scoped3A_267 = arith.constant 15 : i32
    "tpu.region"() ({
      %run_scoped3A_290 = tpu.sem_alloc : memref<!tpu.dma_semaphore, #tpu.memory_space<semaphore_mem>>
      %dma_start3A = tpu.memref_slice %arg21[%run_scoped3A_267, %mul3A_51] : memref<16x10240xf32, #tpu.memory_space<vmem_shared>> -> memref<1x640xf32, #tpu.memory_space<vmem_shared>>
      %dma_start3A_291 = tpu.memref_squeeze %dma_start3A : memref<1x640xf32, #tpu.memory_space<vmem_shared>> -> memref<640xf32, #tpu.memory_space<vmem_shared>>
      %dma_start3A_292 = tpu.memref_slice %arg21[%run_scoped3A_267, %mul3A_51] : memref<16x10240xf32, #tpu.memory_space<vmem_shared>> -> memref<1x640xf32, #tpu.memory_space<vmem_shared>>
      %dma_start3A_293 = tpu.memref_squeeze %dma_start3A_292 : memref<1x640xf32, #tpu.memory_space<vmem_shared>> -> memref<640xf32, #tpu.memory_space<vmem_shared>>
      tpu.enqueue_dma source(%dma_start3A_293 : memref<640xf32, #tpu.memory_space<vmem_shared>>) target(%arg18 : memref<640xf32, #tpu.memory_space<vmem>>) target_semaphore(%run_scoped3A_290 : memref<!tpu.dma_semaphore, #tpu.memory_space<semaphore_mem>>)
      %dma_wait3A = tpu.memref_slice %arg21[%run_scoped3A_267, %mul3A_51] : memref<16x10240xf32, #tpu.memory_space<vmem_shared>> -> memref<1x640xf32, #tpu.memory_space<vmem_shared>>
      %dma_wait3A_294 = tpu.memref_squeeze %dma_wait3A : memref<1x640xf32, #tpu.memory_space<vmem_shared>> -> memref<640xf32, #tpu.memory_space<vmem_shared>>
      %dma_wait3A_295 = tpu.memref_slice %arg21[%run_scoped3A_267, %mul3A_51] : memref<16x10240xf32, #tpu.memory_space<vmem_shared>> -> memref<1x640xf32, #tpu.memory_space<vmem_shared>>
      %dma_wait3A_296 = tpu.memref_squeeze %dma_wait3A_295 : memref<1x640xf32, #tpu.memory_space<vmem_shared>> -> memref<640xf32, #tpu.memory_space<vmem_shared>>
      tpu.wait_dma2 semaphore(%run_scoped3A_290 : memref<!tpu.dma_semaphore, #tpu.memory_space<semaphore_mem>>) src(%dma_wait3A_296 : memref<640xf32, #tpu.memory_space<vmem_shared>>) dst(%arg18 : memref<640xf32, #tpu.memory_space<vmem>>)
      tpu.yield
    }) : () -> ()
    %scan3A_268 = arith.constant 0 : i32
    %scan3A_269 = arith.constant 0 : i32
    %scan3A_270 = arith.constant 40 : i32
    %scan3A_271 = arith.addi %scan3A_269, %scan3A_270 : i32
    %scan3A_272 = arith.constant 1 : i32
    scf.for %scan3A_290 = %scan3A_269 to %scan3A_271 step %scan3A_272  : i32 {
      %mul3A_291 = arith.constant 16 : i32
      %mul3A_292 = arith.muli %scan3A_290, %mul3A_291 : i32
      %get3A_293 = arith.index_cast %mul3A_292 : i32 to index
      %get3A_294 = tpu.vector_load %arg16[%get3A_293] {strides = array<i32>} : memref<640xf32, #tpu.memory_space<vmem>>, vector<16xf32>,
      %get3A_295 = arith.index_cast %mul3A_292 : i32 to index
      %get3A_296 = tpu.vector_load %arg18[%get3A_295] {strides = array<i32>} : memref<640xf32, #tpu.memory_space<vmem>>, vector<16xf32>,
      %add3A_297 = arith.addf %get3A_294, %get3A_296 : vector<16xf32>
      %swap3A = arith.index_cast %mul3A_292 : i32 to index
      %swap3A_298 = tpu.vector_load %arg16[%swap3A] {strides = array<i32>} : memref<640xf32, #tpu.memory_space<vmem>>, vector<16xf32>,
      tpu.vector_store %arg16[%swap3A], %add3A_297 {strides = array<i32>} : memref<640xf32, #tpu.memory_space<vmem>>, vector<16xf32>,
    }
    %scan3A_273 = arith.constant 40 : i32
    %run_scoped3A_274 = arith.constant 15 : i32
    "tpu.region"() ({
      %run_scoped3A_290 = tpu.sem_alloc : memref<!tpu.dma_semaphore, #tpu.memory_space<semaphore_mem>>
      %dma_start3A = tpu.memref_slice %arg22[%run_scoped3A_274, %mul3A_51] : memref<16x10240xf32, #tpu.memory_space<vmem_shared>> -> memref<1x640xf32, #tpu.memory_space<vmem_shared>>
      %dma_start3A_291 = tpu.memref_squeeze %dma_start3A : memref<1x640xf32, #tpu.memory_space<vmem_shared>> -> memref<640xf32, #tpu.memory_space<vmem_shared>>
      %dma_start3A_292 = tpu.memref_slice %arg22[%run_scoped3A_274, %mul3A_51] : memref<16x10240xf32, #tpu.memory_space<vmem_shared>> -> memref<1x640xf32, #tpu.memory_space<vmem_shared>>
      %dma_start3A_293 = tpu.memref_squeeze %dma_start3A_292 : memref<1x640xf32, #tpu.memory_space<vmem_shared>> -> memref<640xf32, #tpu.memory_space<vmem_shared>>
      tpu.enqueue_dma source(%dma_start3A_293 : memref<640xf32, #tpu.memory_space<vmem_shared>>) target(%arg18 : memref<640xf32, #tpu.memory_space<vmem>>) target_semaphore(%run_scoped3A_290 : memref<!tpu.dma_semaphore, #tpu.memory_space<semaphore_mem>>)
      %dma_wait3A = tpu.memref_slice %arg22[%run_scoped3A_274, %mul3A_51] : memref<16x10240xf32, #tpu.memory_space<vmem_shared>> -> memref<1x640xf32, #tpu.memory_space<vmem_shared>>
      %dma_wait3A_294 = tpu.memref_squeeze %dma_wait3A : memref<1x640xf32, #tpu.memory_space<vmem_shared>> -> memref<640xf32, #tpu.memory_space<vmem_shared>>
      %dma_wait3A_295 = tpu.memref_slice %arg22[%run_scoped3A_274, %mul3A_51] : memref<16x10240xf32, #tpu.memory_space<vmem_shared>> -> memref<1x640xf32, #tpu.memory_space<vmem_shared>>
      %dma_wait3A_296 = tpu.memref_squeeze %dma_wait3A_295 : memref<1x640xf32, #tpu.memory_space<vmem_shared>> -> memref<640xf32, #tpu.memory_space<vmem_shared>>
      tpu.wait_dma2 semaphore(%run_scoped3A_290 : memref<!tpu.dma_semaphore, #tpu.memory_space<semaphore_mem>>) src(%dma_wait3A_296 : memref<640xf32, #tpu.memory_space<vmem_shared>>) dst(%arg18 : memref<640xf32, #tpu.memory_space<vmem>>)
      tpu.yield
    }) : () -> ()
    %scan3A_275 = arith.constant 0 : i32
    %scan3A_276 = arith.constant 0 : i32
    %scan3A_277 = arith.constant 40 : i32
    %scan3A_278 = arith.addi %scan3A_276, %scan3A_277 : i32
    %scan3A_279 = arith.constant 1 : i32
    scf.for %scan3A_290 = %scan3A_276 to %scan3A_278 step %scan3A_279  : i32 {
      %mul3A_291 = arith.constant 16 : i32
      %mul3A_292 = arith.muli %scan3A_290, %mul3A_291 : i32
      %get3A_293 = arith.index_cast %mul3A_292 : i32 to index
      %get3A_294 = tpu.vector_load %arg17[%get3A_293] {strides = array<i32>} : memref<640xf32, #tpu.memory_space<vmem>>, vector<16xf32>,
      %get3A_295 = arith.index_cast %mul3A_292 : i32 to index
      %get3A_296 = tpu.vector_load %arg18[%get3A_295] {strides = array<i32>} : memref<640xf32, #tpu.memory_space<vmem>>, vector<16xf32>,
      %add3A_297 = arith.addf %get3A_294, %get3A_296 : vector<16xf32>
      %swap3A = arith.index_cast %mul3A_292 : i32 to index
      %swap3A_298 = tpu.vector_load %arg17[%swap3A] {strides = array<i32>} : memref<640xf32, #tpu.memory_space<vmem>>, vector<16xf32>,
      tpu.vector_store %arg17[%swap3A], %add3A_297 {strides = array<i32>} : memref<640xf32, #tpu.memory_space<vmem>>, vector<16xf32>,
    }
    %scan3A_280 = arith.constant 40 : i32
    %scan3A_281 = arith.constant 0 : i32
    %scan3A_282 = arith.constant 0 : i32
    %scan3A_283 = arith.constant 40 : i32
    %scan3A_284 = arith.addi %scan3A_282, %scan3A_283 : i32
    %scan3A_285 = arith.constant 1 : i32
    scf.for %scan3A_290 = %scan3A_282 to %scan3A_284 step %scan3A_285  : i32 {
      %mul3A_291 = arith.constant 16 : i32
      %mul3A_292 = arith.muli %scan3A_290, %mul3A_291 : i32
      %mul3A_293 = arith.constant 16 : i32
      %mul3A_294 = arith.muli %scan3A_290, %mul3A_293 : i32
      %add3A_295 = arith.addi %mul3A_51, %mul3A_294 : i32
      %get3A_296 = arith.index_cast %add3A_295 : i32 to index
      %get3A_297 = tpu.vector_load %arg9[%get3A_296] {strides = array<i32>} : memref<10240xf32, #tpu.memory_space<vmem>>, vector<16xf32>,
      %get3A_298 = arith.index_cast %add3A_295 : i32 to index
      %get3A_299 = tpu.vector_load %arg10[%get3A_298] {strides = array<i32>} : memref<10240xf32, #tpu.memory_space<vmem>>, vector<16xf32>,
      %get3A_300 = arith.index_cast %add3A_295 : i32 to index
      %get3A_301 = tpu.vector_load %arg11[%get3A_300] {strides = array<i32>} : memref<10240xf32, #tpu.memory_space<vmem>>, vector<16xf32>,
      %add3A_302 = arith.addf %get3A_297, %get3A_299 : vector<16xf32>
      %mul3A_303 = arith.constant 2.000000e-01 : f32
      %mul3A_304 = vector.broadcast %mul3A_303 : f32 to vector<16xf32>
      %mul3A_305 = arith.mulf %add3A_302, %mul3A_304 : vector<16xf32>
      %max3A = arith.maximumf %add3A_302, %mul3A_305 : vector<16xf32>
      %sub3A = arith.subf %max3A, %get3A_6 : vector<16xf32>
      %exp3A = math.exp %sub3A : vector<16xf32>
      %get3A_306 = arith.index_cast %mul3A_292 : i32 to index
      %get3A_307 = tpu.vector_load %arg17[%get3A_306] {strides = array<i32>} : memref<640xf32, #tpu.memory_space<vmem>>, vector<16xf32>,
      %add3A_308 = arith.addf %get3A_307, %exp3A : vector<16xf32>
      %get3A_309 = arith.index_cast %mul3A_292 : i32 to index
      %get3A_310 = tpu.vector_load %arg16[%get3A_309] {strides = array<i32>} : memref<640xf32, #tpu.memory_space<vmem>>, vector<16xf32>,
      %mul3A_311 = arith.mulf %exp3A, %get3A_301 : vector<16xf32>
      %add3A_312 = arith.addf %get3A_310, %mul3A_311 : vector<16xf32>
      %eq3A_313 = arith.constant 0.000000e+00 : f32
      %eq3A_314 = vector.broadcast %eq3A_313 : f32 to vector<16xf32>
      %eq3A_315 = arith.cmpf oeq, %add3A_308, %eq3A_314 : vector<16xf32>
      %jit3A = arith.constant 1.000000e+00 : f32
      %broadcast_in_dim3A_316 = vector.broadcast %jit3A : f32 to vector<16xf32>
      %select_n3A = arith.select %eq3A_315, %broadcast_in_dim3A_316, %add3A_308 : vector<16xi1>, vector<16xf32>
      %div3A = arith.divf %add3A_312, %select_n3A : vector<16xf32>
      %add3A_317 = arith.addf %div3A, %get3A_8 : vector<16xf32>
      %swap3A = arith.index_cast %mul3A_292 : i32 to index
      %swap3A_318 = tpu.vector_load %arg19[%swap3A] {strides = array<i32>} : memref<640xf32, #tpu.memory_space<vmem>>, vector<16xf32>,
      tpu.vector_store %arg19[%swap3A], %add3A_317 {strides = array<i32>} : memref<640xf32, #tpu.memory_space<vmem>>, vector<16xf32>,
    }
    %scan3A_286 = arith.constant 40 : i32
    %mul3A_287 = arith.constant 10240 : i32
    %mul3A_288 = arith.muli %arg0, %mul3A_287 : i32
    %add3A_289 = arith.addi %mul3A_288, %mul3A_51 : i32
    "tpu.region"() ({
      %run_scoped3A_290 = tpu.sem_alloc : memref<!tpu.dma_semaphore, #tpu.memory_space<semaphore_mem>>
      %dma_start3A = tpu.memref_slice %arg8[%add3A_289] : memref<20480xf32, #tpu.memory_space<hbm>> -> memref<640xf32, #tpu.memory_space<hbm>>
      %dma_start3A_291 = tpu.memref_slice %arg8[%add3A_289] : memref<20480xf32, #tpu.memory_space<hbm>> -> memref<640xf32, #tpu.memory_space<hbm>>
      tpu.enqueue_dma source(%arg19 : memref<640xf32, #tpu.memory_space<vmem>>) target(%dma_start3A_291 : memref<640xf32, #tpu.memory_space<hbm>>) target_semaphore(%run_scoped3A_290 : memref<!tpu.dma_semaphore, #tpu.memory_space<semaphore_mem>>)
      %dma_wait3A = tpu.memref_slice %arg8[%add3A_289] : memref<20480xf32, #tpu.memory_space<hbm>> -> memref<640xf32, #tpu.memory_space<hbm>>
      %dma_wait3A_292 = tpu.memref_slice %arg8[%add3A_289] : memref<20480xf32, #tpu.memory_space<hbm>> -> memref<640xf32, #tpu.memory_space<hbm>>
      tpu.wait_dma2 semaphore(%run_scoped3A_290 : memref<!tpu.dma_semaphore, #tpu.memory_space<semaphore_mem>>) src(%arg19 : memref<640xf32, #tpu.memory_space<vmem>>) dst(%dma_wait3A_292 : memref<640xf32, #tpu.memory_space<hbm>>)
      tpu.yield
    }) : () -> ()
    return
  }
}

module attributes {stable_mosaic.version = 14 : i64} {
  func.func @_proj_body(%arg0: i32, %arg1: memref<1024x128xf32, #tpu.memory_space<vmem>>, %arg2: memref<1024x128xf32, #tpu.memory_space<vmem>>, %arg3: memref<128x16xf32, #tpu.memory_space<vmem>>, %arg4: memref<128x16xf32, #tpu.memory_space<vmem>>, %arg5: memref<16x3xf32, #tpu.memory_space<vmem>>, %arg6: memref<16x3xf32, #tpu.memory_space<vmem>>, %arg7: memref<2x3x1024xf32, #tpu.memory_space<vmem>>, %arg8: memref<3x2xf32, #tpu.memory_space<vmem>>) attributes {dimension_semantics = [#tpu.dimension_semantics<arbitrary>], iteration_bounds = array<i64: 10>, scalar_prefetch = 0 : i64, scratch_operands = 0 : i64, tpu.core_type = #tpu.core_type<tc>, window_params = [{transform_indices = @transform_0, window_bounds = array<i64: 1024, 128>}, {transform_indices = @transform_1, window_bounds = array<i64: 1024, 128>}, {pipeline_mode = #tpu.pipeline_mode<synchronous>, transform_indices = @transform_2, window_bounds = array<i64: 128, 16>}, {pipeline_mode = #tpu.pipeline_mode<synchronous>, transform_indices = @transform_3, window_bounds = array<i64: 128, 16>}, {pipeline_mode = #tpu.pipeline_mode<synchronous>, transform_indices = @transform_4, window_bounds = array<i64: 16, 3>}, {pipeline_mode = #tpu.pipeline_mode<synchronous>, transform_indices = @transform_5, window_bounds = array<i64: 16, 3>}, {transform_indices = @transform_6, window_bounds = array<i64: 2, 3, 1024>}, {pipeline_mode = #tpu.pipeline_mode<synchronous>, transform_indices = @transform_7, window_bounds = array<i64: 3, 2>}]} {
    %get3A = arith.constant 0 : index
    %get3A_0 = arith.constant 0 : index
    %get3A_1 = vector.load %arg3[%get3A, %get3A_0] : memref<128x16xf32, #tpu.memory_space<vmem>>, vector<128x16xf32>
    %get3A_2 = arith.constant 0 : index
    %get3A_3 = arith.constant 0 : index
    %get3A_4 = vector.load %arg5[%get3A_2, %get3A_3] : memref<16x3xf32, #tpu.memory_space<vmem>>, vector<16x3xf32>
    %dot_general3A = arith.constant dense<0.000000e+00> : vector<128x3xf32>
    %dot_general3A_5 = tpu.matmul %get3A_1, %get3A_4, %dot_general3A {dimension_numbers = #tpu.dot_dimension_numbers<[1], [0], [0], [1], [0, 0, 1, 1], [], []>, precision = #tpu.contract_precision<fp32>, transpose_lhs_hint = false} : vector<128x16xf32>, vector<16x3xf32>, vector<128x3xf32> -> vector<128x3xf32>
    %get3A_6 = arith.constant 0 : index
    %get3A_7 = arith.constant 0 : index
    %get3A_8 = vector.load %arg4[%get3A_6, %get3A_7] : memref<128x16xf32, #tpu.memory_space<vmem>>, vector<128x16xf32>
    %get3A_9 = arith.constant 0 : index
    %get3A_10 = arith.constant 0 : index
    %get3A_11 = vector.load %arg6[%get3A_9, %get3A_10] : memref<16x3xf32, #tpu.memory_space<vmem>>, vector<16x3xf32>
    %dot_general3A_12 = arith.constant dense<0.000000e+00> : vector<128x3xf32>
    %dot_general3A_13 = tpu.matmul %get3A_8, %get3A_11, %dot_general3A_12 {dimension_numbers = #tpu.dot_dimension_numbers<[1], [0], [0], [1], [0, 0, 1, 1], [], []>, precision = #tpu.contract_precision<fp32>, transpose_lhs_hint = false} : vector<128x16xf32>, vector<16x3xf32>, vector<128x3xf32> -> vector<128x3xf32>
    %get3A_14 = arith.constant 0 : index
    %get3A_15 = arith.constant 0 : index
    %get3A_16 = vector.load %arg1[%get3A_14, %get3A_15] : memref<1024x128xf32, #tpu.memory_space<vmem>>, vector<1024x128xf32>
    %dot_general3A_17 = arith.constant dense<0.000000e+00> : vector<3x1024xf32>
    %dot_general3A_18 = tpu.matmul %dot_general3A_5, %get3A_16, %dot_general3A_17 {dimension_numbers = #tpu.dot_dimension_numbers<[0], [1], [1], [0], [0, 1, 1, 0], [], []>, precision = #tpu.contract_precision<fp32>, transpose_lhs_hint = false} : vector<128x3xf32>, vector<1024x128xf32>, vector<3x1024xf32> -> vector<3x1024xf32>
    %get3A_19 = arith.constant 0 : index
    %get3A_20 = arith.constant 0 : index
    %get3A_21 = vector.load %arg2[%get3A_19, %get3A_20] : memref<1024x128xf32, #tpu.memory_space<vmem>>, vector<1024x128xf32>
    %dot_general3A_22 = arith.constant dense<0.000000e+00> : vector<3x1024xf32>
    %dot_general3A_23 = tpu.matmul %dot_general3A_13, %get3A_21, %dot_general3A_22 {dimension_numbers = #tpu.dot_dimension_numbers<[0], [1], [1], [0], [0, 1, 1, 0], [], []>, precision = #tpu.contract_precision<fp32>, transpose_lhs_hint = false} : vector<128x3xf32>, vector<1024x128xf32>, vector<3x1024xf32> -> vector<3x1024xf32>
    %iota3A = tpu.iota {dimensions = array<i32: 1>} : vector<3x1024xi32>
    %mul3A = arith.constant 1024 : i32
    %mul3A_24 = arith.muli %arg0, %mul3A : i32
    %add3A = vector.broadcast %mul3A_24 : i32 to vector<3x1024xi32>
    %add3A_25 = arith.addi %iota3A, %add3A : vector<3x1024xi32>
    %lt3A = arith.constant 10000 : i32
    %lt3A_26 = vector.broadcast %lt3A : i32 to vector<3x1024xi32>
    %lt3A_27 = arith.cmpi slt, %add3A_25, %lt3A_26 : vector<3x1024xi32>
    %jit3A = arith.constant 0.000000e+00 : f32
    %broadcast_in_dim3A = vector.broadcast %jit3A : f32 to vector<3x1024xf32>
    %select_n3A = arith.select %lt3A_27, %dot_general3A_18, %broadcast_in_dim3A : vector<3x1024xi1>, vector<3x1024xf32>
    %jit3A_28 = arith.constant 0.000000e+00 : f32
    %broadcast_in_dim3A_29 = vector.broadcast %jit3A_28 : f32 to vector<3x1024xf32>
    %select_n3A_30 = arith.select %lt3A_27, %dot_general3A_23, %broadcast_in_dim3A_29 : vector<3x1024xi1>, vector<3x1024xf32>
    %swap3A = arith.constant 0 : index
    %swap3A_31 = arith.constant 0 : index
    %swap3A_32 = arith.constant 0 : index
    %swap3A_33 = vector.load %arg7[%swap3A, %swap3A_31, %swap3A_32] : memref<2x3x1024xf32, #tpu.memory_space<vmem>>, vector<1x3x1024xf32>
    %swap3A_34 = vector.shape_cast %swap3A_33 : vector<1x3x1024xf32> to vector<3x1024xf32>
    %swap3A_35 = vector.shape_cast %select_n3A : vector<3x1024xf32> to vector<1x3x1024xf32>
    tpu.vector_store %arg7[%swap3A, %swap3A_31, %swap3A_32], %swap3A_35 {strides = array<i32>} : memref<2x3x1024xf32, #tpu.memory_space<vmem>>, vector<1x3x1024xf32>,
    %swap3A_36 = arith.constant 1 : index
    %swap3A_37 = arith.constant 0 : index
    %swap3A_38 = arith.constant 0 : index
    %swap3A_39 = vector.load %arg7[%swap3A_36, %swap3A_37, %swap3A_38] : memref<2x3x1024xf32, #tpu.memory_space<vmem>>, vector<1x3x1024xf32>
    %swap3A_40 = vector.shape_cast %swap3A_39 : vector<1x3x1024xf32> to vector<3x1024xf32>
    %swap3A_41 = vector.shape_cast %select_n3A_30 : vector<3x1024xf32> to vector<1x3x1024xf32>
    tpu.vector_store %arg7[%swap3A_36, %swap3A_37, %swap3A_38], %swap3A_41 {strides = array<i32>} : memref<2x3x1024xf32, #tpu.memory_space<vmem>>, vector<1x3x1024xf32>,
    %jit3A_42 = arith.constant -1.000000e+30 : f32
    %broadcast_in_dim3A_43 = vector.broadcast %jit3A_42 : f32 to vector<3x1024xf32>
    %select_n3A_44 = arith.select %lt3A_27, %dot_general3A_18, %broadcast_in_dim3A_43 : vector<3x1024xi1>, vector<3x1024xf32>
    %reduce_max3A = arith.constant dense<0xFF800000> : vector<3xf32>
    %reduce_max3A_45 = vector.multi_reduction <maximumf>, %select_n3A_44, %reduce_max3A [1] : vector<3x1024xf32> to vector<3xf32>
    %broadcast_in_dim3A_46 = vector.shape_cast %reduce_max3A_45 : vector<3xf32> to vector<3x1xf32>
    %jit3A_47 = arith.constant -1.000000e+30 : f32
    %broadcast_in_dim3A_48 = vector.broadcast %jit3A_47 : f32 to vector<3x1024xf32>
    %select_n3A_49 = arith.select %lt3A_27, %dot_general3A_23, %broadcast_in_dim3A_48 : vector<3x1024xi1>, vector<3x1024xf32>
    %reduce_max3A_50 = arith.constant dense<0xFF800000> : vector<3xf32>
    %reduce_max3A_51 = vector.multi_reduction <maximumf>, %select_n3A_49, %reduce_max3A_50 [1] : vector<3x1024xf32> to vector<3xf32>
    %broadcast_in_dim3A_52 = vector.shape_cast %reduce_max3A_51 : vector<3xf32> to vector<3x1xf32>
    %concatenate3A = tpu.concatenate %broadcast_in_dim3A_46, %broadcast_in_dim3A_52 in 1 : vector<3x1xf32>, vector<3x1xf32> -> vector<3x2xf32>
    %eq3A = arith.constant 0 : i32
    %eq3A_53 = arith.cmpi eq, %arg0, %eq3A : i32
    %convert_element_type3A = arith.extui %eq3A_53 : i1 to i32
    %cond3A = arith.constant 0 : i32
    %cond3A_54 = arith.cmpi ne, %convert_element_type3A, %cond3A : i32
    scf.if %cond3A_54 {
      %swap3A_59 = arith.constant 0 : index
      %swap3A_60 = arith.constant 0 : index
      %swap3A_61 = vector.load %arg8[%swap3A_59, %swap3A_60] : memref<3x2xf32, #tpu.memory_space<vmem>>, vector<3x2xf32>
      tpu.vector_store %arg8[%swap3A_59, %swap3A_60], %concatenate3A {strides = array<i32>} : memref<3x2xf32, #tpu.memory_space<vmem>>, vector<3x2xf32>,
    } else {
    }
    %gt3A = arith.constant 0 : i32
    %gt3A_55 = arith.cmpi sgt, %arg0, %gt3A : i32
    %convert_element_type3A_56 = arith.extui %gt3A_55 : i1 to i32
    %cond3A_57 = arith.constant 0 : i32
    %cond3A_58 = arith.cmpi ne, %convert_element_type3A_56, %cond3A_57 : i32
    scf.if %cond3A_58 {
      %get3A_59 = arith.constant 0 : index
      %get3A_60 = arith.constant 0 : index
      %get3A_61 = vector.load %arg8[%get3A_59, %get3A_60] : memref<3x2xf32, #tpu.memory_space<vmem>>, vector<3x2xf32>
      %max3A = arith.maximumf %get3A_61, %concatenate3A : vector<3x2xf32>
      %swap3A_62 = arith.constant 0 : index
      %swap3A_63 = arith.constant 0 : index
      %swap3A_64 = vector.load %arg8[%swap3A_62, %swap3A_63] : memref<3x2xf32, #tpu.memory_space<vmem>>, vector<3x2xf32>
      tpu.vector_store %arg8[%swap3A_62, %swap3A_63], %max3A {strides = array<i32>} : memref<3x2xf32, #tpu.memory_space<vmem>>, vector<3x2xf32>,
    } else {
    }
    return
  }
  func.func @transform_0(%arg0: i32) -> (i32, i32) {
    %c0_i32 = arith.constant 0 : i32
    %c0_i32_0 = arith.constant 0 : i32
    return %arg0, %c0_i32 : i32, i32
  }
  func.func @transform_1(%arg0: i32) -> (i32, i32) {
    %c0_i32 = arith.constant 0 : i32
    %c0_i32_0 = arith.constant 0 : i32
    return %arg0, %c0_i32 : i32, i32
  }
  func.func @transform_2(%arg0: i32) -> (i32, i32) {
    %c0_i32 = arith.constant 0 : i32
    %c0_i32_0 = arith.constant 0 : i32
    %c0_i32_1 = arith.constant 0 : i32
    return %c0_i32, %c0_i32_0 : i32, i32
  }
  func.func @transform_3(%arg0: i32) -> (i32, i32) {
    %c0_i32 = arith.constant 0 : i32
    %c0_i32_0 = arith.constant 0 : i32
    %c0_i32_1 = arith.constant 0 : i32
    return %c0_i32, %c0_i32_0 : i32, i32
  }
  func.func @transform_4(%arg0: i32) -> (i32, i32) {
    %c0_i32 = arith.constant 0 : i32
    %c0_i32_0 = arith.constant 0 : i32
    %c0_i32_1 = arith.constant 0 : i32
    return %c0_i32, %c0_i32_0 : i32, i32
  }
  func.func @transform_5(%arg0: i32) -> (i32, i32) {
    %c0_i32 = arith.constant 0 : i32
    %c0_i32_0 = arith.constant 0 : i32
    %c0_i32_1 = arith.constant 0 : i32
    return %c0_i32, %c0_i32_0 : i32, i32
  }
  func.func @transform_6(%arg0: i32) -> (i32, i32, i32) {
    %c0_i32 = arith.constant 0 : i32
    %c0_i32_0 = arith.constant 0 : i32
    %c0_i32_1 = arith.constant 0 : i32
    return %c0_i32, %c0_i32_0, %arg0 : i32, i32, i32
  }
  func.func @transform_7(%arg0: i32) -> (i32, i32) {
    %c0_i32 = arith.constant 0 : i32
    %c0_i32_0 = arith.constant 0 : i32
    %c0_i32_1 = arith.constant 0 : i32
    return %c0_i32, %c0_i32_0 : i32, i32
  }
}

module attributes {stable_mosaic.version = 14 : i64} {
  func.func @_post_body(%arg0: memref<2x10240xf32, #tpu.memory_space<vmem>>, %arg1: memref<2x64x1xi32, #tpu.memory_space<vmem>>, %arg2: memref<2x64x1xi32, #tpu.memory_space<vmem>>, %arg3: memref<2x64x1xf32, #tpu.memory_space<vmem>>, %arg4: memref<2x16xf32, #tpu.memory_space<vmem>>, %arg5: memref<1x16xf32, #tpu.memory_space<vmem>>, %arg6: memref<8x16x16xf32, #tpu.memory_space<vmem>>, %arg7: memref<8x16xf32, #tpu.memory_space<vmem>>, %arg8: memref<16x2xf32, #tpu.memory_space<vmem>>, %arg9: memref<1x2xf32, #tpu.memory_space<vmem>>, %arg10: memref<64x2xf32, #tpu.memory_space<vmem>>) attributes {dimension_semantics = [], scalar_prefetch = 0 : i64, scratch_operands = 0 : i64, tpu.core_type = #tpu.core_type<tc>} {
    %iota3A = tpu.iota {dimensions = array<i32: 1>} : vector<64x10240xi32>
    %get3A = arith.constant 0 : index
    %get3A_0 = arith.constant 0 : index
    %get3A_1 = arith.constant 0 : index
    %get3A_2 = vector.load %arg1[%get3A, %get3A_0, %get3A_1] : memref<2x64x1xi32, #tpu.memory_space<vmem>>, vector<1x64x1xi32>
    %get3A_3 = vector.shape_cast %get3A_2 : vector<1x64x1xi32> to vector<64x1xi32>
    %get3A_4 = arith.constant 0 : index
    %get3A_5 = arith.constant 0 : index
    %get3A_6 = arith.constant 0 : index
    %get3A_7 = vector.load %arg2[%get3A_4, %get3A_5, %get3A_6] : memref<2x64x1xi32, #tpu.memory_space<vmem>>, vector<1x64x1xi32>
    %get3A_8 = vector.shape_cast %get3A_7 : vector<1x64x1xi32> to vector<64x1xi32>
    %get3A_9 = arith.constant 0 : index
    %get3A_10 = arith.constant 0 : index
    %get3A_11 = arith.constant 0 : index
    %get3A_12 = vector.load %arg3[%get3A_9, %get3A_10, %get3A_11] : memref<2x64x1xf32, #tpu.memory_space<vmem>>, vector<1x64x1xf32>
    %get3A_13 = vector.shape_cast %get3A_12 : vector<1x64x1xf32> to vector<64x1xf32>
    %ge3A = vector.broadcast %get3A_3 : vector<64x1xi32> to vector<64x10240xi32>
    %ge3A_14 = arith.cmpi sge, %iota3A, %ge3A : vector<64x10240xi32>
    %lt3A = vector.broadcast %get3A_8 : vector<64x1xi32> to vector<64x10240xi32>
    %lt3A_15 = arith.cmpi slt, %iota3A, %lt3A : vector<64x10240xi32>
    %and3A = arith.andi %ge3A_14, %lt3A_15 : vector<64x10240xi1>
    %jit3A = arith.constant 0.000000e+00 : f32
    %broadcast_in_dim3A = vector.shape_cast %get3A_13 : vector<64x1xf32> to vector<64x1xf32>
    %broadcast_in_dim3A_16 = vector.broadcast %broadcast_in_dim3A : vector<64x1xf32> to vector<64x10240xf32>
    %broadcast_in_dim3A_17 = vector.broadcast %jit3A : f32 to vector<64x10240xf32>
    %select_n3A = arith.select %and3A, %broadcast_in_dim3A_16, %broadcast_in_dim3A_17 : vector<64x10240xi1>, vector<64x10240xf32>
    %get3A_18 = arith.constant 0 : index
    %get3A_19 = arith.constant 0 : index
    %get3A_20 = vector.load %arg0[%get3A_18, %get3A_19] : memref<2x10240xf32, #tpu.memory_space<vmem>>, vector<1x10240xf32>
    %mul3A = vector.broadcast %get3A_20 : vector<1x10240xf32> to vector<64x10240xf32>
    %mul3A_21 = arith.mulf %select_n3A, %mul3A : vector<64x10240xf32>
    %reduce_sum3A = arith.constant dense<0.000000e+00> : vector<64xf32>
    %reduce_sum3A_22 = vector.multi_reduction <add>, %mul3A_21, %reduce_sum3A [1] : vector<64x10240xf32> to vector<64xf32>
    %broadcast_in_dim3A_23 = vector.shape_cast %reduce_sum3A_22 : vector<64xf32> to vector<64x1xf32>
    %get3A_24 = arith.constant 1 : index
    %get3A_25 = arith.constant 0 : index
    %get3A_26 = arith.constant 0 : index
    %get3A_27 = vector.load %arg1[%get3A_24, %get3A_25, %get3A_26] : memref<2x64x1xi32, #tpu.memory_space<vmem>>, vector<1x64x1xi32>
    %get3A_28 = vector.shape_cast %get3A_27 : vector<1x64x1xi32> to vector<64x1xi32>
    %get3A_29 = arith.constant 1 : index
    %get3A_30 = arith.constant 0 : index
    %get3A_31 = arith.constant 0 : index
    %get3A_32 = vector.load %arg2[%get3A_29, %get3A_30, %get3A_31] : memref<2x64x1xi32, #tpu.memory_space<vmem>>, vector<1x64x1xi32>
    %get3A_33 = vector.shape_cast %get3A_32 : vector<1x64x1xi32> to vector<64x1xi32>
    %get3A_34 = arith.constant 1 : index
    %get3A_35 = arith.constant 0 : index
    %get3A_36 = arith.constant 0 : index
    %get3A_37 = vector.load %arg3[%get3A_34, %get3A_35, %get3A_36] : memref<2x64x1xf32, #tpu.memory_space<vmem>>, vector<1x64x1xf32>
    %get3A_38 = vector.shape_cast %get3A_37 : vector<1x64x1xf32> to vector<64x1xf32>
    %ge3A_39 = vector.broadcast %get3A_28 : vector<64x1xi32> to vector<64x10240xi32>
    %ge3A_40 = arith.cmpi sge, %iota3A, %ge3A_39 : vector<64x10240xi32>
    %lt3A_41 = vector.broadcast %get3A_33 : vector<64x1xi32> to vector<64x10240xi32>
    %lt3A_42 = arith.cmpi slt, %iota3A, %lt3A_41 : vector<64x10240xi32>
    %and3A_43 = arith.andi %ge3A_40, %lt3A_42 : vector<64x10240xi1>
    %jit3A_44 = arith.constant 0.000000e+00 : f32
    %broadcast_in_dim3A_45 = vector.shape_cast %get3A_38 : vector<64x1xf32> to vector<64x1xf32>
    %broadcast_in_dim3A_46 = vector.broadcast %broadcast_in_dim3A_45 : vector<64x1xf32> to vector<64x10240xf32>
    %broadcast_in_dim3A_47 = vector.broadcast %jit3A_44 : f32 to vector<64x10240xf32>
    %select_n3A_48 = arith.select %and3A_43, %broadcast_in_dim3A_46, %broadcast_in_dim3A_47 : vector<64x10240xi1>, vector<64x10240xf32>
    %get3A_49 = arith.constant 1 : index
    %get3A_50 = arith.constant 0 : index
    %get3A_51 = vector.load %arg0[%get3A_49, %get3A_50] : memref<2x10240xf32, #tpu.memory_space<vmem>>, vector<1x10240xf32>
    %mul3A_52 = vector.broadcast %get3A_51 : vector<1x10240xf32> to vector<64x10240xf32>
    %mul3A_53 = arith.mulf %select_n3A_48, %mul3A_52 : vector<64x10240xf32>
    %reduce_sum3A_54 = arith.constant dense<0.000000e+00> : vector<64xf32>
    %reduce_sum3A_55 = vector.multi_reduction <add>, %mul3A_53, %reduce_sum3A_54 [1] : vector<64x10240xf32> to vector<64xf32>
    %broadcast_in_dim3A_56 = vector.shape_cast %reduce_sum3A_55 : vector<64xf32> to vector<64x1xf32>
    %concatenate3A = tpu.concatenate %broadcast_in_dim3A_23, %broadcast_in_dim3A_56 in 1 : vector<64x1xf32>, vector<64x1xf32> -> vector<64x2xf32>
    %get3A_57 = arith.constant 0 : index
    %get3A_58 = arith.constant 0 : index
    %get3A_59 = vector.load %arg4[%get3A_57, %get3A_58] : memref<2x16xf32, #tpu.memory_space<vmem>>, vector<2x16xf32>
    %get3A_60 = arith.constant 0 : index
    %get3A_61 = arith.constant 0 : index
    %get3A_62 = vector.load %arg5[%get3A_60, %get3A_61] : memref<1x16xf32, #tpu.memory_space<vmem>>, vector<1x16xf32>
    %get3A_63 = arith.constant 0 : index
    %get3A_64 = arith.constant 0 : index
    %get3A_65 = arith.constant 0 : index
    %get3A_66 = vector.load %arg6[%get3A_63, %get3A_64, %get3A_65] : memref<8x16x16xf32, #tpu.memory_space<vmem>>, vector<1x16x16xf32>
    %get3A_67 = vector.shape_cast %get3A_66 : vector<1x16x16xf32> to vector<16x16xf32>
    %dot_general3A = arith.constant dense<0.000000e+00> : vector<2x16xf32>
    %dot_general3A_68 = tpu.matmul %get3A_59, %get3A_67, %dot_general3A {dimension_numbers = #tpu.dot_dimension_numbers<[1], [0], [0], [1], [0, 0, 1, 1], [], []>, precision = #tpu.contract_precision<fp32>, transpose_lhs_hint = false} : vector<2x16xf32>, vector<16x16xf32>, vector<2x16xf32> -> vector<2x16xf32>
    %dot_general3A_69 = arith.constant dense<0.000000e+00> : vector<1x16xf32>
    %dot_general3A_70 = tpu.matmul %get3A_62, %get3A_67, %dot_general3A_69 {dimension_numbers = #tpu.dot_dimension_numbers<[1], [0], [0], [1], [0, 0, 1, 1], [], []>, precision = #tpu.contract_precision<fp32>, transpose_lhs_hint = false} : vector<1x16xf32>, vector<16x16xf32>, vector<1x16xf32> -> vector<1x16xf32>
    %get3A_71 = arith.constant 0 : index
    %get3A_72 = arith.constant 0 : index
    %get3A_73 = vector.load %arg7[%get3A_71, %get3A_72] : memref<8x16xf32, #tpu.memory_space<vmem>>, vector<1x16xf32>
    %add3A = arith.addf %dot_general3A_70, %get3A_73 : vector<1x16xf32>
    %get3A_74 = arith.constant 1 : index
    %get3A_75 = arith.constant 0 : index
    %get3A_76 = arith.constant 0 : index
    %get3A_77 = vector.load %arg6[%get3A_74, %get3A_75, %get3A_76] : memref<8x16x16xf32, #tpu.memory_space<vmem>>, vector<1x16x16xf32>
    %get3A_78 = vector.shape_cast %get3A_77 : vector<1x16x16xf32> to vector<16x16xf32>
    %dot_general3A_79 = arith.constant dense<0.000000e+00> : vector<2x16xf32>
    %dot_general3A_80 = tpu.matmul %dot_general3A_68, %get3A_78, %dot_general3A_79 {dimension_numbers = #tpu.dot_dimension_numbers<[1], [0], [0], [1], [0, 0, 1, 1], [], []>, precision = #tpu.contract_precision<fp32>, transpose_lhs_hint = false} : vector<2x16xf32>, vector<16x16xf32>, vector<2x16xf32> -> vector<2x16xf32>
    %dot_general3A_81 = arith.constant dense<0.000000e+00> : vector<1x16xf32>
    %dot_general3A_82 = tpu.matmul %add3A, %get3A_78, %dot_general3A_81 {dimension_numbers = #tpu.dot_dimension_numbers<[1], [0], [0], [1], [0, 0, 1, 1], [], []>, precision = #tpu.contract_precision<fp32>, transpose_lhs_hint = false} : vector<1x16xf32>, vector<16x16xf32>, vector<1x16xf32> -> vector<1x16xf32>
    %get3A_83 = arith.constant 1 : index
    %get3A_84 = arith.constant 0 : index
    %get3A_85 = vector.load %arg7[%get3A_83, %get3A_84] : memref<8x16xf32, #tpu.memory_space<vmem>>, vector<1x16xf32>
    %add3A_86 = arith.addf %dot_general3A_82, %get3A_85 : vector<1x16xf32>
    %get3A_87 = arith.constant 2 : index
    %get3A_88 = arith.constant 0 : index
    %get3A_89 = arith.constant 0 : index
    %get3A_90 = vector.load %arg6[%get3A_87, %get3A_88, %get3A_89] : memref<8x16x16xf32, #tpu.memory_space<vmem>>, vector<1x16x16xf32>
    %get3A_91 = vector.shape_cast %get3A_90 : vector<1x16x16xf32> to vector<16x16xf32>
    %dot_general3A_92 = arith.constant dense<0.000000e+00> : vector<2x16xf32>
    %dot_general3A_93 = tpu.matmul %dot_general3A_80, %get3A_91, %dot_general3A_92 {dimension_numbers = #tpu.dot_dimension_numbers<[1], [0], [0], [1], [0, 0, 1, 1], [], []>, precision = #tpu.contract_precision<fp32>, transpose_lhs_hint = false} : vector<2x16xf32>, vector<16x16xf32>, vector<2x16xf32> -> vector<2x16xf32>
    %dot_general3A_94 = arith.constant dense<0.000000e+00> : vector<1x16xf32>
    %dot_general3A_95 = tpu.matmul %add3A_86, %get3A_91, %dot_general3A_94 {dimension_numbers = #tpu.dot_dimension_numbers<[1], [0], [0], [1], [0, 0, 1, 1], [], []>, precision = #tpu.contract_precision<fp32>, transpose_lhs_hint = false} : vector<1x16xf32>, vector<16x16xf32>, vector<1x16xf32> -> vector<1x16xf32>
    %get3A_96 = arith.constant 2 : index
    %get3A_97 = arith.constant 0 : index
    %get3A_98 = vector.load %arg7[%get3A_96, %get3A_97] : memref<8x16xf32, #tpu.memory_space<vmem>>, vector<1x16xf32>
    %add3A_99 = arith.addf %dot_general3A_95, %get3A_98 : vector<1x16xf32>
    %get3A_100 = arith.constant 3 : index
    %get3A_101 = arith.constant 0 : index
    %get3A_102 = arith.constant 0 : index
    %get3A_103 = vector.load %arg6[%get3A_100, %get3A_101, %get3A_102] : memref<8x16x16xf32, #tpu.memory_space<vmem>>, vector<1x16x16xf32>
    %get3A_104 = vector.shape_cast %get3A_103 : vector<1x16x16xf32> to vector<16x16xf32>
    %dot_general3A_105 = arith.constant dense<0.000000e+00> : vector<2x16xf32>
    %dot_general3A_106 = tpu.matmul %dot_general3A_93, %get3A_104, %dot_general3A_105 {dimension_numbers = #tpu.dot_dimension_numbers<[1], [0], [0], [1], [0, 0, 1, 1], [], []>, precision = #tpu.contract_precision<fp32>, transpose_lhs_hint = false} : vector<2x16xf32>, vector<16x16xf32>, vector<2x16xf32> -> vector<2x16xf32>
    %dot_general3A_107 = arith.constant dense<0.000000e+00> : vector<1x16xf32>
    %dot_general3A_108 = tpu.matmul %add3A_99, %get3A_104, %dot_general3A_107 {dimension_numbers = #tpu.dot_dimension_numbers<[1], [0], [0], [1], [0, 0, 1, 1], [], []>, precision = #tpu.contract_precision<fp32>, transpose_lhs_hint = false} : vector<1x16xf32>, vector<16x16xf32>, vector<1x16xf32> -> vector<1x16xf32>
    %get3A_109 = arith.constant 3 : index
    %get3A_110 = arith.constant 0 : index
    %get3A_111 = vector.load %arg7[%get3A_109, %get3A_110] : memref<8x16xf32, #tpu.memory_space<vmem>>, vector<1x16xf32>
    %add3A_112 = arith.addf %dot_general3A_108, %get3A_111 : vector<1x16xf32>
    %get3A_113 = arith.constant 4 : index
    %get3A_114 = arith.constant 0 : index
    %get3A_115 = arith.constant 0 : index
    %get3A_116 = vector.load %arg6[%get3A_113, %get3A_114, %get3A_115] : memref<8x16x16xf32, #tpu.memory_space<vmem>>, vector<1x16x16xf32>
    %get3A_117 = vector.shape_cast %get3A_116 : vector<1x16x16xf32> to vector<16x16xf32>
    %dot_general3A_118 = arith.constant dense<0.000000e+00> : vector<2x16xf32>
    %dot_general3A_119 = tpu.matmul %dot_general3A_106, %get3A_117, %dot_general3A_118 {dimension_numbers = #tpu.dot_dimension_numbers<[1], [0], [0], [1], [0, 0, 1, 1], [], []>, precision = #tpu.contract_precision<fp32>, transpose_lhs_hint = false} : vector<2x16xf32>, vector<16x16xf32>, vector<2x16xf32> -> vector<2x16xf32>
    %dot_general3A_120 = arith.constant dense<0.000000e+00> : vector<1x16xf32>
    %dot_general3A_121 = tpu.matmul %add3A_112, %get3A_117, %dot_general3A_120 {dimension_numbers = #tpu.dot_dimension_numbers<[1], [0], [0], [1], [0, 0, 1, 1], [], []>, precision = #tpu.contract_precision<fp32>, transpose_lhs_hint = false} : vector<1x16xf32>, vector<16x16xf32>, vector<1x16xf32> -> vector<1x16xf32>
    %get3A_122 = arith.constant 4 : index
    %get3A_123 = arith.constant 0 : index
    %get3A_124 = vector.load %arg7[%get3A_122, %get3A_123] : memref<8x16xf32, #tpu.memory_space<vmem>>, vector<1x16xf32>
    %add3A_125 = arith.addf %dot_general3A_121, %get3A_124 : vector<1x16xf32>
    %get3A_126 = arith.constant 5 : index
    %get3A_127 = arith.constant 0 : index
    %get3A_128 = arith.constant 0 : index
    %get3A_129 = vector.load %arg6[%get3A_126, %get3A_127, %get3A_128] : memref<8x16x16xf32, #tpu.memory_space<vmem>>, vector<1x16x16xf32>
    %get3A_130 = vector.shape_cast %get3A_129 : vector<1x16x16xf32> to vector<16x16xf32>
    %dot_general3A_131 = arith.constant dense<0.000000e+00> : vector<2x16xf32>
    %dot_general3A_132 = tpu.matmul %dot_general3A_119, %get3A_130, %dot_general3A_131 {dimension_numbers = #tpu.dot_dimension_numbers<[1], [0], [0], [1], [0, 0, 1, 1], [], []>, precision = #tpu.contract_precision<fp32>, transpose_lhs_hint = false} : vector<2x16xf32>, vector<16x16xf32>, vector<2x16xf32> -> vector<2x16xf32>
    %dot_general3A_133 = arith.constant dense<0.000000e+00> : vector<1x16xf32>
    %dot_general3A_134 = tpu.matmul %add3A_125, %get3A_130, %dot_general3A_133 {dimension_numbers = #tpu.dot_dimension_numbers<[1], [0], [0], [1], [0, 0, 1, 1], [], []>, precision = #tpu.contract_precision<fp32>, transpose_lhs_hint = false} : vector<1x16xf32>, vector<16x16xf32>, vector<1x16xf32> -> vector<1x16xf32>
    %get3A_135 = arith.constant 5 : index
    %get3A_136 = arith.constant 0 : index
    %get3A_137 = vector.load %arg7[%get3A_135, %get3A_136] : memref<8x16xf32, #tpu.memory_space<vmem>>, vector<1x16xf32>
    %add3A_138 = arith.addf %dot_general3A_134, %get3A_137 : vector<1x16xf32>
    %get3A_139 = arith.constant 6 : index
    %get3A_140 = arith.constant 0 : index
    %get3A_141 = arith.constant 0 : index
    %get3A_142 = vector.load %arg6[%get3A_139, %get3A_140, %get3A_141] : memref<8x16x16xf32, #tpu.memory_space<vmem>>, vector<1x16x16xf32>
    %get3A_143 = vector.shape_cast %get3A_142 : vector<1x16x16xf32> to vector<16x16xf32>
    %dot_general3A_144 = arith.constant dense<0.000000e+00> : vector<2x16xf32>
    %dot_general3A_145 = tpu.matmul %dot_general3A_132, %get3A_143, %dot_general3A_144 {dimension_numbers = #tpu.dot_dimension_numbers<[1], [0], [0], [1], [0, 0, 1, 1], [], []>, precision = #tpu.contract_precision<fp32>, transpose_lhs_hint = false} : vector<2x16xf32>, vector<16x16xf32>, vector<2x16xf32> -> vector<2x16xf32>
    %dot_general3A_146 = arith.constant dense<0.000000e+00> : vector<1x16xf32>
    %dot_general3A_147 = tpu.matmul %add3A_138, %get3A_143, %dot_general3A_146 {dimension_numbers = #tpu.dot_dimension_numbers<[1], [0], [0], [1], [0, 0, 1, 1], [], []>, precision = #tpu.contract_precision<fp32>, transpose_lhs_hint = false} : vector<1x16xf32>, vector<16x16xf32>, vector<1x16xf32> -> vector<1x16xf32>
    %get3A_148 = arith.constant 6 : index
    %get3A_149 = arith.constant 0 : index
    %get3A_150 = vector.load %arg7[%get3A_148, %get3A_149] : memref<8x16xf32, #tpu.memory_space<vmem>>, vector<1x16xf32>
    %add3A_151 = arith.addf %dot_general3A_147, %get3A_150 : vector<1x16xf32>
    %get3A_152 = arith.constant 7 : index
    %get3A_153 = arith.constant 0 : index
    %get3A_154 = arith.constant 0 : index
    %get3A_155 = vector.load %arg6[%get3A_152, %get3A_153, %get3A_154] : memref<8x16x16xf32, #tpu.memory_space<vmem>>, vector<1x16x16xf32>
    %get3A_156 = vector.shape_cast %get3A_155 : vector<1x16x16xf32> to vector<16x16xf32>
    %dot_general3A_157 = arith.constant dense<0.000000e+00> : vector<2x16xf32>
    %dot_general3A_158 = tpu.matmul %dot_general3A_145, %get3A_156, %dot_general3A_157 {dimension_numbers = #tpu.dot_dimension_numbers<[1], [0], [0], [1], [0, 0, 1, 1], [], []>, precision = #tpu.contract_precision<fp32>, transpose_lhs_hint = false} : vector<2x16xf32>, vector<16x16xf32>, vector<2x16xf32> -> vector<2x16xf32>
    %dot_general3A_159 = arith.constant dense<0.000000e+00> : vector<1x16xf32>
    %dot_general3A_160 = tpu.matmul %add3A_151, %get3A_156, %dot_general3A_159 {dimension_numbers = #tpu.dot_dimension_numbers<[1], [0], [0], [1], [0, 0, 1, 1], [], []>, precision = #tpu.contract_precision<fp32>, transpose_lhs_hint = false} : vector<1x16xf32>, vector<16x16xf32>, vector<1x16xf32> -> vector<1x16xf32>
    %get3A_161 = arith.constant 7 : index
    %get3A_162 = arith.constant 0 : index
    %get3A_163 = vector.load %arg7[%get3A_161, %get3A_162] : memref<8x16xf32, #tpu.memory_space<vmem>>, vector<1x16xf32>
    %add3A_164 = arith.addf %dot_general3A_160, %get3A_163 : vector<1x16xf32>
    %get3A_165 = arith.constant 0 : index
    %get3A_166 = arith.constant 0 : index
    %get3A_167 = vector.load %arg8[%get3A_165, %get3A_166] : memref<16x2xf32, #tpu.memory_space<vmem>>, vector<16x2xf32>
    %dot_general3A_168 = arith.constant dense<0.000000e+00> : vector<2x2xf32>
    %dot_general3A_169 = tpu.matmul %dot_general3A_158, %get3A_167, %dot_general3A_168 {dimension_numbers = #tpu.dot_dimension_numbers<[1], [0], [0], [1], [0, 0, 1, 1], [], []>, precision = #tpu.contract_precision<fp32>, transpose_lhs_hint = false} : vector<2x16xf32>, vector<16x2xf32>, vector<2x2xf32> -> vector<2x2xf32>
    %get3A_170 = arith.constant 0 : index
    %get3A_171 = arith.constant 0 : index
    %get3A_172 = vector.load %arg8[%get3A_170, %get3A_171] : memref<16x2xf32, #tpu.memory_space<vmem>>, vector<16x2xf32>
    %dot_general3A_173 = arith.constant dense<0.000000e+00> : vector<1x2xf32>
    %dot_general3A_174 = tpu.matmul %add3A_164, %get3A_172, %dot_general3A_173 {dimension_numbers = #tpu.dot_dimension_numbers<[1], [0], [0], [1], [0, 0, 1, 1], [], []>, precision = #tpu.contract_precision<fp32>, transpose_lhs_hint = false} : vector<1x16xf32>, vector<16x2xf32>, vector<1x2xf32> -> vector<1x2xf32>
    %get3A_175 = arith.constant 0 : index
    %get3A_176 = arith.constant 0 : index
    %get3A_177 = vector.load %arg9[%get3A_175, %get3A_176] : memref<1x2xf32, #tpu.memory_space<vmem>>, vector<1x2xf32>
    %add3A_178 = arith.addf %dot_general3A_174, %get3A_177 : vector<1x2xf32>
    %dot_general3A_179 = arith.constant dense<0.000000e+00> : vector<64x2xf32>
    %dot_general3A_180 = tpu.matmul %concatenate3A, %dot_general3A_169, %dot_general3A_179 {dimension_numbers = #tpu.dot_dimension_numbers<[1], [0], [0], [1], [0, 0, 1, 1], [], []>, precision = #tpu.contract_precision<fp32>, transpose_lhs_hint = false} : vector<64x2xf32>, vector<2x2xf32>, vector<64x2xf32> -> vector<64x2xf32>
    %add3A_181 = vector.broadcast %add3A_178 : vector<1x2xf32> to vector<64x2xf32>
    %add3A_182 = arith.addf %dot_general3A_180, %add3A_181 : vector<64x2xf32>
    %swap3A = arith.constant 0 : index
    %swap3A_183 = arith.constant 0 : index
    %swap3A_184 = vector.load %arg10[%swap3A, %swap3A_183] : memref<64x2xf32, #tpu.memory_space<vmem>>, vector<64x2xf32>
    tpu.vector_store %arg10[%swap3A, %swap3A_183], %add3A_182 {strides = array<i32>} : memref<64x2xf32, #tpu.memory_space<vmem>>, vector<64x2xf32>,
    return
  }
}

</mosaic_0001>

<sc_bundles>
// kernel: kernel.5.cloned.1.call-start
scs
__scs_entry_jumppad:
0x0: {  	(pc) =	sbr.rel $0x88, $3  }
0x1: {  	(tag) =	ssettag $0x0;
	lr =	simm.s32 $0x1  }
0x2: {  	[smem:$0x3F8F] =	sst lr;
	_ =	strace $0xD0000000  }
0x3: {  	_ = 	snop  }
0x4: {  	_ = 	snop  }
0x5: {  	_ = 	snop  }
0x6: {  	_ = 	snop  }
0x7: {  	_ = 	snop  }
__scs_overlays_trampoline_lowered:
0x8: {  	[smem:$0x3F9E] =	sst s0  }
0x9: {  	[smem:$0x3F9F] =	sst s1  }
0xa: {  	[smem:$0x3FA0] =	sst s2  }
0xb: {  	[smem:$0x3FA1] =	sst s3  }
0xc: {  	[smem:$0x3FA2] =	sst s4  }
0xd: {  	[smem:$0x3FA3] =	sst s5  }
0xe: {  	[smem:$0x3FA4] =	sst s6  }
0xf: {  	[smem:$0x3FA5] =	sst s7  }
0x10: {  	[smem:$0x3FA6] =	sst s8  }
0x11: {  	[smem:$0x3FA7] =	sst s9;
	s0 =	simm.s32 @!p0 $0x0  }
0x12: {  	s1 =	sld [smem:$0x3F8D];
	s0 =	simm.s32 @p0 $0x1  }
0x13: {  	[smem:$0x3FA8] =	sst s0;
	s0 =	simm.s32 @!p1 $0x0  }
0x14: {  	s2 =	sld [smem:$0x3F8C];
	s0 =	simm.s32 @p1 $0x1  }
0x15: {  	[smem:$0x3FA9] =	sst s0;
	s0 =	simm.s32 @!p2 $0x0  }
0x16: {  	s3 =	sld [smem:$0x3FDB];
	s0 =	simm.s32 @p2 $0x1  }
0x17: {  	s4 =	simm.s32 $0x1BF5;
	[smem:$0x3FAB] =	sst s0  }
0x18: {  	s0 =	sld [smem:$0x3F8E];
	_ =	swait.ge [sflag:s4], $0x0  }
0x19: {  	s7 =	sld [smem:$0x3F8F]  }
0x1a: {  	s8 =	sadd.s32 $0xFFFFE003, lr  }
0x1b: {  	s9 =	sadd.s32 $0xFFFFFEF7, lr;
	s5 =	simm.s32 $0xFFFFFFFF;
	p2 =	slt.u32 s8, $0xFFFFF086  }
0x1c: {  	p1 =	slt.u32 s9, $0xF7A;
	s5 =	simm.s32 @!p2 $0x0  }
0x1d: {  	s5 =	simm.s32 @p1 $0x1;
	p0 =	seq.s32 s7, s2  }
0x1e: {  	s7 =	smul.u32 @!p0 $0xF7A, s2;
	p2 =	seq.s32 @!p0 s5, $0x0  }
0x1f: {  	s9 =	smul.u32 $0xF7A, s1;
	s8 =	simm.s32 @!p0 $0x1BF5;
	p2 =	por !p2, p0  }
0x20: {  	[sflag:s8] =	ssyncset.s32 @!p0 $0xFFFFF086;
	s6 =	sadd.s32 @!p0 s3, s7;
	s7 =	simm.s32 @!p0 $0x108  }
0x21: {  	s3 =	sadd.s32 s3, s9;
	s6 =	sadd.s32 @!p0 $0x88, s6;
	s7 =	simm.s32 @p2 $0x1082  }
0x22: {  	[simem:s7], [sflag:s8] =	dma.local @!p0 [hbm:s6], $0xF7A  }
0x23: {  	s9 =	sor.u32 $0xD0000000, s2;
	s6 =	simm.s32 $0x108;
	_ =	swait.ge @!p0 [sflag:s8], $0x0  }
0x24: {  	s3 =	sadd.s32 $0x88, s3;
	s6 =	simm.s32 @!p1 $0x1082;
	[sflag:s4] =	ssyncset.s32 $0xFFFFF086  }
0x25: {  	[simem:s6], [sflag:s4] =	dma.local [hbm:s3], $0xF7A  }
0x26: {  	[smem:$0x3F8F] =	sst s1;
	(tag) =	ssettag s2;
	_ =	strace s9  }
0x27: {  	s1 =	sld [smem:$0x3F9F]  }
0x28: {  	s2 =	sld [smem:$0x3FA0]  }
0x29: {  	s4 =	sld [smem:$0x3FA2]  }
0x2a: {  	p0 =	seq.s32 s5, $0x0;
	s5 =	sld [smem:$0x3FA3]  }
0x2b: {  	s6 =	sld [smem:$0x3FA4]  }
0x2c: {  	s7 =	sld [smem:$0x3FA5]  }
0x2d: {  	s3 =	simm.s32 $0x108;
	s8 =	sld [smem:$0x3FA6]  }
0x2e: {  	s3 =	simm.s32 @!p0 $0x1082;
	s9 =	sld [smem:$0x3FA7]  }
0x2f: {  	lr =	sadd.s32 s0, s3;
	s0 =	sld [smem:$0x3F9E]  }
0x30: {  	s3 =	sld [smem:$0x3FA1]  }
0x31: {  	[smem:$0x3FAA] =	sst s10  }
0x32: {  	s10 =	sld [smem:$0x3FA8];
	_ =	sdelay $0x3  }
0x33: {  	p0 =	seq.s32 s10, $0x1;
	s10 =	sld [smem:$0x3FAA];
	_ =	sdelay $0x3  }
0x34: {  	[smem:$0x3FAA] =	sst s10  }
0x35: {  	s10 =	sld [smem:$0x3FA9];
	_ =	sdelay $0x3  }
0x36: {  	p1 =	seq.s32 s10, $0x1;
	s10 =	sld [smem:$0x3FAA];
	_ =	sdelay $0x3  }
0x37: {  	[smem:$0x3FAA] =	sst s10  }
0x38: {  	s10 =	sld [smem:$0x3FAB]  }
0x39: {  	_ = 	snop;
	(pc) =	sbr.ind lr, $3  }
0x3a: {  	_ = 	snop  }
0x3b: {  	_ = 	snop  }
0x3c: {  	p2 =	seq.s32 s10, $0x1;
	s10 =	sld [smem:$0x3FAA]  }
0x3d: {  	_ =	shalt  }
0x3e: {  	_ =	shalt  }
0x3f: {  	_ =	shalt  }
0x40: {  	_ =	shalt  }
0x41: {  	_ =	shalt  }
0x42: {  	_ =	shalt  }
0x43: {  	_ =	shalt  }
0x44: {  	_ =	shalt  }
0x45: {  	_ =	shalt  }
0x46: {  	_ =	shalt  }
0x47: {  	_ =	shalt  }
0x48: {  	_ =	shalt  }
0x49: {  	_ =	shalt  }
0x4a: {  	_ =	shalt  }
0x4b: {  	_ =	shalt  }
0x4c: {  	_ =	shalt  }
0x4d: {  	_ =	shalt  }
0x4e: {  	_ =	shalt  }
0x4f: {  	_ =	shalt  }
0x50: {  	_ =	shalt  }
0x51: {  	_ =	shalt  }
0x52: {  	_ =	shalt  }
0x53: {  	_ =	shalt  }
0x54: {  	_ =	shalt  }
0x55: {  	_ =	shalt  }
0x56: {  	_ =	shalt  }
0x57: {  	_ =	shalt  }
0x58: {  	_ =	shalt  }
0x59: {  	_ =	shalt  }
0x5a: {  	_ =	shalt  }
0x5b: {  	_ =	shalt  }
0x5c: {  	_ =	shalt  }
0x5d: {  	_ =	shalt  }
0x5e: {  	_ =	shalt  }
0x5f: {  	_ =	shalt  }
0x60: {  	_ =	shalt  }
0x61: {  	_ =	shalt  }
0x62: {  	_ =	shalt  }
0x63: {  	_ =	shalt  }
0x64: {  	_ =	shalt  }
0x65: {  	_ =	shalt  }
0x66: {  	_ =	shalt  }
0x67: {  	_ =	shalt  }
0x68: {  	_ =	shalt  }
0x69: {  	_ =	shalt  }
0x6a: {  	_ =	shalt  }
0x6b: {  	_ =	shalt  }
0x6c: {  	_ =	shalt  }
0x6d: {  	_ =	shalt  }
0x6e: {  	_ =	shalt  }
0x6f: {  	_ =	shalt  }
0x70: {  	_ =	shalt  }
0x71: {  	_ =	shalt  }
0x72: {  	_ =	shalt  }
0x73: {  	_ =	shalt  }
0x74: {  	_ =	shalt  }
0x75: {  	_ =	shalt  }
0x76: {  	_ =	shalt  }
0x77: {  	_ =	shalt  }
0x78: {  	_ =	shalt  }
0x79: {  	_ =	shalt  }
0x7a: {  	_ =	shalt  }
0x7b: {  	_ =	shalt  }
0x7c: {  	_ =	shalt  }
0x7d: {  	_ =	shalt  }
0x7e: {  	_ =	shalt  }
0x7f: {  	_ =	shalt  }
0x80: {  	_ =	shalt  }
0x81: {  	_ =	shalt  }
0x82: {  	_ =	shalt  }
0x83: {  	_ =	shalt  }
0x84: {  	_ =	shalt  }
0x85: {  	_ =	shalt  }
0x86: {  	_ =	shalt  }
0x87: {  	_ =	shalt  }
.Lfunc_end0:
.L_simem_size_0:
called_computation_lowered:
.L_overlay_start_0:
0x88: {  	s2 =	sld [smem:$0x3FD9]  }
0x89: {  	s3 =	sld [smem:$0x3FFE];
	_ =	sdelay $0x1  }
0x8a: {  	s1 =	srdreg.scid  }
0x8b: {  	s0 =	sand.u32 $0x1, s1  }
0x8c: {  	s17 =	sshll.u32 s0, $0xA;
	s2 =	sadd.s32 s3, s2  }
0x8d: {  	s2 =	sadd.s32 s2, s17  }
0x8e: {  	[smem:$0x3FB6] =	sst s2  }
0x8f: {  	_ = 	snop  }
0x90: {  	s2 =	sld [smem:$0x3FD0];
	(tm) =	ssettm $0x1  }
0x91: {  	s18 =	sld [smem:$0x3FFB];
	_ =	sdelay $0x3  }
0x92: {  	_ =	strace s18  }
0x93: {  	s3 =	sld [smem:$0x3FFC];
	_ =	sdelay $0x3  }
0x94: {  	_ =	strace s3  }
0x95: {  	s3 =	sld [smem:$0x3FFD];
	_ =	sdelay $0x3  }
0x96: {  	_ =	strace s3  }
0x97: {  	_ =	strace $0x8FFFFFFF  }
0x98: {  	s19 =	sld [smem:$0x3FDB];
	_ =	sdelay $0x1  }
0x99: {  	s4 =	simm.s32 $_scs_section_size  }
0x9a: {  	s5 =	simm.s32 $_size__tile_overlayer_lowered;
	s6 =	simm.s32 $_tile_overlayer_lowered  }
0x9b: {  	s22 =	simm.s32 $0x1BFF;
	s21 =	sshll.u32 s6, $0x1;
	s3 =	sadd.s32 s4, s19  }
0x9c: {  	s7 =	simm.s32 $0x0;
	s20 =	sshll.u32 s5, $0x1;
	s5 =	sadd.s32 s21, s3  }
0x9d: {  	[timem:s7], [sflag:s22] =	dma.local [hbm:s5], s20  }
0x9e: {  	_ =	swait.ge [sflag:s22], s20  }
0x9f: {  	s4 =	ssub.s32 $0x0, s20;
	[sflag:s22] =	ssyncset.done $0x0  }
0xa0: {  	[sflag:s22] =	ssyncadd.s32 s4;
	_ =	sdelay $0x1  }
0xa1: {  	s23 =	simm.s32 $0x1B8B  }
0xa2: {  	_ =	swait.ge [sflag:s23], $0x1  }
0xa3: {  	[sflag:s23] =	ssyncset.done $0x0  }
0xa4: {  	s25 =	simm.s32 $0x1B8E;
	s24 =	sld [smem:$0x3FFE];
	[sflag:s23] =	ssyncadd.s32 $0xFFFFFFFF  }
0xa5: {  	s26 =	simm.s32 $execute0_lowered;
	[smem:$0x3FD2] =	sst s25  }
0xa6: {  	s5 =	sshll.u32 s26, $0x1;
	_ =	strace $0x80000046;
	[dreg:$0x1] =	wrdreg $0xFFFFFFFF  }
0xa7: {  	s28 =	simm.s32 $_size_execute0_lowered;
	s3 =	sadd.s32 s3, s5;
	[dreg:$0x0] =	wrdreg $0x0  }
0xa8: {  	s5 =	sshll.u32 s28, $0x1;
	[dreg:$0x2] =	wrdreg s3  }
0xa9: {  	[dreg:$0x3] =	wrdreg s5  }
0xaa: {  	[dreg:$0x4] =	wrdreg $0xC0  }
0xab: {  	_ =	task [dreg:s7], $0x5FFFF  }
0xac: {  	[dreg:$0x1] =	wrdreg $0xFFFFFFFF  }
0xad: {  	[dreg:$0x0] =	wrdreg $0x60  }
0xae: {  	[dreg:$0x2] =	wrdreg s24  }
0xaf: {  	[dreg:$0x3] =	wrdreg s2  }
0xb0: {  	[dreg:$0x4] =	wrdreg $0x121800  }
0xb1: {  	[dreg:$0x5] =	wrdreg $0x149800  }
0xb2: {  	[dreg:$0x6] =	wrdreg $0x9  }
0xb3: {  	_ =	task.clear_ibuf [dreg:s7], $0x7FFFF;
	_ =	strace $0x90000046  }
0xb4: {  	s29 =	simm.s32 $0x9;
	_ =	strace $0x80000048  }
0xb5: {  	_ =	swait.ge [sflag:s29], $0x1  }
0xb6: {  	[sflag:s29] =	ssyncadd.s32 $0xFFFFFFFF  }
0xb7: {  	_ =	strace $0x90000048  }
0xb8: {  	_ =	sfence  }
0xb9: {  	s30 =	sld [smem:$0x0];
	_ =	sdelay $0x2  }
0xba: {  	s31 =	sshll.u32 s1, $0xD;
	s1 =	sshrl.u32 s1, $0x2  }
0xbb: {  	s3 =	sand.u32 $0x4000, s31;
	s1 =	sadd.s32 s1, s30  }
0xbc: {  	s0 =	sor.u32 s3, s0;
	s1 =	sshll.u32 s1, $0x11  }
0xbd: {  	s0 =	sor.u32 s1, s0  }
0xbe: {  	s0 =	sadd.s32 $0x8F2B, s0  }
0xbf: {  	[sflag:s0] =	ssyncadd.remote.s32 $0x1  }
0xc0: {  	_ =	sfence.sel $0xFFFF  }
0xc1: {  	[dreg:$0x0] =	wrdreg $0xFFFFFFFF;
	(pc) =	sbr.abs _section_cstart, $3  }
0xc2: {  	[dreg:$0x1] =	wrdreg $0xFFFFFFFF  }
0xc3: {  	_ =	task.clear_ibuf [dreg:s7], $0x2FFFF;
	_ =	strace $0x9FFFFFFF  }
0xc4: {  	(tm) =	ssettm $0x7FFFFFFF  }
0xc5: {  	_ =	shalt  }
tec
execute0_lowered:
.L_overlay_start_1:
0x0: {  	(tag) =	ssettag $0x1  }
0x1: {  	s1 =	srdreg.scid  }
0x2: {  	s0 =	rddreg [dreg:$0x1];
	s11 =	stileid.u32;
	s1 =	sand.u32 $0x1, s1  }
0x3: {  	s4 =	rddreg [dreg:$0x2];
	s3 =	sshrl.u32 s11, $0x3;
	s6 =	smul.u32 $0x7800, s1  }
0x4: {  	s5 =	rddreg [dreg:$0x3];
	s8 =	sshll.u32 s11, $0x7;
	s3 =	smul.u32 $0x14000, s3  }
0x5: {  	s2 =	ssub.s32 $0x2, s1;
	s9 =	smul.u32 $0x2800, s1;
	s31 =	sshll.u32 s1, $0x2  }
0x6: {  	s30 =	sand.u32 $0x380, s8;
	s7 =	sshrl.u32 s2, $0x1;
	s0 =	sadd.s32 s0, s31  }
0x7: {  	s15 =	ssub.s32 s2, s7;
	s2 =	sor.u32 s30, s3;
	s3 =	smul.u32 $0x1400, s11  }
0x8: {  	p0 =	seq.s32 s1, $0x0;
	[dreg:$0x5] =	wrdreg s0;
	s1 =	sadd.s32 s2, s4  }
0x9: {  	s7 =	sadd.s32 s2, s5;
	[dreg:$0x6] =	wrdreg s1;
	s8 =	sor.u32 $0x80, s3  }
0xa: {  	[dreg:$0x7] =	wrdreg s7;
	s12 =	sadd.s32 s8, s4  }
0xb: {  	s10 =	sor.u32 $0x100, s3;
	s0 =	sadd.s32 s8, s5;
	[dreg:$0x8] =	wrdreg s12  }
0xc: {  	s13 =	sadd.s32 s10, s4;
	[dreg:$0x9] =	wrdreg s0  }
0xd: {  	s16 =	sor.u32 $0x180, s3;
	s14 =	sadd.s32 s10, s5;
	[dreg:$0xa] =	wrdreg s13  }
0xe: {  	s17 =	sor.u32 $0x200, s3;
	s18 =	sadd.s32 s16, s4;
	[dreg:$0xb] =	wrdreg s14  }
0xf: {  	s19 =	sadd.s32 s17, s4;
	[dreg:$0xc] =	wrdreg s18  }
0x10: {  	s21 =	sor.u32 $0x280, s3;
	s20 =	sadd.s32 s17, s5;
	[dreg:$0xe] =	wrdreg s19  }
0x11: {  	s22 =	sor.u32 $0x300, s3;
	s23 =	sadd.s32 s21, s4;
	[dreg:$0xf] =	wrdreg s20  }
0x12: {  	s24 =	sadd.s32 s22, s4;
	[dreg:$0x10] =	wrdreg s23  }
0x13: {  	s26 =	sor.u32 $0x380, s3;
	s25 =	sadd.s32 s22, s5;
	[dreg:$0x12] =	wrdreg s24  }
0x14: {  	s28 =	sadd.s32 $0x14000, s3;
	s29 =	sadd.s32 s26, s4;
	[dreg:$0x13] =	wrdreg s25  }
0x15: {  	s30 =	sadd.s32 s28, s4;
	[dreg:$0x14] =	wrdreg s29  }
0x16: {  	s1 =	sadd.s32 $0x14080, s3;
	s31 =	sadd.s32 s28, s5;
	[dreg:$0x16] =	wrdreg s30  }
0x17: {  	s7 =	sadd.s32 $0x14100, s3;
	s8 =	sadd.s32 s1, s4;
	[dreg:$0x17] =	wrdreg s31  }
0x18: {  	s6 =	sshrl.u32 s6, $0x3;
	s10 =	sadd.s32 s7, s4;
	[dreg:$0x18] =	wrdreg s8  }
0x19: {  	s15 =	smax.u32 s15, $0x1;
	s0 =	sadd.s32 s16, s5;
	[dreg:$0x1a] =	wrdreg s10  }
0x1a: {  	s2 =	sadd.s32 s3, s5;
	s12 =	sadd.s32 s7, s5;
	[dreg:$0xd] =	wrdreg s0  }
0x1b: {  	s13 =	sadd.s32 $0x14180, s3;
	s24 =	sadd.s32 s3, s4;
	[dreg:$0x1b] =	wrdreg s12  }
0x1c: {  	s14 =	sadd.s32 $0x14200, s3;
	s0 =	sadd.s32 s21, s5;
	[smem:$0x7FD] =	sst s24  }
0x1d: {  	s19 =	sadd.s32 $0x14280, s3;
	s16 =	sadd.s32 s13, s4;
	[dreg:$0x11] =	wrdreg s0  }
0x1e: {  	s20 =	sadd.s32 $0x14300, s3;
	s17 =	sadd.s32 s14, s4;
	[dreg:$0x1c] =	wrdreg s16  }
0x1f: {  	s25 =	sadd.s32 $0x14380, s3;
	s18 =	sadd.s32 s14, s5;
	[dreg:$0x1e] =	wrdreg s17  }
0x20: {  	s3 =	smul.u32 $0x280, s11;
	s21 =	sadd.s32 s19, s4;
	[dreg:$0x1f] =	wrdreg s18  }
0x21: {  	s29 =	smul.u32 $0x4E20, s11;
	s22 =	sadd.s32 s20, s4;
	[smem:$0x7F9] =	sst s21  }
0x22: {  	s23 =	sadd.s32 s20, s5;
	s4 =	sadd.s32 s25, s4;
	[smem:$0x7FB] =	sst s22  }
0x23: {  	s20 =	simm.s32 $0x9F80;
	s24 =	simm.s32 $0x400;
	[smem:$0x7FC] =	sst s23  }
0x24: {  	s0 =	sadd.s32 s26, s5;
	s26 =	rddreg [dreg:$0x0];
	s28 =	sadd.s32 s3, s9  }
0x25: {  	s30 =	sshrl.u32 s29, $0x3;
	s16 =	simm.s32 $0x1;
	s17 =	simm.s32 $0x2800  }
0x26: {  	s18 =	simm.s32 $0x5000;
	s21 =	simm.s32 $0xEF00;
	s22 =	simm.s32 $0xC700  }
0x27: {  	s23 =	simm.s32 $0x80;
	[dreg:$0x15] =	wrdreg s0;
	s0 =	sadd.s32 s1, s5  }
0x28: {  	s7 =	sadd.s32 $0x17000, s26;
	s10 =	sadd.s32 $0xD200, s26;
	s8 =	sadd.s32 $0x20E00, s26  }
0x29: {  	s1 =	sadd.s32 $0x3400, s26;
	s31 =	sadd.s32 $0x4E2, s30;
	[dreg:$0x19] =	wrdreg s0  }
0x2a: {  	s0 =	sadd.s32 s13, s5;
	s10 =	smov.u32 @p0 s7;
	s13 =	sadd.s32 s6, s26  }
0x2b: {  	s6 =	simm.s32 $0x0;
	s1 =	smov.u32 @p0 s8;
	[dreg:$0x1d] =	wrdreg s0  }
0x2c: {  	s0 =	sadd.s32 s19, s5;
	s5 =	sadd.s32 s25, s5;
	[smem:$0x7FF] =	sst s6  }
0x2d: {  	s7 =	sadd.s32 s10, s30;
	s8 =	sadd.s32 s1, s30;
	s9 =	sadd.s32 s10, s31  }
0x2e: {  	s10 =	sadd.s32 s1, s31;
	s11 =	sadd.s32 $0x1600, s13;
	s12 =	sadd.s32 $0x1B00, s13  }
0x2f: {  	s13 =	sadd.s32 $0x2000, s13;
	[smem:$0x7FA] =	sst s0;
	s0 =	sshrl.u32 s28, $0x3  }
0x30: {  	s19 =	simm.s32 $0x7800;
	s25 =	simm.s32 $0x11C00;
	s0 =	sadd.s32 s0, s26  }
0x31: {  	v0 =	vimm.f32 $0.0e+00;
	_ =	strace $0x80000047;
	s26 =	simm.s32 $0x0;
	s14 =	sadd.s32 $0x2AC00, s0  }
.LBB2_1:
0x32: {  	[tilespmem:s6], [sflag:$0x1] =	stream.linear.gather [hbm4b:s11+s6], $0x2800, $0x38;
	[tilespmem:$0x17180] =	vst v63  }
0x33: {  	_ =	swait.ge [sflag:s16], $0x2800  }
0x34: {  	[sflag:s16] =	ssyncset.done $0x0  }
0x35: {  	[sflag:s16] =	ssyncadd.s32 $0xFFFFD800  }
0x36: {  	[tilespmem:s17], [sflag:$0x1] =	stream.linear.gather [hbm4b:s12+s6], $0x2800, $0x38;
	[tilespmem:$0x17180] =	vst v63  }
0x37: {  	_ =	swait.ge [sflag:s16], $0x2800  }
0x38: {  	[sflag:s16] =	ssyncset.done $0x0  }
0x39: {  	[sflag:s16] =	ssyncadd.s32 $0xFFFFD800  }
0x3a: {  	[tilespmem:s18], [sflag:$0x1] =	stream.linear.gather [hbm4b:s13+s6], $0x2800, $0x38;
	[tilespmem:$0x17180] =	vst v63  }
0x3b: {  	_ =	swait.ge [sflag:s16], $0x2800  }
0x3c: {  	[sflag:s16] =	ssyncset.done $0x0  }
0x3d: {  	s1 =	simm.s32 $0x12100;
	s0 =	rddreg [dreg:$0x5];
	[sflag:s16] =	ssyncadd.s32 $0xFFFFD800  }
0x3e: {  	[tilespmem:s1], [sflag:$0x1] =	stream.linear.gather [hbm4b:s0+s6], $0x20, $0x38;
	[tilespmem:$0x17180] =	vst v63  }
0x3f: {  	_ =	swait.ge [sflag:s16], $0x20  }
0x40: {  	[sflag:s16] =	ssyncset.done $0x0  }
0x41: {  	[sflag:s16] =	ssyncadd.s32 $0xFFFFFFE0  }
0x42: {  	v2 =	vld [tilespmem:$0x12100]  }
0x43: {  	s28 =	simm.s32 $0x40;
	s29 =	simm.s32 $0x0;
	v1 =	vld [tilespmem:$0x12110]  }
.LBB2_2:
0x44: {  	p0 =	sne.s32 s28, $0x9FC0;
	[tilespmem:s29+$0xC700] =	vst v0;
	s0 =	smov.u32 s28;
	s28 =	sadd.s32 $0x40, s28  }
.Ltmp0:
0x45: {  	[tilespmem:s29+$0xEF00] =	vst v0;
	(pc) =	sbr.rel @p0 .LBB2_2-.Ltmp0, $2  }
0x46: {  	_ =	sdelay $0x2  }
0x47: {  	s29 =	sshra.s32 s0, $0x2  }
0x48: {  	[tilespmem:s29+$0xC700] =	vst v0  }
0x49: {  	[tilespmem:s29+$0xEF00] =	vst v0;
	s0 =	simm.s32 $0x0  }
0x4a: {  	[tilespmem:s19], [sflag:$0x1] =	stream.linear.gather [hbm4b:s7+s0], $0x2710, $0x38;
	[tilespmem:$0x17180] =	vst v63  }
0x4b: {  	_ =	swait.ge [sflag:s16], $0x2710  }
0x4c: {  	[sflag:s16] =	ssyncset.done $0x0  }
0x4d: {  	[sflag:s16] =	ssyncadd.s32 $0xFFFFD8F0  }
0x4e: {  	[tilespmem:s20], [sflag:$0x1] =	stream.linear.gather [hbm4b:s8+s0], $0x2710, $0x38;
	[tilespmem:$0x17180] =	vst v63  }
0x4f: {  	_ =	swait.ge [sflag:s16], $0x2710  }
0x50: {  	[sflag:s16] =	ssyncset.done $0x0  }
0x51: {  	s29 =	simm.s32 $0x0;
	[sflag:s16] =	ssyncadd.s32 $0xFFFFD8F0  }
0x52: {  	s28 =	simm.s32 $0x40;
	v3 =	vld [tilespmem:s29+$0x9F80]  }
.LBB2_4:
0x53: {  	p0 =	sne.s32 s28, $0x9C00;
	v4 =	vld [tilespmem:s29+$0x7800];
	_ =	sdelay $0x6  }
0x54: {  	v5 =	vld.idx.msk [tilespmem:v3+s17+$0x0], $0xffff  }
0x55: {  	v6 =	vld.idx.msk [tilespmem:v4+s6+$0x0], $0xffff;
	_ =	sdelay $0x5  }
0x56: {  	v5 =	vadd.f32 v5, v6;
	_ =	sdelay $0x1  }
0x57: {  	v6 =	vmul.f32 $2.000000030e-01, v5;
	_ =	sdelay $0x1  }
0x58: {  	v5 =	vmax.f32 v5, v6  }
0x59: {  	v5 =	vsub.f32 v5, v2;
	_ =	sdelay $0x1  }
0x5a: {  	v5 =	vmul.f32 $1.442695020e+00, v5;
	_ =	sdelay $0x1  }
0x5b: {  	(erf) = vpow2.f32 v5;
	_ =	sdelay $0x3  }
0x5c: {  	v4 =	vld.idx.msk [tilespmem:v4+s18+$0x0], $0xffff;
	_ =	sdelay $0x4  }
.Ltmp1:
0x5d: {  	v5 =	vpop (erf);
	(pc) =	sbr.rel @p0 .LBB2_4-.Ltmp1, $4  }
0x5e: {  	v4 =	vmul.f32 v5, v4  }
0x5f: {  	[tilespmem:v3+s21+$0x0] =	vst.idx.add.f32.msk $0xffff, v5  }
0x60: {  	s29 =	sshra.s32 s28, $0x2;
	[tilespmem:v3+s22+$0x0] =	vst.idx.add.f32.msk $0xffff, v4  }
0x61: {  	s28 =	sadd.s32 $0x40, s28;
	v3 =	vld [tilespmem:s29+$0x9F80]  }
0x62: {  	_ = 	snop  }
0x63: {  	v4 =	vld [tilespmem:s29+$0x7800];
	_ =	sdelay $0x6  }
0x64: {  	v5 =	vld.idx.msk [tilespmem:v3+s17+$0x0], $0xffff  }
0x65: {  	v6 =	vld.idx.msk [tilespmem:v4+s6+$0x0], $0xffff;
	_ =	sdelay $0x4  }
0x66: {  	v5 =	vadd.f32 v5, v6;
	_ =	sdelay $0x1  }
0x67: {  	v6 =	vmul.f32 $2.000000030e-01, v5;
	_ =	sdelay $0x1  }
0x68: {  	v5 =	vmax.f32 v5, v6  }
0x69: {  	v5 =	vsub.f32 v5, v2;
	_ =	sdelay $0x1  }
0x6a: {  	v5 =	vmul.f32 $1.442695020e+00, v5;
	_ =	sdelay $0x1  }
0x6b: {  	(erf) = vpow2.f32 v5;
	_ =	sdelay $0x4  }
0x6c: {  	v4 =	vld.idx.msk [tilespmem:v4+s18+$0x0], $0xffff;
	_ =	sdelay $0x3  }
0x6d: {  	v5 =	vpop (erf)  }
0x6e: {  	v4 =	vmul.f32 v5, v4  }
0x6f: {  	[tilespmem:v3+s21+$0x0] =	vst.idx.add.f32.msk $0xffff, v5  }
0x70: {  	s0 =	simm.s32 $0x0;
	[tilespmem:v3+s22+$0x0] =	vst.idx.add.f32.msk $0xffff, v4  }
0x71: {  	[tilespmem:s19], [sflag:$0x1] =	stream.linear.gather [hbm4b:s9+s0], $0x2710, $0x38;
	[tilespmem:$0x17180] =	vst v63  }
0x72: {  	_ =	swait.ge [sflag:s16], $0x2710  }
0x73: {  	[sflag:s16] =	ssyncset.done $0x0  }
0x74: {  	[sflag:s16] =	ssyncadd.s32 $0xFFFFD8F0  }
0x75: {  	[tilespmem:s20], [sflag:$0x1] =	stream.linear.gather [hbm4b:s10+s0], $0x2710, $0x38;
	[tilespmem:$0x17180] =	vst v63  }
0x76: {  	_ =	swait.ge [sflag:s16], $0x2710  }
0x77: {  	[sflag:s16] =	ssyncset.done $0x0  }
0x78: {  	s29 =	simm.s32 $0x0;
	[sflag:s16] =	ssyncadd.s32 $0xFFFFD8F0  }
0x79: {  	s28 =	simm.s32 $0x40;
	v3 =	vld [tilespmem:s29+$0x9F80]  }
.LBB2_6:
0x7a: {  	p0 =	sne.s32 s28, $0x9C00;
	v4 =	vld [tilespmem:s29+$0x7800];
	_ =	sdelay $0x6  }
0x7b: {  	v5 =	vld.idx.msk [tilespmem:v3+s17+$0x0], $0xffff  }
0x7c: {  	v6 =	vld.idx.msk [tilespmem:v4+s6+$0x0], $0xffff;
	_ =	sdelay $0x5  }
0x7d: {  	v5 =	vadd.f32 v5, v6;
	_ =	sdelay $0x1  }
0x7e: {  	v6 =	vmul.f32 $2.000000030e-01, v5;
	_ =	sdelay $0x1  }
0x7f: {  	v5 =	vmax.f32 v5, v6  }
0x80: {  	v5 =	vsub.f32 v5, v2;
	_ =	sdelay $0x1  }
0x81: {  	v5 =	vmul.f32 $1.442695020e+00, v5;
	_ =	sdelay $0x1  }
0x82: {  	(erf) = vpow2.f32 v5;
	_ =	sdelay $0x3  }
0x83: {  	v4 =	vld.idx.msk [tilespmem:v4+s18+$0x0], $0xffff;
	_ =	sdelay $0x4  }
.Ltmp2:
0x84: {  	v5 =	vpop (erf);
	(pc) =	sbr.rel @p0 .LBB2_6-.Ltmp2, $4  }
0x85: {  	v4 =	vmul.f32 v5, v4  }
0x86: {  	[tilespmem:v3+s21+$0x0] =	vst.idx.add.f32.msk $0xffff, v5  }
0x87: {  	s29 =	sshra.s32 s28, $0x2;
	[tilespmem:v3+s22+$0x0] =	vst.idx.add.f32.msk $0xffff, v4  }
0x88: {  	s28 =	sadd.s32 $0x40, s28;
	v3 =	vld [tilespmem:s29+$0x9F80]  }
0x89: {  	_ = 	snop  }
0x8a: {  	v4 =	vld [tilespmem:s29+$0x7800];
	_ =	sdelay $0x6  }
0x8b: {  	v5 =	vld.idx.msk [tilespmem:v3+s17+$0x0], $0xffff  }
0x8c: {  	v6 =	vld.idx.msk [tilespmem:v4+s6+$0x0], $0xffff;
	_ =	sdelay $0x4  }
0x8d: {  	v5 =	vadd.f32 v5, v6;
	_ =	sdelay $0x1  }
0x8e: {  	v6 =	vmul.f32 $2.000000030e-01, v5;
	_ =	sdelay $0x1  }
0x8f: {  	v5 =	vmax.f32 v5, v6  }
0x90: {  	v5 =	vsub.f32 v5, v2;
	_ =	sdelay $0x1  }
0x91: {  	v5 =	vmul.f32 $1.442695020e+00, v5;
	_ =	sdelay $0x1  }
0x92: {  	(erf) = vpow2.f32 v5;
	_ =	sdelay $0x4  }
0x93: {  	v4 =	vld.idx.msk [tilespmem:v4+s18+$0x0], $0xffff;
	_ =	sdelay $0x3  }
0x94: {  	v5 =	vpop (erf)  }
0x95: {  	v4 =	vmul.f32 v5, v4  }
0x96: {  	[tilespmem:v3+s21+$0x0] =	vst.idx.add.f32.msk $0xffff, v5  }
0x97: {  	s0 =	rddreg [dreg:$0x6];
	[tilespmem:v3+s22+$0x0] =	vst.idx.add.f32.msk $0xffff, v4  }
0x98: {  	[spmem:s0] =	stream.strided.scatter [tilespmem:s22], [sflag:$0x1], $0x2800, s24, s23, $0x38;
	[tilespmem:$0x17180] =	vst v63  }
0x99: {  	_ =	swait.ge [sflag:s16], $0x2800  }
0x9a: {  	[sflag:s16] =	ssyncset.done $0x0  }
0x9b: {  	s31 =	rddreg [dreg:$0x7];
	[sflag:s16] =	ssyncadd.s32 $0xFFFFD800  }
0x9c: {  	[spmem:s31] =	stream.strided.scatter [tilespmem:s21], [sflag:$0x1], $0x2800, s24, s23, $0x38;
	[tilespmem:$0x17180] =	vst v63  }
0x9d: {  	_ =	swait.ge [sflag:s16], $0x2800  }
0x9e: {  	[sflag:s16] =	ssyncset.done $0x0  }
0x9f: {  	[sflag:s16] =	ssyncadd.s32 $0xFFFFD800  }
0xa0: {  	s28 =	simm.s32 $0x40;
	s29 =	simm.s32 $0x0;
	[bflag:$0x0] =	sbarrier.arrive $0xFFFF  }
.LBB2_8:
0xa1: {  	p0 =	sne.s32 s28, $0x9C0;
	[tilespmem:s29+$0x11700] =	vst v0;
	s0 =	smov.u32 s28;
	s28 =	sadd.s32 $0x40, s28  }
.Ltmp3:
0xa2: {  	[tilespmem:s29+$0x11980] =	vst v0;
	(pc) =	sbr.rel @p0 .LBB2_8-.Ltmp3, $2  }
0xa3: {  	_ =	sdelay $0x2  }
0xa4: {  	s29 =	sshra.s32 s0, $0x2  }
0xa5: {  	s0 =	sld [smem:$0x7FD]  }
0xa6: {  	[tilespmem:s29+$0x11700] =	vst v0  }
0xa7: {  	[tilespmem:s29+$0x11980] =	vst v0  }
0xa8: {  	[tilespmem:s25], [sflag:$0x1] =	stream.strided.gather [spmem:s0], $0x280, s24, s23, $0x38;
	[tilespmem:$0x17180] =	vst v63  }
0xa9: {  	_ =	swait.ge [sflag:s16], $0x280  }
0xaa: {  	[sflag:s16] =	ssyncset.done $0x0  }
0xab: {  	s28 =	simm.s32 $0x0;
	[sflag:s16] =	ssyncadd.s32 $0xFFFFFD80  }
0xac: {  	s29 =	simm.s32 $0x40;
	v3 =	vld [tilespmem:s28+$0x11C00]  }
.LBB2_10:
0xad: {  	p0 =	sne.s32 s29, $0x9C0;
	v4 =	vld [tilespmem:s28+$0x11700];
	_ =	sdelay $0x2  }
.Ltmp4:
0xae: {  	(pc) =	sbr.rel @p0 .LBB2_10-.Ltmp4, $4  }
0xaf: {  	_ = 	snop  }
0xb0: {  	v4 =	vadd.f32 v3, v4  }
0xb1: {  	s0 =	sshra.s32 s29, $0x2  }
0xb2: {  	s29 =	sadd.s32 $0x40, s29;
	v3 =	vld [tilespmem:s0+$0x11C00];
	[tilespmem:s28+$0x11700] =	vst v4;
	s28 =	smov.u32 s0  }
0xb3: {  	v4 =	vld [tilespmem:s28+$0x11700];
	_ =	sdelay $0x4  }
0xb4: {  	v3 =	vadd.f32 v3, v4;
	_ =	sdelay $0x1  }
0xb5: {  	[tilespmem:s28+$0x11700] =	vst v3  }
0xb6: {  	[tilespmem:s25], [sflag:$0x1] =	stream.strided.gather [spmem:s2], $0x280, s24, s23, $0x38;
	[tilespmem:$0x17180] =	vst v63  }
0xb7: {  	_ =	swait.ge [sflag:s16], $0x280  }
0xb8: {  	[sflag:s16] =	ssyncset.done $0x0  }
0xb9: {  	s28 =	simm.s32 $0x0;
	[sflag:s16] =	ssyncadd.s32 $0xFFFFFD80  }
0xba: {  	s29 =	simm.s32 $0x40;
	v3 =	vld [tilespmem:s28+$0x11C00]  }
.LBB2_12:
0xbb: {  	p0 =	sne.s32 s29, $0x9C0;
	v4 =	vld [tilespmem:s28+$0x11980];
	_ =	sdelay $0x2  }
.Ltmp5:
0xbc: {  	(pc) =	sbr.rel @p0 .LBB2_12-.Ltmp5, $4  }
0xbd: {  	_ = 	snop  }
0xbe: {  	v4 =	vadd.f32 v3, v4  }
0xbf: {  	s0 =	sshra.s32 s29, $0x2  }
0xc0: {  	s29 =	sadd.s32 $0x40, s29;
	v3 =	vld [tilespmem:s0+$0x11C00];
	[tilespmem:s28+$0x11980] =	vst v4;
	s28 =	smov.u32 s0  }
0xc1: {  	v4 =	vld [tilespmem:s28+$0x11980];
	_ =	sdelay $0x4  }
0xc2: {  	v3 =	vadd.f32 v3, v4;
	_ =	sdelay $0x1  }
0xc3: {  	s0 =	rddreg [dreg:$0x8];
	[tilespmem:s28+$0x11980] =	vst v3  }
0xc4: {  	[tilespmem:s25], [sflag:$0x1] =	stream.strided.gather [spmem:s0], $0x280, s24, s23, $0x38;
	[tilespmem:$0x17180] =	vst v63  }
0xc5: {  	_ =	swait.ge [sflag:s16], $0x280  }
0xc6: {  	[sflag:s16] =	ssyncset.done $0x0  }
0xc7: {  	s28 =	simm.s32 $0x0;
	[sflag:s16] =	ssyncadd.s32 $0xFFFFFD80  }
0xc8: {  	s29 =	simm.s32 $0x40;
	v3 =	vld [tilespmem:s28+$0x11C00]  }
.LBB2_14:
0xc9: {  	p0 =	sne.s32 s29, $0x9C0;
	v4 =	vld [tilespmem:s28+$0x11700];
	_ =	sdelay $0x2  }
.Ltmp6:
0xca: {  	(pc) =	sbr.rel @p0 .LBB2_14-.Ltmp6, $4  }
0xcb: {  	_ = 	snop  }
0xcc: {  	v4 =	vadd.f32 v3, v4  }
0xcd: {  	s0 =	sshra.s32 s29, $0x2  }
0xce: {  	s29 =	sadd.s32 $0x40, s29;
	v3 =	vld [tilespmem:s0+$0x11C00];
	[tilespmem:s28+$0x11700] =	vst v4;
	s28 =	smov.u32 s0  }
0xcf: {  	v4 =	vld [tilespmem:s28+$0x11700];
	_ =	sdelay $0x4  }
0xd0: {  	v3 =	vadd.f32 v3, v4;
	_ =	sdelay $0x1  }
0xd1: {  	s0 =	rddreg [dreg:$0x9];
	[tilespmem:s28+$0x11700] =	vst v3  }
0xd2: {  	[tilespmem:s25], [sflag:$0x1] =	stream.strided.gather [spmem:s0], $0x280, s24, s23, $0x38;
	[tilespmem:$0x17180] =	vst v63  }
0xd3: {  	_ =	swait.ge [sflag:s16], $0x280  }
0xd4: {  	[sflag:s16] =	ssyncset.done $0x0  }
0xd5: {  	s28 =	simm.s32 $0x0;
	[sflag:s16] =	ssyncadd.s32 $0xFFFFFD80  }
0xd6: {  	s29 =	simm.s32 $0x40;
	v3 =	vld [tilespmem:s28+$0x11C00]  }
.LBB2_16:
0xd7: {  	p0 =	sne.s32 s29, $0x9C0;
	v4 =	vld [tilespmem:s28+$0x11980];
	_ =	sdelay $0x2  }
.Ltmp7:
0xd8: {  	(pc) =	sbr.rel @p0 .LBB2_16-.Ltmp7, $4  }
0xd9: {  	_ = 	snop  }
0xda: {  	v4 =	vadd.f32 v3, v4  }
0xdb: {  	s0 =	sshra.s32 s29, $0x2  }
0xdc: {  	s29 =	sadd.s32 $0x40, s29;
	v3 =	vld [tilespmem:s0+$0x11C00];
	[tilespmem:s28+$0x11980] =	vst v4;
	s28 =	smov.u32 s0  }
0xdd: {  	v4 =	vld [tilespmem:s28+$0x11980];
	_ =	sdelay $0x4  }
0xde: {  	v3 =	vadd.f32 v3, v4;
	_ =	sdelay $0x1  }
0xdf: {  	s0 =	rddreg [dreg:$0xa];
	[tilespmem:s28+$0x11980] =	vst v3  }
0xe0: {  	[tilespmem:s25], [sflag:$0x1] =	stream.strided.gather [spmem:s0], $0x280, s24, s23, $0x38;
	[tilespmem:$0x17180] =	vst v63  }
0xe1: {  	_ =	swait.ge [sflag:s16], $0x280  }
0xe2: {  	[sflag:s16] =	ssyncset.done $0x0  }
0xe3: {  	s28 =	simm.s32 $0x0;
	[sflag:s16] =	ssyncadd.s32 $0xFFFFFD80  }
0xe4: {  	s29 =	simm.s32 $0x40;
	v3 =	vld [tilespmem:s28+$0x11C00]  }
.LBB2_18:
0xe5: {  	p0 =	sne.s32 s29, $0x9C0;
	v4 =	vld [tilespmem:s28+$0x11700];
	_ =	sdelay $0x2  }
.Ltmp8:
0xe6: {  	(pc) =	sbr.rel @p0 .LBB2_18-.Ltmp8, $4  }
0xe7: {  	_ = 	snop  }
0xe8: {  	v4 =	vadd.f32 v3, v4  }
0xe9: {  	s0 =	sshra.s32 s29, $0x2  }
0xea: {  	s29 =	sadd.s32 $0x40, s29;
	v3 =	vld [tilespmem:s0+$0x11C00];
	[tilespmem:s28+$0x11700] =	vst v4;
	s28 =	smov.u32 s0  }
0xeb: {  	v4 =	vld [tilespmem:s28+$0x11700];
	_ =	sdelay $0x4  }
0xec: {  	v3 =	vadd.f32 v3, v4;
	_ =	sdelay $0x1  }
0xed: {  	s0 =	rddreg [dreg:$0xb];
	[tilespmem:s28+$0x11700] =	vst v3  }
0xee: {  	[tilespmem:s25], [sflag:$0x1] =	stream.strided.gather [spmem:s0], $0x280, s24, s23, $0x38;
	[tilespmem:$0x17180] =	vst v63  }
0xef: {  	_ =	swait.ge [sflag:s16], $0x280  }
0xf0: {  	[sflag:s16] =	ssyncset.done $0x0  }
0xf1: {  	s28 =	simm.s32 $0x0;
	[sflag:s16] =	ssyncadd.s32 $0xFFFFFD80  }
0xf2: {  	s29 =	simm.s32 $0x40;
	v3 =	vld [tilespmem:s28+$0x11C00]  }
.LBB2_20:
0xf3: {  	p0 =	sne.s32 s29, $0x9C0;
	v4 =	vld [tilespmem:s28+$0x11980];
	_ =	sdelay $0x2  }
.Ltmp9:
0xf4: {  	(pc) =	sbr.rel @p0 .LBB2_20-.Ltmp9, $4  }
0xf5: {  	_ = 	snop  }
0xf6: {  	v4 =	vadd.f32 v3, v4  }
0xf7: {  	s0 =	sshra.s32 s29, $0x2  }
0xf8: {  	s29 =	sadd.s32 $0x40, s29;
	v3 =	vld [tilespmem:s0+$0x11C00];
	[tilespmem:s28+$0x11980] =	vst v4;
	s28 =	smov.u32 s0  }
0xf9: {  	v4 =	vld [tilespmem:s28+$0x11980];
	_ =	sdelay $0x4  }
0xfa: {  	v3 =	vadd.f32 v3, v4;
	_ =	sdelay $0x1  }
0xfb: {  	s0 =	rddreg [dreg:$0xc];
	[tilespmem:s28+$0x11980] =	vst v3  }
0xfc: {  	[tilespmem:s25], [sflag:$0x1] =	stream.strided.gather [spmem:s0], $0x280, s24, s23, $0x38;
	[tilespmem:$0x17180] =	vst v63  }
0xfd: {  	_ =	swait.ge [sflag:s16], $0x280  }
0xfe: {  	[sflag:s16] =	ssyncset.done $0x0  }
0xff: {  	s28 =	simm.s32 $0x0;
	[sflag:s16] =	ssyncadd.s32 $0xFFFFFD80  }
0x100: {  	s29 =	simm.s32 $0x40;
	v3 =	vld [tilespmem:s28+$0x11C00]  }
.LBB2_22:
0x101: {  	p0 =	sne.s32 s29, $0x9C0;
	v4 =	vld [tilespmem:s28+$0x11700];
	_ =	sdelay $0x2  }
.Ltmp10:
0x102: {  	(pc) =	sbr.rel @p0 .LBB2_22-.Ltmp10, $4  }
0x103: {  	_ = 	snop  }
0x104: {  	v4 =	vadd.f32 v3, v4  }
0x105: {  	s0 =	sshra.s32 s29, $0x2  }
0x106: {  	s29 =	sadd.s32 $0x40, s29;
	v3 =	vld [tilespmem:s0+$0x11C00];
	[tilespmem:s28+$0x11700] =	vst v4;
	s28 =	smov.u32 s0  }
0x107: {  	v4 =	vld [tilespmem:s28+$0x11700];
	_ =	sdelay $0x4  }
0x108: {  	v3 =	vadd.f32 v3, v4;
	_ =	sdelay $0x1  }
0x109: {  	s0 =	rddreg [dreg:$0xd];
	[tilespmem:s28+$0x11700] =	vst v3  }
0x10a: {  	[tilespmem:s25], [sflag:$0x1] =	stream.strided.gather [spmem:s0], $0x280, s24, s23, $0x38;
	[tilespmem:$0x17180] =	vst v63  }
0x10b: {  	_ =	swait.ge [sflag:s16], $0x280  }
0x10c: {  	[sflag:s16] =	ssyncset.done $0x0  }
0x10d: {  	s28 =	simm.s32 $0x0;
	[sflag:s16] =	ssyncadd.s32 $0xFFFFFD80  }
0x10e: {  	s29 =	simm.s32 $0x40;
	v3 =	vld [tilespmem:s28+$0x11C00]  }
.LBB2_24:
0x10f: {  	p0 =	sne.s32 s29, $0x9C0;
	v4 =	vld [tilespmem:s28+$0x11980];
	_ =	sdelay $0x2  }
.Ltmp11:
0x110: {  	(pc) =	sbr.rel @p0 .LBB2_24-.Ltmp11, $4  }
0x111: {  	_ = 	snop  }
0x112: {  	v4 =	vadd.f32 v3, v4  }
0x113: {  	s0 =	sshra.s32 s29, $0x2  }
0x114: {  	s29 =	sadd.s32 $0x40, s29;
	v3 =	vld [tilespmem:s0+$0x11C00];
	[tilespmem:s28+$0x11980] =	vst v4;
	s28 =	smov.u32 s0  }
0x115: {  	v4 =	vld [tilespmem:s28+$0x11980];
	_ =	sdelay $0x4  }
0x116: {  	v3 =	vadd.f32 v3, v4;
	_ =	sdelay $0x1  }
0x117: {  	s0 =	rddreg [dreg:$0xe];
	[tilespmem:s28+$0x11980] =	vst v3  }
0x118: {  	[tilespmem:s25], [sflag:$0x1] =	stream.strided.gather [spmem:s0], $0x280, s24, s23, $0x38;
	[tilespmem:$0x17180] =	vst v63  }
0x119: {  	_ =	swait.ge [sflag:s16], $0x280  }
0x11a: {  	[sflag:s16] =	ssyncset.done $0x0  }
0x11b: {  	s28 =	simm.s32 $0x0;
	[sflag:s16] =	ssyncadd.s32 $0xFFFFFD80  }
0x11c: {  	s29 =	simm.s32 $0x40;
	v3 =	vld [tilespmem:s28+$0x11C00]  }
.LBB2_26:
0x11d: {  	p0 =	sne.s32 s29, $0x9C0;
	v4 =	vld [tilespmem:s28+$0x11700];
	_ =	sdelay $0x2  }
.Ltmp12:
0x11e: {  	(pc) =	sbr.rel @p0 .LBB2_26-.Ltmp12, $4  }
0x11f: {  	_ = 	snop  }
0x120: {  	v4 =	vadd.f32 v3, v4  }
0x121: {  	s0 =	sshra.s32 s29, $0x2  }
0x122: {  	s29 =	sadd.s32 $0x40, s29;
	v3 =	vld [tilespmem:s0+$0x11C00];
	[tilespmem:s28+$0x11700] =	vst v4;
	s28 =	smov.u32 s0  }
0x123: {  	v4 =	vld [tilespmem:s28+$0x11700];
	_ =	sdelay $0x4  }
0x124: {  	v3 =	vadd.f32 v3, v4;
	_ =	sdelay $0x1  }
0x125: {  	s0 =	rddreg [dreg:$0xf];
	[tilespmem:s28+$0x11700] =	vst v3  }
0x126: {  	[tilespmem:s25], [sflag:$0x1] =	stream.strided.gather [spmem:s0], $0x280, s24, s23, $0x38;
	[tilespmem:$0x17180] =	vst v63  }
0x127: {  	_ =	swait.ge [sflag:s16], $0x280  }
0x128: {  	[sflag:s16] =	ssyncset.done $0x0  }
0x129: {  	s28 =	simm.s32 $0x0;
	[sflag:s16] =	ssyncadd.s32 $0xFFFFFD80  }
0x12a: {  	s29 =	simm.s32 $0x40;
	v3 =	vld [tilespmem:s28+$0x11C00]  }
.LBB2_28:
0x12b: {  	p0 =	sne.s32 s29, $0x9C0;
	v4 =	vld [tilespmem:s28+$0x11980];
	_ =	sdelay $0x2  }
.Ltmp13:
0x12c: {  	(pc) =	sbr.rel @p0 .LBB2_28-.Ltmp13, $4  }
0x12d: {  	_ = 	snop  }
0x12e: {  	v4 =	vadd.f32 v3, v4  }
0x12f: {  	s0 =	sshra.s32 s29, $0x2  }
0x130: {  	s29 =	sadd.s32 $0x40, s29;
	v3 =	vld [tilespmem:s0+$0x11C00];
	[tilespmem:s28+$0x11980] =	vst v4;
	s28 =	smov.u32 s0  }
0x131: {  	v4 =	vld [tilespmem:s28+$0x11980];
	_ =	sdelay $0x4  }
0x132: {  	v3 =	vadd.f32 v3, v4;
	_ =	sdelay $0x1  }
0x133: {  	s0 =	rddreg [dreg:$0x10];
	[tilespmem:s28+$0x11980] =	vst v3  }
0x134: {  	[tilespmem:s25], [sflag:$0x1] =	stream.strided.gather [spmem:s0], $0x280, s24, s23, $0x38;
	[tilespmem:$0x17180] =	vst v63  }
0x135: {  	_ =	swait.ge [sflag:s16], $0x280  }
0x136: {  	[sflag:s16] =	ssyncset.done $0x0  }
0x137: {  	s28 =	simm.s32 $0x0;
	[sflag:s16] =	ssyncadd.s32 $0xFFFFFD80  }
0x138: {  	s29 =	simm.s32 $0x40;
	v3 =	vld [tilespmem:s28+$0x11C00]  }
.LBB2_30:
0x139: {  	p0 =	sne.s32 s29, $0x9C0;
	v4 =	vld [tilespmem:s28+$0x11700];
	_ =	sdelay $0x2  }
.Ltmp14:
0x13a: {  	(pc) =	sbr.rel @p0 .LBB2_30-.Ltmp14, $4  }
0x13b: {  	_ = 	snop  }
0x13c: {  	v4 =	vadd.f32 v3, v4  }
0x13d: {  	s0 =	sshra.s32 s29, $0x2  }
0x13e: {  	s29 =	sadd.s32 $0x40, s29;
	v3 =	vld [tilespmem:s0+$0x11C00];
	[tilespmem:s28+$0x11700] =	vst v4;
	s28 =	smov.u32 s0  }
0x13f: {  	v4 =	vld [tilespmem:s28+$0x11700];
	_ =	sdelay $0x4  }
0x140: {  	v3 =	vadd.f32 v3, v4;
	_ =	sdelay $0x1  }
0x141: {  	s0 =	rddreg [dreg:$0x11];
	[tilespmem:s28+$0x11700] =	vst v3  }
0x142: {  	[tilespmem:s25], [sflag:$0x1] =	stream.strided.gather [spmem:s0], $0x280, s24, s23, $0x38;
	[tilespmem:$0x17180] =	vst v63  }
0x143: {  	_ =	swait.ge [sflag:s16], $0x280  }
0x144: {  	[sflag:s16] =	ssyncset.done $0x0  }
0x145: {  	s28 =	simm.s32 $0x0;
	[sflag:s16] =	ssyncadd.s32 $0xFFFFFD80  }
0x146: {  	s29 =	simm.s32 $0x40;
	v3 =	vld [tilespmem:s28+$0x11C00]  }
.LBB2_32:
0x147: {  	p0 =	sne.s32 s29, $0x9C0;
	v4 =	vld [tilespmem:s28+$0x11980];
	_ =	sdelay $0x2  }
.Ltmp15:
0x148: {  	(pc) =	sbr.rel @p0 .LBB2_32-.Ltmp15, $4  }
0x149: {  	_ = 	snop  }
0x14a: {  	v4 =	vadd.f32 v3, v4  }
0x14b: {  	s0 =	sshra.s32 s29, $0x2  }
0x14c: {  	s29 =	sadd.s32 $0x40, s29;
	v3 =	vld [tilespmem:s0+$0x11C00];
	[tilespmem:s28+$0x11980] =	vst v4;
	s28 =	smov.u32 s0  }
0x14d: {  	v4 =	vld [tilespmem:s28+$0x11980];
	_ =	sdelay $0x4  }
0x14e: {  	v3 =	vadd.f32 v3, v4;
	_ =	sdelay $0x1  }
0x14f: {  	s0 =	rddreg [dreg:$0x12];
	[tilespmem:s28+$0x11980] =	vst v3  }
0x150: {  	[tilespmem:s25], [sflag:$0x1] =	stream.strided.gather [spmem:s0], $0x280, s24, s23, $0x38;
	[tilespmem:$0x17180] =	vst v63  }
0x151: {  	_ =	swait.ge [sflag:s16], $0x280  }
0x152: {  	[sflag:s16] =	ssyncset.done $0x0  }
0x153: {  	s28 =	simm.s32 $0x0;
	[sflag:s16] =	ssyncadd.s32 $0xFFFFFD80  }
0x154: {  	s29 =	simm.s32 $0x40;
	v3 =	vld [tilespmem:s28+$0x11C00]  }
.LBB2_34:
0x155: {  	p0 =	sne.s32 s29, $0x9C0;
	v4 =	vld [tilespmem:s28+$0x11700];
	_ =	sdelay $0x2  }
.Ltmp16:
0x156: {  	(pc) =	sbr.rel @p0 .LBB2_34-.Ltmp16, $4  }
0x157: {  	_ = 	snop  }
0x158: {  	v4 =	vadd.f32 v3, v4  }
0x159: {  	s0 =	sshra.s32 s29, $0x2  }
0x15a: {  	s29 =	sadd.s32 $0x40, s29;
	v3 =	vld [tilespmem:s0+$0x11C00];
	[tilespmem:s28+$0x11700] =	vst v4;
	s28 =	smov.u32 s0  }
0x15b: {  	v4 =	vld [tilespmem:s28+$0x11700];
	_ =	sdelay $0x4  }
0x15c: {  	v3 =	vadd.f32 v3, v4;
	_ =	sdelay $0x1  }
0x15d: {  	s0 =	rddreg [dreg:$0x13];
	[tilespmem:s28+$0x11700] =	vst v3  }
0x15e: {  	[tilespmem:s25], [sflag:$0x1] =	stream.strided.gather [spmem:s0], $0x280, s24, s23, $0x38;
	[tilespmem:$0x17180] =	vst v63  }
0x15f: {  	_ =	swait.ge [sflag:s16], $0x280  }
0x160: {  	[sflag:s16] =	ssyncset.done $0x0  }
0x161: {  	s28 =	simm.s32 $0x0;
	[sflag:s16] =	ssyncadd.s32 $0xFFFFFD80  }
0x162: {  	s29 =	simm.s32 $0x40;
	v3 =	vld [tilespmem:s28+$0x11C00]  }
.LBB2_36:
0x163: {  	p0 =	sne.s32 s29, $0x9C0;
	v4 =	vld [tilespmem:s28+$0x11980];
	_ =	sdelay $0x2  }
.Ltmp17:
0x164: {  	(pc) =	sbr.rel @p0 .LBB2_36-.Ltmp17, $4  }
0x165: {  	_ = 	snop  }
0x166: {  	v4 =	vadd.f32 v3, v4  }
0x167: {  	s0 =	sshra.s32 s29, $0x2  }
0x168: {  	s29 =	sadd.s32 $0x40, s29;
	v3 =	vld [tilespmem:s0+$0x11C00];
	[tilespmem:s28+$0x11980] =	vst v4;
	s28 =	smov.u32 s0  }
0x169: {  	v4 =	vld [tilespmem:s28+$0x11980];
	_ =	sdelay $0x4  }
0x16a: {  	v3 =	vadd.f32 v3, v4;
	_ =	sdelay $0x1  }
0x16b: {  	s0 =	rddreg [dreg:$0x14];
	[tilespmem:s28+$0x11980] =	vst v3  }
0x16c: {  	[tilespmem:s25], [sflag:$0x1] =	stream.strided.gather [spmem:s0], $0x280, s24, s23, $0x38;
	[tilespmem:$0x17180] =	vst v63  }
0x16d: {  	_ =	swait.ge [sflag:s16], $0x280  }
0x16e: {  	[sflag:s16] =	ssyncset.done $0x0  }
0x16f: {  	s28 =	simm.s32 $0x0;
	[sflag:s16] =	ssyncadd.s32 $0xFFFFFD80  }
0x170: {  	s29 =	simm.s32 $0x40;
	v3 =	vld [tilespmem:s28+$0x11C00]  }
.LBB2_38:
0x171: {  	p0 =	sne.s32 s29, $0x9C0;
	v4 =	vld [tilespmem:s28+$0x11700];
	_ =	sdelay $0x2  }
.Ltmp18:
0x172: {  	(pc) =	sbr.rel @p0 .LBB2_38-.Ltmp18, $4  }
0x173: {  	_ = 	snop  }
0x174: {  	v4 =	vadd.f32 v3, v4  }
0x175: {  	s0 =	sshra.s32 s29, $0x2  }
0x176: {  	s29 =	sadd.s32 $0x40, s29;
	v3 =	vld [tilespmem:s0+$0x11C00];
	[tilespmem:s28+$0x11700] =	vst v4;
	s28 =	smov.u32 s0  }
0x177: {  	v4 =	vld [tilespmem:s28+$0x11700];
	_ =	sdelay $0x4  }
0x178: {  	v3 =	vadd.f32 v3, v4;
	_ =	sdelay $0x1  }
0x179: {  	s0 =	rddreg [dreg:$0x15];
	[tilespmem:s28+$0x11700] =	vst v3  }
0x17a: {  	[tilespmem:s25], [sflag:$0x1] =	stream.strided.gather [spmem:s0], $0x280, s24, s23, $0x38;
	[tilespmem:$0x17180] =	vst v63  }
0x17b: {  	_ =	swait.ge [sflag:s16], $0x280  }
0x17c: {  	[sflag:s16] =	ssyncset.done $0x0  }
0x17d: {  	s28 =	simm.s32 $0x0;
	[sflag:s16] =	ssyncadd.s32 $0xFFFFFD80  }
0x17e: {  	s29 =	simm.s32 $0x40;
	v3 =	vld [tilespmem:s28+$0x11C00]  }
.LBB2_40:
0x17f: {  	p0 =	sne.s32 s29, $0x9C0;
	v4 =	vld [tilespmem:s28+$0x11980];
	_ =	sdelay $0x2  }
.Ltmp19:
0x180: {  	(pc) =	sbr.rel @p0 .LBB2_40-.Ltmp19, $4  }
0x181: {  	_ = 	snop  }
0x182: {  	v4 =	vadd.f32 v3, v4  }
0x183: {  	s0 =	sshra.s32 s29, $0x2  }
0x184: {  	s29 =	sadd.s32 $0x40, s29;
	v3 =	vld [tilespmem:s0+$0x11C00];
	[tilespmem:s28+$0x11980] =	vst v4;
	s28 =	smov.u32 s0  }
0x185: {  	v4 =	vld [tilespmem:s28+$0x11980];
	_ =	sdelay $0x4  }
0x186: {  	v3 =	vadd.f32 v3, v4;
	_ =	sdelay $0x1  }
0x187: {  	s0 =	rddreg [dreg:$0x16];
	[tilespmem:s28+$0x11980] =	vst v3  }
0x188: {  	[tilespmem:s25], [sflag:$0x1] =	stream.strided.gather [spmem:s0], $0x280, s24, s23, $0x38;
	[tilespmem:$0x17180] =	vst v63  }
0x189: {  	_ =	swait.ge [sflag:s16], $0x280  }
0x18a: {  	[sflag:s16] =	ssyncset.done $0x0  }
0x18b: {  	s28 =	simm.s32 $0x0;
	[sflag:s16] =	ssyncadd.s32 $0xFFFFFD80  }
0x18c: {  	s29 =	simm.s32 $0x40;
	v3 =	vld [tilespmem:s28+$0x11C00]  }
.LBB2_42:
0x18d: {  	p0 =	sne.s32 s29, $0x9C0;
	v4 =	vld [tilespmem:s28+$0x11700];
	_ =	sdelay $0x2  }
.Ltmp20:
0x18e: {  	(pc) =	sbr.rel @p0 .LBB2_42-.Ltmp20, $4  }
0x18f: {  	_ = 	snop  }
0x190: {  	v4 =	vadd.f32 v3, v4  }
0x191: {  	s0 =	sshra.s32 s29, $0x2  }
0x192: {  	s29 =	sadd.s32 $0x40, s29;
	v3 =	vld [tilespmem:s0+$0x11C00];
	[tilespmem:s28+$0x11700] =	vst v4;
	s28 =	smov.u32 s0  }
0x193: {  	v4 =	vld [tilespmem:s28+$0x11700];
	_ =	sdelay $0x4  }
0x194: {  	v3 =	vadd.f32 v3, v4;
	_ =	sdelay $0x1  }
0x195: {  	s0 =	rddreg [dreg:$0x17];
	[tilespmem:s28+$0x11700] =	vst v3  }
0x196: {  	[tilespmem:s25], [sflag:$0x1] =	stream.strided.gather [spmem:s0], $0x280, s24, s23, $0x38;
	[tilespmem:$0x17180] =	vst v63  }
0x197: {  	_ =	swait.ge [sflag:s16], $0x280  }
0x198: {  	[sflag:s16] =	ssyncset.done $0x0  }
0x199: {  	s28 =	simm.s32 $0x0;
	[sflag:s16] =	ssyncadd.s32 $0xFFFFFD80  }
0x19a: {  	s29 =	simm.s32 $0x40;
	v3 =	vld [tilespmem:s28+$0x11C00]  }
.LBB2_44:
0x19b: {  	p0 =	sne.s32 s29, $0x9C0;
	v4 =	vld [tilespmem:s28+$0x11980];
	_ =	sdelay $0x2  }
.Ltmp21:
0x19c: {  	(pc) =	sbr.rel @p0 .LBB2_44-.Ltmp21, $4  }
0x19d: {  	_ = 	snop  }
0x19e: {  	v4 =	vadd.f32 v3, v4  }
0x19f: {  	s0 =	sshra.s32 s29, $0x2  }
0x1a0: {  	s29 =	sadd.s32 $0x40, s29;
	v3 =	vld [tilespmem:s0+$0x11C00];
	[tilespmem:s28+$0x11980] =	vst v4;
	s28 =	smov.u32 s0  }
0x1a1: {  	v4 =	vld [tilespmem:s28+$0x11980];
	_ =	sdelay $0x4  }
0x1a2: {  	v3 =	vadd.f32 v3, v4;
	_ =	sdelay $0x1  }
0x1a3: {  	s0 =	rddreg [dreg:$0x18];
	[tilespmem:s28+$0x11980] =	vst v3  }
0x1a4: {  	[tilespmem:s25], [sflag:$0x1] =	stream.strided.gather [spmem:s0], $0x280, s24, s23, $0x38;
	[tilespmem:$0x17180] =	vst v63  }
0x1a5: {  	_ =	swait.ge [sflag:s16], $0x280  }
0x1a6: {  	[sflag:s16] =	ssyncset.done $0x0  }
0x1a7: {  	s28 =	simm.s32 $0x0;
	[sflag:s16] =	ssyncadd.s32 $0xFFFFFD80  }
0x1a8: {  	s29 =	simm.s32 $0x40;
	v3 =	vld [tilespmem:s28+$0x11C00]  }
.LBB2_46:
0x1a9: {  	p0 =	sne.s32 s29, $0x9C0;
	v4 =	vld [tilespmem:s28+$0x11700];
	_ =	sdelay $0x2  }
.Ltmp22:
0x1aa: {  	(pc) =	sbr.rel @p0 .LBB2_46-.Ltmp22, $4  }
0x1ab: {  	_ = 	snop  }
0x1ac: {  	v4 =	vadd.f32 v3, v4  }
0x1ad: {  	s0 =	sshra.s32 s29, $0x2  }
0x1ae: {  	s29 =	sadd.s32 $0x40, s29;
	v3 =	vld [tilespmem:s0+$0x11C00];
	[tilespmem:s28+$0x11700] =	vst v4;
	s28 =	smov.u32 s0  }
0x1af: {  	v4 =	vld [tilespmem:s28+$0x11700];
	_ =	sdelay $0x4  }
0x1b0: {  	v3 =	vadd.f32 v3, v4;
	_ =	sdelay $0x1  }
0x1b1: {  	s0 =	rddreg [dreg:$0x19];
	[tilespmem:s28+$0x11700] =	vst v3  }
0x1b2: {  	[tilespmem:s25], [sflag:$0x1] =	stream.strided.gather [spmem:s0], $0x280, s24, s23, $0x38;
	[tilespmem:$0x17180] =	vst v63  }
0x1b3: {  	_ =	swait.ge [sflag:s16], $0x280  }
0x1b4: {  	[sflag:s16] =	ssyncset.done $0x0  }
0x1b5: {  	s28 =	simm.s32 $0x0;
	[sflag:s16] =	ssyncadd.s32 $0xFFFFFD80  }
0x1b6: {  	s29 =	simm.s32 $0x40;
	v3 =	vld [tilespmem:s28+$0x11C00]  }
.LBB2_48:
0x1b7: {  	p0 =	sne.s32 s29, $0x9C0;
	v4 =	vld [tilespmem:s28+$0x11980];
	_ =	sdelay $0x2  }
.Ltmp23:
0x1b8: {  	(pc) =	sbr.rel @p0 .LBB2_48-.Ltmp23, $4  }
0x1b9: {  	_ = 	snop  }
0x1ba: {  	v4 =	vadd.f32 v3, v4  }
0x1bb: {  	s0 =	sshra.s32 s29, $0x2  }
0x1bc: {  	s29 =	sadd.s32 $0x40, s29;
	v3 =	vld [tilespmem:s0+$0x11C00];
	[tilespmem:s28+$0x11980] =	vst v4;
	s28 =	smov.u32 s0  }
0x1bd: {  	v4 =	vld [tilespmem:s28+$0x11980];
	_ =	sdelay $0x4  }
0x1be: {  	v3 =	vadd.f32 v3, v4;
	_ =	sdelay $0x1  }
0x1bf: {  	s0 =	rddreg [dreg:$0x1a];
	[tilespmem:s28+$0x11980] =	vst v3  }
0x1c0: {  	[tilespmem:s25], [sflag:$0x1] =	stream.strided.gather [spmem:s0], $0x280, s24, s23, $0x38;
	[tilespmem:$0x17180] =	vst v63  }
0x1c1: {  	_ =	swait.ge [sflag:s16], $0x280  }
0x1c2: {  	[sflag:s16] =	ssyncset.done $0x0  }
0x1c3: {  	s28 =	simm.s32 $0x0;
	[sflag:s16] =	ssyncadd.s32 $0xFFFFFD80  }
0x1c4: {  	s29 =	simm.s32 $0x40;
	v3 =	vld [tilespmem:s28+$0x11C00]  }
.LBB2_50:
0x1c5: {  	p0 =	sne.s32 s29, $0x9C0;
	v4 =	vld [tilespmem:s28+$0x11700];
	_ =	sdelay $0x2  }
.Ltmp24:
0x1c6: {  	(pc) =	sbr.rel @p0 .LBB2_50-.Ltmp24, $4  }
0x1c7: {  	_ = 	snop  }
0x1c8: {  	v4 =	vadd.f32 v3, v4  }
0x1c9: {  	s0 =	sshra.s32 s29, $0x2  }
0x1ca: {  	s29 =	sadd.s32 $0x40, s29;
	v3 =	vld [tilespmem:s0+$0x11C00];
	[tilespmem:s28+$0x11700] =	vst v4;
	s28 =	smov.u32 s0  }
0x1cb: {  	v4 =	vld [tilespmem:s28+$0x11700];
	_ =	sdelay $0x4  }
0x1cc: {  	v3 =	vadd.f32 v3, v4;
	_ =	sdelay $0x1  }
0x1cd: {  	s0 =	rddreg [dreg:$0x1b];
	[tilespmem:s28+$0x11700] =	vst v3  }
0x1ce: {  	[tilespmem:s25], [sflag:$0x1] =	stream.strided.gather [spmem:s0], $0x280, s24, s23, $0x38;
	[tilespmem:$0x17180] =	vst v63  }
0x1cf: {  	_ =	swait.ge [sflag:s16], $0x280  }
0x1d0: {  	[sflag:s16] =	ssyncset.done $0x0  }
0x1d1: {  	s28 =	simm.s32 $0x0;
	[sflag:s16] =	ssyncadd.s32 $0xFFFFFD80  }
0x1d2: {  	s29 =	simm.s32 $0x40;
	v3 =	vld [tilespmem:s28+$0x11C00]  }
.LBB2_52:
0x1d3: {  	p0 =	sne.s32 s29, $0x9C0;
	v4 =	vld [tilespmem:s28+$0x11980];
	_ =	sdelay $0x2  }
.Ltmp25:
0x1d4: {  	(pc) =	sbr.rel @p0 .LBB2_52-.Ltmp25, $4  }
0x1d5: {  	_ = 	snop  }
0x1d6: {  	v4 =	vadd.f32 v3, v4  }
0x1d7: {  	s0 =	sshra.s32 s29, $0x2  }
0x1d8: {  	s29 =	sadd.s32 $0x40, s29;
	v3 =	vld [tilespmem:s0+$0x11C00];
	[tilespmem:s28+$0x11980] =	vst v4;
	s28 =	smov.u32 s0  }
0x1d9: {  	v4 =	vld [tilespmem:s28+$0x11980];
	_ =	sdelay $0x4  }
0x1da: {  	v3 =	vadd.f32 v3, v4;
	_ =	sdelay $0x1  }
0x1db: {  	s0 =	rddreg [dreg:$0x1c];
	[tilespmem:s28+$0x11980] =	vst v3  }
0x1dc: {  	[tilespmem:s25], [sflag:$0x1] =	stream.strided.gather [spmem:s0], $0x280, s24, s23, $0x38;
	[tilespmem:$0x17180] =	vst v63  }
0x1dd: {  	_ =	swait.ge [sflag:s16], $0x280  }
0x1de: {  	[sflag:s16] =	ssyncset.done $0x0  }
0x1df: {  	s28 =	simm.s32 $0x0;
	[sflag:s16] =	ssyncadd.s32 $0xFFFFFD80  }
0x1e0: {  	s29 =	simm.s32 $0x40;
	v3 =	vld [tilespmem:s28+$0x11C00]  }
.LBB2_54:
0x1e1: {  	p0 =	sne.s32 s29, $0x9C0;
	v4 =	vld [tilespmem:s28+$0x11700];
	_ =	sdelay $0x2  }
.Ltmp26:
0x1e2: {  	(pc) =	sbr.rel @p0 .LBB2_54-.Ltmp26, $4  }
0x1e3: {  	_ = 	snop  }
0x1e4: {  	v4 =	vadd.f32 v3, v4  }
0x1e5: {  	s0 =	sshra.s32 s29, $0x2  }
0x1e6: {  	s29 =	sadd.s32 $0x40, s29;
	v3 =	vld [tilespmem:s0+$0x11C00];
	[tilespmem:s28+$0x11700] =	vst v4;
	s28 =	smov.u32 s0  }
0x1e7: {  	v4 =	vld [tilespmem:s28+$0x11700];
	_ =	sdelay $0x4  }
0x1e8: {  	v3 =	vadd.f32 v3, v4;
	_ =	sdelay $0x1  }
0x1e9: {  	s0 =	rddreg [dreg:$0x1d];
	[tilespmem:s28+$0x11700] =	vst v3  }
0x1ea: {  	[tilespmem:s25], [sflag:$0x1] =	stream.strided.gather [spmem:s0], $0x280, s24, s23, $0x38;
	[tilespmem:$0x17180] =	vst v63  }
0x1eb: {  	_ =	swait.ge [sflag:s16], $0x280  }
0x1ec: {  	[sflag:s16] =	ssyncset.done $0x0  }
0x1ed: {  	s28 =	simm.s32 $0x0;
	[sflag:s16] =	ssyncadd.s32 $0xFFFFFD80  }
0x1ee: {  	s29 =	simm.s32 $0x40;
	v3 =	vld [tilespmem:s28+$0x11C00]  }
.LBB2_56:
0x1ef: {  	p0 =	sne.s32 s29, $0x9C0;
	v4 =	vld [tilespmem:s28+$0x11980];
	_ =	sdelay $0x2  }
.Ltmp27:
0x1f0: {  	(pc) =	sbr.rel @p0 .LBB2_56-.Ltmp27, $4  }
0x1f1: {  	_ = 	snop  }
0x1f2: {  	v4 =	vadd.f32 v3, v4  }
0x1f3: {  	s0 =	sshra.s32 s29, $0x2  }
0x1f4: {  	s29 =	sadd.s32 $0x40, s29;
	v3 =	vld [tilespmem:s0+$0x11C00];
	[tilespmem:s28+$0x11980] =	vst v4;
	s28 =	smov.u32 s0  }
0x1f5: {  	v4 =	vld [tilespmem:s28+$0x11980];
	_ =	sdelay $0x4  }
0x1f6: {  	v3 =	vadd.f32 v3, v4;
	_ =	sdelay $0x1  }
0x1f7: {  	s0 =	rddreg [dreg:$0x1e];
	[tilespmem:s28+$0x11980] =	vst v3  }
0x1f8: {  	[tilespmem:s25], [sflag:$0x1] =	stream.strided.gather [spmem:s0], $0x280, s24, s23, $0x38;
	[tilespmem:$0x17180] =	vst v63  }
0x1f9: {  	_ =	swait.ge [sflag:s16], $0x280  }
0x1fa: {  	[sflag:s16] =	ssyncset.done $0x0  }
0x1fb: {  	s28 =	simm.s32 $0x0;
	[sflag:s16] =	ssyncadd.s32 $0xFFFFFD80  }
0x1fc: {  	s29 =	simm.s32 $0x40;
	v3 =	vld [tilespmem:s28+$0x11C00]  }
.LBB2_58:
0x1fd: {  	p0 =	sne.s32 s29, $0x9C0;
	v4 =	vld [tilespmem:s28+$0x11700];
	_ =	sdelay $0x2  }
.Ltmp28:
0x1fe: {  	(pc) =	sbr.rel @p0 .LBB2_58-.Ltmp28, $4  }
0x1ff: {  	_ = 	snop  }
0x200: {  	v4 =	vadd.f32 v3, v4  }
0x201: {  	s0 =	sshra.s32 s29, $0x2  }
0x202: {  	s29 =	sadd.s32 $0x40, s29;
	v3 =	vld [tilespmem:s0+$0x11C00];
	[tilespmem:s28+$0x11700] =	vst v4;
	s28 =	smov.u32 s0  }
0x203: {  	v4 =	vld [tilespmem:s28+$0x11700];
	_ =	sdelay $0x4  }
0x204: {  	v3 =	vadd.f32 v3, v4;
	_ =	sdelay $0x1  }
0x205: {  	s0 =	rddreg [dreg:$0x1f];
	[tilespmem:s28+$0x11700] =	vst v3  }
0x206: {  	[tilespmem:s25], [sflag:$0x1] =	stream.strided.gather [spmem:s0], $0x280, s24, s23, $0x38;
	[tilespmem:$0x17180] =	vst v63  }
0x207: {  	_ =	swait.ge [sflag:s16], $0x280  }
0x208: {  	[sflag:s16] =	ssyncset.done $0x0  }
0x209: {  	s28 =	simm.s32 $0x0;
	[sflag:s16] =	ssyncadd.s32 $0xFFFFFD80  }
0x20a: {  	s29 =	simm.s32 $0x40;
	v3 =	vld [tilespmem:s28+$0x11C00]  }
.LBB2_60:
0x20b: {  	p0 =	sne.s32 s29, $0x9C0;
	v4 =	vld [tilespmem:s28+$0x11980];
	_ =	sdelay $0x2  }
.Ltmp29:
0x20c: {  	(pc) =	sbr.rel @p0 .LBB2_60-.Ltmp29, $4  }
0x20d: {  	_ = 	snop  }
0x20e: {  	v4 =	vadd.f32 v3, v4  }
0x20f: {  	s0 =	sshra.s32 s29, $0x2  }
0x210: {  	s29 =	sadd.s32 $0x40, s29;
	v3 =	vld [tilespmem:s0+$0x11C00];
	[tilespmem:s28+$0x11980] =	vst v4;
	s28 =	smov.u32 s0  }
0x211: {  	v4 =	vld [tilespmem:s28+$0x11980];
	_ =	sdelay $0x4  }
0x212: {  	s0 =	sld [smem:$0x7F9];
	v3 =	vadd.f32 v3, v4;
	_ =	sdelay $0x1  }
0x213: {  	[tilespmem:s28+$0x11980] =	vst v3  }
0x214: {  	[tilespmem:s25], [sflag:$0x1] =	stream.strided.gather [spmem:s0], $0x280, s24, s23, $0x38;
	[tilespmem:$0x17180] =	vst v63  }
0x215: {  	_ =	swait.ge [sflag:s16], $0x280  }
0x216: {  	[sflag:s16] =	ssyncset.done $0x0  }
0x217: {  	s28 =	simm.s32 $0x0;
	[sflag:s16] =	ssyncadd.s32 $0xFFFFFD80  }
0x218: {  	s29 =	simm.s32 $0x40;
	v3 =	vld [tilespmem:s28+$0x11C00]  }
.LBB2_62:
0x219: {  	p0 =	sne.s32 s29, $0x9C0;
	v4 =	vld [tilespmem:s28+$0x11700];
	_ =	sdelay $0x2  }
.Ltmp30:
0x21a: {  	(pc) =	sbr.rel @p0 .LBB2_62-.Ltmp30, $4  }
0x21b: {  	_ = 	snop  }
0x21c: {  	v4 =	vadd.f32 v3, v4  }
0x21d: {  	s0 =	sshra.s32 s29, $0x2  }
0x21e: {  	s29 =	sadd.s32 $0x40, s29;
	v3 =	vld [tilespmem:s0+$0x11C00];
	[tilespmem:s28+$0x11700] =	vst v4;
	s28 =	smov.u32 s0  }
0x21f: {  	v4 =	vld [tilespmem:s28+$0x11700];
	_ =	sdelay $0x4  }
0x220: {  	s0 =	sld [smem:$0x7FA];
	v3 =	vadd.f32 v3, v4;
	_ =	sdelay $0x1  }
0x221: {  	[tilespmem:s28+$0x11700] =	vst v3  }
0x222: {  	[tilespmem:s25], [sflag:$0x1] =	stream.strided.gather [spmem:s0], $0x280, s24, s23, $0x38;
	[tilespmem:$0x17180] =	vst v63  }
0x223: {  	_ =	swait.ge [sflag:s16], $0x280  }
0x224: {  	[sflag:s16] =	ssyncset.done $0x0  }
0x225: {  	s28 =	simm.s32 $0x0;
	[sflag:s16] =	ssyncadd.s32 $0xFFFFFD80  }
0x226: {  	s29 =	simm.s32 $0x40;
	v3 =	vld [tilespmem:s28+$0x11C00]  }
.LBB2_64:
0x227: {  	p0 =	sne.s32 s29, $0x9C0;
	v4 =	vld [tilespmem:s28+$0x11980];
	_ =	sdelay $0x2  }
.Ltmp31:
0x228: {  	(pc) =	sbr.rel @p0 .LBB2_64-.Ltmp31, $4  }
0x229: {  	_ = 	snop  }
0x22a: {  	v4 =	vadd.f32 v3, v4  }
0x22b: {  	s0 =	sshra.s32 s29, $0x2  }
0x22c: {  	s29 =	sadd.s32 $0x40, s29;
	v3 =	vld [tilespmem:s0+$0x11C00];
	[tilespmem:s28+$0x11980] =	vst v4;
	s28 =	smov.u32 s0  }
0x22d: {  	v4 =	vld [tilespmem:s28+$0x11980];
	_ =	sdelay $0x4  }
0x22e: {  	s0 =	sld [smem:$0x7FB];
	v3 =	vadd.f32 v3, v4;
	_ =	sdelay $0x1  }
0x22f: {  	[tilespmem:s28+$0x11980] =	vst v3  }
0x230: {  	[tilespmem:s25], [sflag:$0x1] =	stream.strided.gather [spmem:s0], $0x280, s24, s23, $0x38;
	[tilespmem:$0x17180] =	vst v63  }
0x231: {  	_ =	swait.ge [sflag:s16], $0x280  }
0x232: {  	[sflag:s16] =	ssyncset.done $0x0  }
0x233: {  	s28 =	simm.s32 $0x0;
	[sflag:s16] =	ssyncadd.s32 $0xFFFFFD80  }
0x234: {  	s29 =	simm.s32 $0x40;
	v3 =	vld [tilespmem:s28+$0x11C00]  }
.LBB2_66:
0x235: {  	p0 =	sne.s32 s29, $0x9C0;
	v4 =	vld [tilespmem:s28+$0x11700];
	_ =	sdelay $0x2  }
.Ltmp32:
0x236: {  	(pc) =	sbr.rel @p0 .LBB2_66-.Ltmp32, $4  }
0x237: {  	_ = 	snop  }
0x238: {  	v4 =	vadd.f32 v3, v4  }
0x239: {  	s0 =	sshra.s32 s29, $0x2  }
0x23a: {  	s29 =	sadd.s32 $0x40, s29;
	v3 =	vld [tilespmem:s0+$0x11C00];
	[tilespmem:s28+$0x11700] =	vst v4;
	s28 =	smov.u32 s0  }
0x23b: {  	v4 =	vld [tilespmem:s28+$0x11700];
	_ =	sdelay $0x4  }
0x23c: {  	s0 =	sld [smem:$0x7FC];
	v3 =	vadd.f32 v3, v4;
	_ =	sdelay $0x1  }
0x23d: {  	[tilespmem:s28+$0x11700] =	vst v3  }
0x23e: {  	[tilespmem:s25], [sflag:$0x1] =	stream.strided.gather [spmem:s0], $0x280, s24, s23, $0x38;
	[tilespmem:$0x17180] =	vst v63  }
0x23f: {  	_ =	swait.ge [sflag:s16], $0x280  }
0x240: {  	[sflag:s16] =	ssyncset.done $0x0  }
0x241: {  	s28 =	simm.s32 $0x0;
	[sflag:s16] =	ssyncadd.s32 $0xFFFFFD80  }
0x242: {  	s29 =	simm.s32 $0x40;
	v3 =	vld [tilespmem:s28+$0x11C00]  }
.LBB2_68:
0x243: {  	p0 =	sne.s32 s29, $0x9C0;
	v4 =	vld [tilespmem:s28+$0x11980];
	_ =	sdelay $0x2  }
.Ltmp33:
0x244: {  	(pc) =	sbr.rel @p0 .LBB2_68-.Ltmp33, $4  }
0x245: {  	_ = 	snop  }
0x246: {  	v4 =	vadd.f32 v3, v4  }
0x247: {  	s0 =	sshra.s32 s29, $0x2  }
0x248: {  	s29 =	sadd.s32 $0x40, s29;
	v3 =	vld [tilespmem:s0+$0x11C00];
	[tilespmem:s28+$0x11980] =	vst v4;
	s28 =	smov.u32 s0  }
0x249: {  	v4 =	vld [tilespmem:s28+$0x11980];
	_ =	sdelay $0x4  }
0x24a: {  	v3 =	vadd.f32 v3, v4;
	_ =	sdelay $0x1  }
0x24b: {  	[tilespmem:s28+$0x11980] =	vst v3  }
0x24c: {  	[tilespmem:s25], [sflag:$0x1] =	stream.strided.gather [spmem:s4], $0x280, s24, s23, $0x38;
	[tilespmem:$0x17180] =	vst v63  }
0x24d: {  	_ =	swait.ge [sflag:s16], $0x280  }
0x24e: {  	[sflag:s16] =	ssyncset.done $0x0  }
0x24f: {  	s28 =	simm.s32 $0x0;
	[sflag:s16] =	ssyncadd.s32 $0xFFFFFD80  }
0x250: {  	s29 =	simm.s32 $0x40;
	v3 =	vld [tilespmem:s28+$0x11C00]  }
.LBB2_70:
0x251: {  	p0 =	sne.s32 s29, $0x9C0;
	v4 =	vld [tilespmem:s28+$0x11700];
	_ =	sdelay $0x2  }
.Ltmp34:
0x252: {  	(pc) =	sbr.rel @p0 .LBB2_70-.Ltmp34, $4  }
0x253: {  	_ = 	snop  }
0x254: {  	v4 =	vadd.f32 v3, v4  }
0x255: {  	s0 =	sshra.s32 s29, $0x2  }
0x256: {  	s29 =	sadd.s32 $0x40, s29;
	v3 =	vld [tilespmem:s0+$0x11C00];
	[tilespmem:s28+$0x11700] =	vst v4;
	s28 =	smov.u32 s0  }
0x257: {  	v4 =	vld [tilespmem:s28+$0x11700];
	_ =	sdelay $0x4  }
0x258: {  	v3 =	vadd.f32 v3, v4;
	_ =	sdelay $0x1  }
0x259: {  	[tilespmem:s28+$0x11700] =	vst v3  }
0x25a: {  	[tilespmem:s25], [sflag:$0x1] =	stream.strided.gather [spmem:s5], $0x280, s24, s23, $0x38;
	[tilespmem:$0x17180] =	vst v63  }
0x25b: {  	_ =	swait.ge [sflag:s16], $0x280  }
0x25c: {  	[sflag:s16] =	ssyncset.done $0x0  }
0x25d: {  	s28 =	simm.s32 $0x0;
	[sflag:s16] =	ssyncadd.s32 $0xFFFFFD80  }
0x25e: {  	s29 =	simm.s32 $0x0;
	s30 =	simm.s32 $0x40;
	v3 =	vld [tilespmem:s28+$0x11C00]  }
.LBB2_72:
0x25f: {  	p0 =	sne.s32 s30, $0x9C0;
	v4 =	vld [tilespmem:s28+$0x11980];
	_ =	sdelay $0x2  }
.Ltmp35:
0x260: {  	(pc) =	sbr.rel @p0 .LBB2_72-.Ltmp35, $4  }
0x261: {  	_ = 	snop  }
0x262: {  	v4 =	vadd.f32 v3, v4  }
0x263: {  	s0 =	sshra.s32 s30, $0x2  }
0x264: {  	s30 =	sadd.s32 $0x40, s30;
	v3 =	vld [tilespmem:s0+$0x11C00];
	[tilespmem:s28+$0x11980] =	vst v4;
	s28 =	smov.u32 s0  }
0x265: {  	v4 =	vld [tilespmem:s28+$0x11980];
	_ =	sdelay $0x4  }
0x266: {  	s0 =	sadd.s32 $0x0, s3;
	v3 =	vadd.f32 v3, v4  }
0x267: {  	s1 =	sand.u32 $0x70, s29;
	s0 =	sand.u32 $0x7F80, s0  }
0x268: {  	s0 =	sor.u32 s1, s0;
	[tilespmem:s28+$0x11980] =	vst v3  }
0x269: {  	v3 =	vld [tilespmem:s0+$0x2800]  }
0x26a: {  	v4 =	vld [tilespmem:s0+$0x0];
	_ =	sdelay $0x4  }
0x26b: {  	v3 =	vadd.f32 v3, v4;
	_ =	sdelay $0x1  }
0x26c: {  	v4 =	vmul.f32 $2.000000030e-01, v3;
	_ =	sdelay $0x1  }
0x26d: {  	v3 =	vmax.f32 v3, v4  }
0x26e: {  	v3 =	vsub.f32 v3, v2;
	_ =	sdelay $0x1  }
0x26f: {  	v3 =	vmul.f32 $1.442695020e+00, v3;
	_ =	sdelay $0x1  }
0x270: {  	(erf) = vpow2.f32 v3;
	_ =	sdelay $0x3  }
0x271: {  	s29 =	simm.s32 $0x11980  }
0x272: {  	v3 =	vld [tilespmem:s29+$0x0];
	_ =	sdelay $0x3  }
0x273: {  	v4 =	vpop (erf)  }
0x274: {  	v3 =	vadd.f32 v4, v3;
	_ =	sdelay $0x1  }
0x275: {  	vm0 =	veq.f32 v3, $0.0e+00  }
0x276: {  	v3 =	vsel vm0, $0x3F800000, v3  }
0x277: {  	(erf) = vrcp.f32 v3  }
0x278: {  	v3 =	vld [tilespmem:s0+$0x5000]  }
0x279: {  	s30 =	simm.s32 $0x11700  }
0x27a: {  	v5 =	vld [tilespmem:s30+$0x0];
	_ =	sdelay $0x2  }
0x27b: {  	v3 =	vmul.f32 v4, v3;
	_ =	sdelay $0x1  }
0x27c: {  	v3 =	vadd.f32 v3, v5  }
0x27d: {  	v4 =	vpop (erf)  }
0x27e: {  	v3 =	vmul.f32 v4, v3;
	_ =	sdelay $0x1  }
0x27f: {  	s31 =	simm.s32 $0x20;
	s1 =	simm.s32 $0x10;
	s0 =	sadd.s32 $0x10, s3;
	v3 =	vadd.f32 v3, v1  }
0x280: {  	s1 =	sand.u32 $0x70, s1;
	s28 =	simm.s32 $0x11E80;
	s0 =	sand.u32 $0x7F80, s0  }
.LBB2_74:
0x281: {  	p0 =	sne.s32 s31, $0x270;
	s0 =	sor.u32 s1, s0;
	[tilespmem:s28+$0x0] =	vst v3  }
0x282: {  	v3 =	vld [tilespmem:s0+$0x2800]  }
0x283: {  	v4 =	vld [tilespmem:s0+$0x0];
	_ =	sdelay $0x4  }
0x284: {  	v3 =	vadd.f32 v3, v4;
	_ =	sdelay $0x1  }
0x285: {  	v4 =	vmul.f32 $2.000000030e-01, v3;
	_ =	sdelay $0x1  }
0x286: {  	v3 =	vmax.f32 v3, v4  }
0x287: {  	v3 =	vsub.f32 v3, v2;
	_ =	sdelay $0x1  }
0x288: {  	v3 =	vmul.f32 $1.442695020e+00, v3;
	_ =	sdelay $0x1  }
0x289: {  	(erf) = vpow2.f32 v3;
	_ =	sdelay $0x3  }
0x28a: {  	s29 =	sadd.s32 $0x10, s29  }
0x28b: {  	v3 =	vld [tilespmem:s29+$0x0];
	_ =	sdelay $0x3  }
0x28c: {  	v4 =	vpop (erf)  }
0x28d: {  	v3 =	vadd.f32 v4, v3;
	_ =	sdelay $0x1  }
0x28e: {  	vm0 =	veq.f32 v3, $0.0e+00  }
0x28f: {  	v3 =	vsel vm0, $0x3F800000, v3  }
0x290: {  	(erf) = vrcp.f32 v3  }
0x291: {  	v3 =	vld [tilespmem:s0+$0x5000]  }
0x292: {  	s30 =	sadd.s32 $0x10, s30  }
0x293: {  	v5 =	vld [tilespmem:s30+$0x0];
	_ =	sdelay $0x2  }
0x294: {  	v3 =	vmul.f32 v4, v3;
	_ =	sdelay $0x1  }
0x295: {  	v3 =	vadd.f32 v3, v5  }
.Ltmp36:
0x296: {  	v4 =	vpop (erf);
	(pc) =	sbr.rel @p0 .LBB2_74-.Ltmp36, $3  }
0x297: {  	v3 =	vmul.f32 v4, v3;
	_ =	sdelay $0x1  }
0x298: {  	s28 =	sadd.s32 $0x10, s28;
	s0 =	sadd.s32 s31, s3;
	v3 =	vadd.f32 v3, v1  }
0x299: {  	s1 =	sand.u32 $0x70, s31;
	s31 =	sadd.s32 $0x10, s31;
	s0 =	sand.u32 $0x7F80, s0  }
0x29a: {  	s0 =	sor.u32 s1, s0;
	[tilespmem:s28+$0x0] =	vst v3  }
0x29b: {  	v3 =	vld [tilespmem:s0+$0x2800]  }
0x29c: {  	v4 =	vld [tilespmem:s0+$0x0];
	_ =	sdelay $0x4  }
0x29d: {  	v3 =	vadd.f32 v3, v4;
	_ =	sdelay $0x1  }
0x29e: {  	v4 =	vmul.f32 $2.000000030e-01, v3;
	_ =	sdelay $0x1  }
0x29f: {  	v3 =	vmax.f32 v3, v4  }
0x2a0: {  	v2 =	vsub.f32 v3, v2;
	_ =	sdelay $0x1  }
0x2a1: {  	v2 =	vmul.f32 $1.442695020e+00, v2;
	_ =	sdelay $0x1  }
0x2a2: {  	(erf) = vpow2.f32 v2;
	_ =	sdelay $0x3  }
0x2a3: {  	s31 =	sadd.s32 $0x10, s29  }
0x2a4: {  	v2 =	vld [tilespmem:s31+$0x0];
	_ =	sdelay $0x3  }
0x2a5: {  	v3 =	vpop (erf)  }
0x2a6: {  	v2 =	vadd.f32 v3, v2;
	_ =	sdelay $0x1  }
0x2a7: {  	vm0 =	veq.f32 v2, $0.0e+00  }
0x2a8: {  	v2 =	vsel vm0, $0x3F800000, v2  }
0x2a9: {  	(erf) = vrcp.f32 v2  }
0x2aa: {  	v2 =	vld [tilespmem:s0+$0x5000]  }
0x2ab: {  	s29 =	sadd.s32 $0x10, s30  }
0x2ac: {  	v63 =	vld [tilespmem:s29+$0x0];
	_ =	sdelay $0x2  }
0x2ad: {  	v2 =	vmul.f32 v3, v2;
	_ =	sdelay $0x1  }
0x2ae: {  	v2 =	vadd.f32 v2, v63  }
0x2af: {  	v3 =	vpop (erf)  }
0x2b0: {  	v2 =	vmul.f32 v3, v2;
	_ =	sdelay $0x1  }
0x2b1: {  	s26 =	sadd.s32 $0x1, s26;
	v1 =	vadd.f32 v2, v1  }
0x2b2: {  	s30 =	sadd.s32 $0x10, s28;
	p0 =	sne.s32 s26, s15  }
.Ltmp37:
0x2b3: {  	s31 =	simm.s32 $0x11E80;
	[tilespmem:s30+$0x0] =	vst v1;
	(pc) =	sbr.rel @p0 .LBB2_1-.Ltmp37, $4  }
0x2b4: {  	[hbm4b:s14+s6] =	stream.linear.scatter [tilespmem:s31], [sflag:$0x1], $0x280, $0x38;
	[tilespmem:$0x17180] =	vst v63  }
0x2b5: {  	_ =	swait.ge [sflag:s16], $0x280  }
0x2b6: {  	[sflag:s16] =	ssyncset.done $0x0  }
0x2b7: {  	[sflag:s16] =	ssyncadd.s32 $0xFFFFFD80  }
0x2b8: {  	_ =	sfence.sel $0x180000  }
0x2b9: {  	[bflag:$0x0] =	sbarrier.arrive $0xFFFF  }
0x2ba: {  	_ =	strace $0x90000047  }
0x2bb: {  	s0 =	stileid.u32;
	[bflag:$0x2] =	sbarrier.arrive $0xFFFF  }
0x2bc: {  	p0 =	sne.s32 s0, $0x0;
	s0 =	rddreg [dreg:$0x4]  }
0x2bd: {  	s0 =	sadd.s32 @!p0 $0x100000, s0  }
0x2be: {  	[sflag:s0] =	ssyncadd.tile.s32 @!p0 $0x1;
	_ =	shalt  }
.Lfunc_end2:
_tile_overlayer_lowered:
.L_overlay_start_2:
0x2bf: {  	(tag) =	ssettag $0x2  }
0x2c0: {  	s0 =	rddreg [dreg:$0x0];
	s2 =	stileid.u32  }
0x2c1: {  	s1 =	rddreg [dreg:$0x1];
	p0 =	sne.s32 s2, $0x0  }
0x2c2: {  	s3 =	rddreg [dreg:$0x2];
	[bflag:$0x3] =	sbarrier.arrive $0xFFFF;
	s2 =	simm.s32 @!p0 $0x1C01  }
0x2c3: {  	[timem:s3], [sflag:s2] =	dma.local @!p0 [hbm:s0], s1  }
0x2c4: {  	s0 =	simm.s32 @!p0 $0x1  }
0x2c5: {  	_ =	swait.ge @!p0 [sflag:s0], s1  }
0x2c6: {  	s1 =	ssub.s32 @!p0 $0x0, s1;
	[sflag:s0] =	ssyncset.done @!p0 $0x0  }
0x2c7: {  	[sflag:s0] =	ssyncadd.s32 @!p0 s1  }
0x2c8: {  	[bflag:$0x3] =	sbarrier.arrive $0xFFFF  }
0x2c9: {  	_ =	shalt  }

</sc_bundles>
